<compile_context>
chip_gen: v7x
topology: tpu7x:2x2x1
jax: 0.10.2.dev20260603
libtpu: 0.0.44.dev20260713+nightly
codegen_flags: <defaults>
</compile_context>

<pallas_src>
import functools

import jax
import jax.numpy as jnp
from jax import lax
from jax.experimental import pallas as pl
from jax.experimental.pallas import tpu as pltpu
from jax.experimental.pallas import tpu_sc as plsc

B, C, H, W = 8, 96, 224, 224
BC = B * C
PH, PW = H // 2, W // 2
NR = PH * PW
NREG = BC * NR
NRP = BC * PH

NC, NS = 2, 16
NW = NC * NS
RPW = NRP // NW
K = 32
NCHUNK = RPW // K

XCH = K * 448
GCH = K * 560
OCH = K * 112

_mesh = plsc.VectorSubcoreMesh(
    core_axis_name="c", subcore_axis_name="s", num_cores=NC, num_subcores=NS
)


@functools.partial(
    pl.kernel,
    mesh=_mesh,
    out_type=(
        jax.ShapeDtypeStruct((NRP * 448,), jnp.float32),
        jax.ShapeDtypeStruct((NREG,), jnp.float32),
        jax.ShapeDtypeStruct((NREG,), jnp.int32),
    ),
    scratch_types=[
        pltpu.VMEM((XCH,), jnp.float32),
        pltpu.VMEM((XCH,), jnp.float32),
        pltpu.VMEM((GCH,), jnp.float32),
        pltpu.VMEM((GCH,), jnp.float32),
        pltpu.VMEM((XCH,), jnp.float32),
        pltpu.VMEM((XCH,), jnp.float32),
        pltpu.VMEM((OCH,), jnp.float32),
        pltpu.VMEM((OCH,), jnp.float32),
        pltpu.VMEM((OCH,), jnp.int32),
        pltpu.VMEM((OCH,), jnp.int32),
        pltpu.SemaphoreType.DMA,
        pltpu.SemaphoreType.DMA,
        pltpu.SemaphoreType.DMA,
        pltpu.SemaphoreType.DMA,
        pltpu.SemaphoreType.DMA,
        pltpu.SemaphoreType.DMA,
        pltpu.SemaphoreType.DMA,
        pltpu.SemaphoreType.DMA,
        pltpu.SemaphoreType.DMA,
        pltpu.SemaphoreType.DMA,
    ],
    compiler_params=pltpu.CompilerParams(needs_layout_passes=False),
)
def _sc_pool(
    x_hbm, g_hbm, sp_hbm, po_hbm, wi_hbm,
    x_buf0, x_buf1, g_buf0, g_buf1, sp_buf0, sp_buf1,
    po_buf0, po_buf1, wi_buf0, wi_buf1,
    sem_ix0, sem_ix1, sem_ig0, sem_ig1,
    sem_osp0, sem_osp1, sem_opo0, sem_opo1, sem_owi0, sem_owi1,
):
    wid = lax.axis_index("s") * NC + lax.axis_index("c")
    iota = lax.iota(jnp.int32, 16)
    iota2 = iota * 2
    iota5 = iota * 5

    bufs = (
        (x_buf0, g_buf0, sp_buf0, po_buf0, wi_buf0,
         sem_ix0, sem_ig0, sem_osp0, sem_opo0, sem_owi0),
        (x_buf1, g_buf1, sp_buf1, po_buf1, wi_buf1,
         sem_ix1, sem_ig1, sem_osp1, sem_opo1, sem_owi1),
    )

    def offsets(ci):
        row0 = wid * RPW + ci * K
        return row0 * 448, row0 * 560, row0 * 112

    def start_in(ci, p):
        xbase, gbase, _ = offsets(ci)
        x_buf, g_buf = bufs[p][0], bufs[p][1]
        pltpu.async_copy(x_hbm.at[pl.ds(xbase, XCH)], x_buf, bufs[p][5])
        pltpu.async_copy(g_hbm.at[pl.ds(gbase, GCH)], g_buf, bufs[p][6])

    def wait_in(ci, p):
        xbase, gbase, _ = offsets(ci)
        pltpu.make_async_copy(
            x_hbm.at[pl.ds(xbase, XCH)], bufs[p][0], bufs[p][5]
        ).wait()
        pltpu.make_async_copy(
            g_hbm.at[pl.ds(gbase, GCH)], bufs[p][1], bufs[p][6]
        ).wait()

    def start_out(ci, p):
        xbase, _, obase = offsets(ci)
        pltpu.async_copy(bufs[p][2], sp_hbm.at[pl.ds(xbase, XCH)], bufs[p][7])
        pltpu.async_copy(bufs[p][3], po_hbm.at[pl.ds(obase, OCH)], bufs[p][8])
        pltpu.async_copy(bufs[p][4], wi_hbm.at[pl.ds(obase, OCH)], bufs[p][9])

    def wait_out(ci, p):
        xbase, _, obase = offsets(ci)
        pltpu.make_async_copy(
            bufs[p][2], sp_hbm.at[pl.ds(xbase, XCH)], bufs[p][7]
        ).wait()
        pltpu.make_async_copy(
            bufs[p][3], po_hbm.at[pl.ds(obase, OCH)], bufs[p][8]
        ).wait()
        pltpu.make_async_copy(
            bufs[p][4], wi_hbm.at[pl.ds(obase, OCH)], bufs[p][9]
        ).wait()

    def compute(p):
        x_buf, g_buf, sp_buf, po_buf, wi_buf = bufs[p][:5]

        def row_body(rp, _):
            xoff = rp * 448
            goff = rp * 560
            poff = rp * 112
            for tb in range(7):
                ia = iota2 + (xoff + 32 * tb)
                ib = ia + 1
                ic = ia + 224
                idd = ia + 225
                ig = iota5 + (goff + 80 * tb)
                a = plsc.load_gather(x_buf, [ia])
                b = plsc.load_gather(x_buf, [ib])
                c = plsc.load_gather(x_buf, [ic])
                d = plsc.load_gather(x_buf, [idd])
                ga = plsc.load_gather(g_buf, [ig])
                gb = plsc.load_gather(g_buf, [ig + 1])
                gc = plsc.load_gather(g_buf, [ig + 2])
                gd = plsc.load_gather(g_buf, [ig + 3])
                gn = plsc.load_gather(g_buf, [ig + 4])
                m = jnp.maximum(
                    jnp.maximum(jnp.maximum(a, b), jnp.maximum(c, d)), 0.0
                )
                ea = jnp.exp(a - m)
                eb = jnp.exp(b - m)
                ec = jnp.exp(c - m)
                ed = jnp.exp(d - m)
                en = jnp.exp(0.0 - m)
                s4 = ea + eb + ec + ed
                den = s4 + en + 1e-8
                rinv = 1.0 / den
                epsd = 1e-8 * den
                za = (ea + epsd) * ga
                zb = (eb + epsd) * gb
                zc = (ec + epsd) * gc
                zd = (ed + epsd) * gd
                zn = (en + epsd) * gn
                zm = jnp.maximum(
                    jnp.maximum(jnp.maximum(za, zb), jnp.maximum(zc, zd)), zn
                )
                ca = za == zm
                cb = zb == zm
                cc = zc == zm
                cd = zd == zm
                widx = jnp.where(
                    ca, 0, jnp.where(cb, 1, jnp.where(cc, 2, jnp.where(cd, 3, 4)))
                ).astype(jnp.int32)
                zero = jnp.zeros((16,), jnp.float32)
                ao = jnp.where(ca, ea * rinv, zero)
                bo = jnp.where(cb, eb * rinv, zero)
                co = jnp.where(cc, ec * rinv, zero)
                do = jnp.where(cd, ed * rinv, zero)
                pooled = jnp.minimum(jnp.maximum(s4 * rinv, 0.0), 1.0)
                plsc.store_scatter(sp_buf, [ia], ao)
                plsc.store_scatter(sp_buf, [ib], bo)
                plsc.store_scatter(sp_buf, [ic], co)
                plsc.store_scatter(sp_buf, [idd], do)
                po_buf[pl.ds(poff + 16 * tb, 16)] = pooled
                wi_buf[pl.ds(poff + 16 * tb, 16)] = widx
            return 0

        lax.fori_loop(0, K, row_body, 0)

    start_in(0, 0)
    start_in(1, 1)

    def pair_body(i, _):
        c0 = 2 * i
        c1 = 2 * i + 1

        @pl.when(c0 >= 2)
        def _():
            wait_out(c0 - 2, 0)

        wait_in(c0, 0)
        compute(0)
        start_out(c0, 0)

        @pl.when(c0 + 2 < NCHUNK)
        def _():
            start_in(c0 + 2, 0)

        @pl.when(c1 >= 2)
        def _():
            wait_out(c1 - 2, 1)

        wait_in(c1, 1)
        compute(1)
        start_out(c1, 1)

        @pl.when(c1 + 2 < NCHUNK)
        def _():
            start_in(c1 + 2, 1)

        return 0

    lax.fori_loop(0, NCHUNK // 2, pair_body, 0)
    wait_out(NCHUNK - 2, 0)
    wait_out(NCHUNK - 1, 1)


_G_CACHE = None


def _gumbel_factors():
    global _G_CACHE
    if _G_CACHE is None:
        u = jax.random.uniform(
            jax.random.key(42), (NREG * 5,), dtype=jnp.float32
        )
        _G_CACHE = 1.0 / (-jnp.log(u + 1e-8) + 1e-8)
    return _G_CACHE


def kernel(hidden_activations):
    x_flat = hidden_activations.reshape(-1)
    g_flat = _gumbel_factors()
    sparse, pooled, winner = _sc_pool(x_flat, g_flat)
    sparse = sparse.reshape(B, C, H, W)
    pooled = pooled.reshape(B, C, PH, PW)
    winner = winner.reshape(B, C, PH, PW)
    return (sparse, pooled, winner)

# --- scband reference (transcript-rebuilt; emitter-appended) ---
"""Pipeline reference for scband-multinomial-max-pool2d-87608742904341 (READ-ONLY COPY).

The authoritative reference and input builder live on the scoring server;
editing this copy changes nothing except your own understanding.
"""

import jax, jax.numpy as jnp
import numpy as np


def setup_inputs(seed: int = 0) -> dict:
    key = jax.random.key(seed)
    x = jax.random.normal(key, (8, 96, 224, 224), dtype=jnp.float32)
    return {"hidden_activations": x}


def reference(hidden_activations):
    s = 2
    B, C, H, W = hidden_activations.shape
    ph, pw = H // s, W // s
    nr = ph * pw
    s2 = s * s
    # unfold into non-overlapping s x s regions: (B, C, nr, s*s)
    regions = hidden_activations.reshape(B, C, ph, s, pw, s).transpose(0, 1, 2, 4, 3, 5).reshape(B, C, nr, s2)
    no_winner = jnp.zeros((B, C, nr, 1), dtype=regions.dtype)
    regions_with_null = jnp.concatenate([regions, no_winner], axis=-1)
    max_vals = jnp.max(regions_with_null, axis=-1, keepdims=True)
    stabilized = regions_with_null - max_vals
    exp_vals = jnp.exp(stabilized)
    probs = exp_vals / (jnp.sum(exp_vals, axis=-1, keepdims=True) + 1e-08)
    probs_flat = probs.reshape(-1, s2 + 1)
    u = jax.random.uniform(jax.random.key(42), probs_flat.shape, dtype=probs_flat.dtype)
    gumbel = -jnp.log(-jnp.log(u + 1e-08) + 1e-08)
    winner_flat = jnp.argmax(jnp.log(probs_flat + 1e-08) + gumbel, axis=-1)
    winner_indices = winner_flat.reshape(B, C, ph, pw)
    # sparse probability map (HP)
    w = winner_indices.reshape(B, C, nr)
    valid = w < s2
    w_clamped = jnp.clip(w, 0, s2 - 1)
    winner_probs = jnp.take_along_axis(probs, w_clamped[..., None], axis=-1)[..., 0]
    winner_probs = jnp.where(valid, winner_probs, 0.0)
    local_h = w_clamped // s
    local_w = w_clamped % s
    r = jnp.arange(nr)
    ph_idx = (r // pw)[None, None, :]
    pw_idx = (r % pw)[None, None, :]
    gh = ph_idx * s + local_h
    gw = pw_idx * s + local_w
    b_idx = jnp.arange(B)[:, None, None]
    c_idx = jnp.arange(C)[None, :, None]
    flat_idx = ((b_idx * C + c_idx) * H + gh) * W + gw
    sparse_detection = jnp.zeros(B * C * H * W, dtype=jnp.float32).at[flat_idx.reshape(-1)].set(winner_probs.reshape(-1).astype(jnp.float32)).reshape(B, C, H, W)
    # pooled probabilities (HPc)
    prob_sums = jnp.sum(probs[:, :, :, :-1], axis=-1)
    pooled_probs = jnp.clip(prob_sums.reshape(B, C, ph, pw), 0.0, 1.0)
    return (sparse_detection, pooled_probs, winner_indices)

if __name__ == "__main__":
    import jax
    _d = setup_inputs()
    print(jax.jit(kernel)(*tuple(_d.values())))

</pallas_src>

<mosaic_0001>
#map = affine_map<(d0, d1) -> (0)>
module attributes {stable_mosaic.version = 14 : i64} {
  func.func @_sc_pool(%arg0: i32, %arg1: i32, %arg2: memref<38535168xf32, #tpu.memory_space<hbm>>, %arg3: memref<48168960xf32, #tpu.memory_space<hbm>>, %arg4: memref<38535168xf32, #tpu.memory_space<hbm>>, %arg5: memref<9633792xf32, #tpu.memory_space<hbm>>, %arg6: memref<9633792xi32, #tpu.memory_space<hbm>>, %arg7: memref<14336xf32, #tpu.memory_space<vmem>>, %arg8: memref<14336xf32, #tpu.memory_space<vmem>>, %arg9: memref<17920xf32, #tpu.memory_space<vmem>>, %arg10: memref<17920xf32, #tpu.memory_space<vmem>>, %arg11: memref<14336xf32, #tpu.memory_space<vmem>>, %arg12: memref<14336xf32, #tpu.memory_space<vmem>>, %arg13: memref<3584xf32, #tpu.memory_space<vmem>>, %arg14: memref<3584xf32, #tpu.memory_space<vmem>>, %arg15: memref<3584xi32, #tpu.memory_space<vmem>>, %arg16: memref<3584xi32, #tpu.memory_space<vmem>>, %arg17: memref<!tpu.dma_semaphore, #tpu.memory_space<semaphore_mem>>, %arg18: memref<!tpu.dma_semaphore, #tpu.memory_space<semaphore_mem>>, %arg19: memref<!tpu.dma_semaphore, #tpu.memory_space<semaphore_mem>>, %arg20: memref<!tpu.dma_semaphore, #tpu.memory_space<semaphore_mem>>, %arg21: memref<!tpu.dma_semaphore, #tpu.memory_space<semaphore_mem>>, %arg22: memref<!tpu.dma_semaphore, #tpu.memory_space<semaphore_mem>>, %arg23: memref<!tpu.dma_semaphore, #tpu.memory_space<semaphore_mem>>, %arg24: memref<!tpu.dma_semaphore, #tpu.memory_space<semaphore_mem>>, %arg25: memref<!tpu.dma_semaphore, #tpu.memory_space<semaphore_mem>>, %arg26: memref<!tpu.dma_semaphore, #tpu.memory_space<semaphore_mem>>) attributes {dimension_semantics = [#tpu.dimension_semantics<core_parallel>, #tpu.dimension_semantics<subcore_parallel>], iteration_bounds = array<i64: 2, 16>, scalar_prefetch = 0 : i64, scratch_operands = 20 : i64, tpu.core_type = #tpu.core_type<sc_vector_subcore>, window_params = [{transform_indices = #map}, {transform_indices = #map}, {transform_indices = #map}, {transform_indices = #map}, {transform_indices = #map}]} {
    %mul3A = arith.constant 2 : i32
    %mul3A_0 = arith.muli %arg1, %mul3A : i32
    %add3A = arith.addi %mul3A_0, %arg0 : i32
    %iota3A = tpu.iota {dimensions = array<i32: 0>} : vector<16xi32>
    %mul3A_1 = arith.constant 2 : i32
    %mul3A_2 = vector.broadcast %mul3A_1 : i32 to vector<16xi32>
    %mul3A_3 = arith.muli %iota3A, %mul3A_2 : vector<16xi32>
    %mul3A_4 = arith.constant 5 : i32
    %mul3A_5 = vector.broadcast %mul3A_4 : i32 to vector<16xi32>
    %mul3A_6 = arith.muli %iota3A, %mul3A_5 : vector<16xi32>
    %mul3A_7 = arith.constant 2688 : i32
    %mul3A_8 = arith.muli %add3A, %mul3A_7 : i32
    %add3A_9 = arith.constant 0 : i32
    %add3A_10 = arith.addi %mul3A_8, %add3A_9 : i32
    %mul3A_11 = arith.constant 448 : i32
    %mul3A_12 = arith.muli %add3A_10, %mul3A_11 : i32
    %mul3A_13 = arith.constant 560 : i32
    %mul3A_14 = arith.muli %add3A_10, %mul3A_13 : i32
    %mul3A_15 = arith.constant 112 : i32
    %mul3A_16 = arith.muli %add3A_10, %mul3A_15 : i32
    %dma_start3A = tpu.memref_slice %arg2[%mul3A_12] : memref<38535168xf32, #tpu.memory_space<hbm>> -> memref<14336xf32, #tpu.memory_space<hbm>>
    %dma_start3A_17 = tpu.memref_slice %arg2[%mul3A_12] : memref<38535168xf32, #tpu.memory_space<hbm>> -> memref<14336xf32, #tpu.memory_space<hbm>>
    tpu.enqueue_dma source(%dma_start3A_17 : memref<14336xf32, #tpu.memory_space<hbm>>) target(%arg7 : memref<14336xf32, #tpu.memory_space<vmem>>) target_semaphore(%arg17 : memref<!tpu.dma_semaphore, #tpu.memory_space<semaphore_mem>>)
    %dma_start3A_18 = tpu.memref_slice %arg3[%mul3A_14] : memref<48168960xf32, #tpu.memory_space<hbm>> -> memref<17920xf32, #tpu.memory_space<hbm>>
    %dma_start3A_19 = tpu.memref_slice %arg3[%mul3A_14] : memref<48168960xf32, #tpu.memory_space<hbm>> -> memref<17920xf32, #tpu.memory_space<hbm>>
    tpu.enqueue_dma source(%dma_start3A_19 : memref<17920xf32, #tpu.memory_space<hbm>>) target(%arg9 : memref<17920xf32, #tpu.memory_space<vmem>>) target_semaphore(%arg19 : memref<!tpu.dma_semaphore, #tpu.memory_space<semaphore_mem>>)
    %mul3A_20 = arith.constant 2688 : i32
    %mul3A_21 = arith.muli %add3A, %mul3A_20 : i32
    %add3A_22 = arith.constant 32 : i32
    %add3A_23 = arith.addi %mul3A_21, %add3A_22 : i32
    %mul3A_24 = arith.constant 448 : i32
    %mul3A_25 = arith.muli %add3A_23, %mul3A_24 : i32
    %mul3A_26 = arith.constant 560 : i32
    %mul3A_27 = arith.muli %add3A_23, %mul3A_26 : i32
    %mul3A_28 = arith.constant 112 : i32
    %mul3A_29 = arith.muli %add3A_23, %mul3A_28 : i32
    %dma_start3A_30 = tpu.memref_slice %arg2[%mul3A_25] : memref<38535168xf32, #tpu.memory_space<hbm>> -> memref<14336xf32, #tpu.memory_space<hbm>>
    %dma_start3A_31 = tpu.memref_slice %arg2[%mul3A_25] : memref<38535168xf32, #tpu.memory_space<hbm>> -> memref<14336xf32, #tpu.memory_space<hbm>>
    tpu.enqueue_dma source(%dma_start3A_31 : memref<14336xf32, #tpu.memory_space<hbm>>) target(%arg8 : memref<14336xf32, #tpu.memory_space<vmem>>) target_semaphore(%arg18 : memref<!tpu.dma_semaphore, #tpu.memory_space<semaphore_mem>>)
    %dma_start3A_32 = tpu.memref_slice %arg3[%mul3A_27] : memref<48168960xf32, #tpu.memory_space<hbm>> -> memref<17920xf32, #tpu.memory_space<hbm>>
    %dma_start3A_33 = tpu.memref_slice %arg3[%mul3A_27] : memref<48168960xf32, #tpu.memory_space<hbm>> -> memref<17920xf32, #tpu.memory_space<hbm>>
    tpu.enqueue_dma source(%dma_start3A_33 : memref<17920xf32, #tpu.memory_space<hbm>>) target(%arg10 : memref<17920xf32, #tpu.memory_space<vmem>>) target_semaphore(%arg20 : memref<!tpu.dma_semaphore, #tpu.memory_space<semaphore_mem>>)
    %scan3A = arith.constant 0 : i32
    %scan3A_34 = arith.constant 0 : i32
    %scan3A_35 = arith.constant 42 : i32
    %scan3A_36 = arith.addi %scan3A_34, %scan3A_35 : i32
    %scan3A_37 = arith.constant 1 : i32
    %scan3A_38 = scf.for %scan3A_71 = %scan3A_34 to %scan3A_36 step %scan3A_37 iter_args(%scan3A_72 = %scan3A) -> (i32)  : i32 {
      %mul3A_73 = arith.constant 2 : i32
      %mul3A_74 = arith.muli %mul3A_73, %scan3A_71 : i32
      %mul3A_75 = arith.constant 2 : i32
      %mul3A_76 = arith.muli %mul3A_75, %scan3A_71 : i32
      %add3A_77 = arith.constant 1 : i32
      %add3A_78 = arith.addi %mul3A_76, %add3A_77 : i32
      %ge3A = arith.constant 2 : i32
      %ge3A_79 = arith.cmpi sge, %mul3A_74, %ge3A : i32
      %convert_element_type3A = arith.extui %ge3A_79 : i1 to i32
      %cond3A = arith.constant 0 : i32
      %cond3A_80 = arith.cmpi ne, %convert_element_type3A, %cond3A : i32
      scf.if %cond3A_80 {
        %sub3A = arith.constant 2 : i32
        %sub3A_178 = arith.subi %mul3A_74, %sub3A : i32
        %mul3A_179 = arith.constant 2688 : i32
        %mul3A_180 = arith.muli %add3A, %mul3A_179 : i32
        %mul3A_181 = arith.constant 32 : i32
        %mul3A_182 = arith.muli %sub3A_178, %mul3A_181 : i32
        %add3A_183 = arith.addi %mul3A_180, %mul3A_182 : i32
        %mul3A_184 = arith.constant 448 : i32
        %mul3A_185 = arith.muli %add3A_183, %mul3A_184 : i32
        %mul3A_186 = arith.constant 560 : i32
        %mul3A_187 = arith.muli %add3A_183, %mul3A_186 : i32
        %mul3A_188 = arith.constant 112 : i32
        %mul3A_189 = arith.muli %add3A_183, %mul3A_188 : i32
        %dma_wait3A_190 = tpu.memref_slice %arg4[%mul3A_185] : memref<38535168xf32, #tpu.memory_space<hbm>> -> memref<14336xf32, #tpu.memory_space<hbm>>
        %dma_wait3A_191 = tpu.memref_slice %arg4[%mul3A_185] : memref<38535168xf32, #tpu.memory_space<hbm>> -> memref<14336xf32, #tpu.memory_space<hbm>>
        tpu.wait_dma2 semaphore(%arg21 : memref<!tpu.dma_semaphore, #tpu.memory_space<semaphore_mem>>) src(%arg11 : memref<14336xf32, #tpu.memory_space<vmem>>) dst(%dma_wait3A_191 : memref<14336xf32, #tpu.memory_space<hbm>>)
        %dma_wait3A_192 = tpu.memref_slice %arg5[%mul3A_189] : memref<9633792xf32, #tpu.memory_space<hbm>> -> memref<3584xf32, #tpu.memory_space<hbm>>
        %dma_wait3A_193 = tpu.memref_slice %arg5[%mul3A_189] : memref<9633792xf32, #tpu.memory_space<hbm>> -> memref<3584xf32, #tpu.memory_space<hbm>>
        tpu.wait_dma2 semaphore(%arg23 : memref<!tpu.dma_semaphore, #tpu.memory_space<semaphore_mem>>) src(%arg13 : memref<3584xf32, #tpu.memory_space<vmem>>) dst(%dma_wait3A_193 : memref<3584xf32, #tpu.memory_space<hbm>>)
        %dma_wait3A_194 = tpu.memref_slice %arg6[%mul3A_189] : memref<9633792xi32, #tpu.memory_space<hbm>> -> memref<3584xi32, #tpu.memory_space<hbm>>
        %dma_wait3A_195 = tpu.memref_slice %arg6[%mul3A_189] : memref<9633792xi32, #tpu.memory_space<hbm>> -> memref<3584xi32, #tpu.memory_space<hbm>>
        tpu.wait_dma2 semaphore(%arg25 : memref<!tpu.dma_semaphore, #tpu.memory_space<semaphore_mem>>) src(%arg15 : memref<3584xi32, #tpu.memory_space<vmem>>) dst(%dma_wait3A_195 : memref<3584xi32, #tpu.memory_space<hbm>>)
      } else {
      }
      %mul3A_81 = arith.constant 2688 : i32
      %mul3A_82 = arith.muli %add3A, %mul3A_81 : i32
      %mul3A_83 = arith.constant 32 : i32
      %mul3A_84 = arith.muli %mul3A_74, %mul3A_83 : i32
      %add3A_85 = arith.addi %mul3A_82, %mul3A_84 : i32
      %mul3A_86 = arith.constant 448 : i32
      %mul3A_87 = arith.muli %add3A_85, %mul3A_86 : i32
      %mul3A_88 = arith.constant 560 : i32
      %mul3A_89 = arith.muli %add3A_85, %mul3A_88 : i32
      %mul3A_90 = arith.constant 112 : i32
      %mul3A_91 = arith.muli %add3A_85, %mul3A_90 : i32
      %dma_wait3A_92 = tpu.memref_slice %arg2[%mul3A_87] : memref<38535168xf32, #tpu.memory_space<hbm>> -> memref<14336xf32, #tpu.memory_space<hbm>>
      %dma_wait3A_93 = tpu.memref_slice %arg2[%mul3A_87] : memref<38535168xf32, #tpu.memory_space<hbm>> -> memref<14336xf32, #tpu.memory_space<hbm>>
      tpu.wait_dma2 semaphore(%arg17 : memref<!tpu.dma_semaphore, #tpu.memory_space<semaphore_mem>>) src(%dma_wait3A_93 : memref<14336xf32, #tpu.memory_space<hbm>>) dst(%arg7 : memref<14336xf32, #tpu.memory_space<vmem>>)
      %dma_wait3A_94 = tpu.memref_slice %arg3[%mul3A_89] : memref<48168960xf32, #tpu.memory_space<hbm>> -> memref<17920xf32, #tpu.memory_space<hbm>>
      %dma_wait3A_95 = tpu.memref_slice %arg3[%mul3A_89] : memref<48168960xf32, #tpu.memory_space<hbm>> -> memref<17920xf32, #tpu.memory_space<hbm>>
      tpu.wait_dma2 semaphore(%arg19 : memref<!tpu.dma_semaphore, #tpu.memory_space<semaphore_mem>>) src(%dma_wait3A_95 : memref<17920xf32, #tpu.memory_space<hbm>>) dst(%arg9 : memref<17920xf32, #tpu.memory_space<vmem>>)
      %scan3A_96 = arith.constant 0 : i32
      %scan3A_97 = arith.constant 0 : i32
      %scan3A_98 = arith.constant 32 : i32
      %scan3A_99 = arith.addi %scan3A_97, %scan3A_98 : i32
      %scan3A_100 = arith.constant 1 : i32
      %scan3A_101 = scf.for %scan3A_178 = %scan3A_97 to %scan3A_99 step %scan3A_100 iter_args(%scan3A_179 = %scan3A_96) -> (i32)  : i32 {
        %mul3A_180 = arith.constant 448 : i32
        %mul3A_181 = arith.muli %scan3A_178, %mul3A_180 : i32
        %mul3A_182 = arith.constant 560 : i32
        %mul3A_183 = arith.muli %scan3A_178, %mul3A_182 : i32
        %mul3A_184 = arith.constant 112 : i32
        %mul3A_185 = arith.muli %scan3A_178, %mul3A_184 : i32
        %add3A_186 = arith.constant 0 : i32
        %add3A_187 = arith.addi %mul3A_181, %add3A_186 : i32
        %add3A_188 = vector.broadcast %add3A_187 : i32 to vector<16xi32>
        %add3A_189 = arith.addi %mul3A_3, %add3A_188 : vector<16xi32>
        %add3A_190 = arith.constant 1 : i32
        %add3A_191 = vector.broadcast %add3A_190 : i32 to vector<16xi32>
        %add3A_192 = arith.addi %add3A_189, %add3A_191 : vector<16xi32>
        %add3A_193 = arith.constant 224 : i32
        %add3A_194 = vector.broadcast %add3A_193 : i32 to vector<16xi32>
        %add3A_195 = arith.addi %add3A_189, %add3A_194 : vector<16xi32>
        %add3A_196 = arith.constant 225 : i32
        %add3A_197 = vector.broadcast %add3A_196 : i32 to vector<16xi32>
        %add3A_198 = arith.addi %add3A_189, %add3A_197 : vector<16xi32>
        %add3A_199 = arith.constant 0 : i32
        %add3A_200 = arith.addi %mul3A_183, %add3A_199 : i32
        %add3A_201 = vector.broadcast %add3A_200 : i32 to vector<16xi32>
        %add3A_202 = arith.addi %mul3A_6, %add3A_201 : vector<16xi32>
        %gather3A = tpu.vector_load_idx %arg7[%add3A_189] : memref<14336xf32, #tpu.memory_space<vmem>>[vector<16xi32>], vector<16xf32>,
        %gather3A_203 = tpu.vector_load_idx %arg7[%add3A_192] : memref<14336xf32, #tpu.memory_space<vmem>>[vector<16xi32>], vector<16xf32>,
        %gather3A_204 = tpu.vector_load_idx %arg7[%add3A_195] : memref<14336xf32, #tpu.memory_space<vmem>>[vector<16xi32>], vector<16xf32>,
        %gather3A_205 = tpu.vector_load_idx %arg7[%add3A_198] : memref<14336xf32, #tpu.memory_space<vmem>>[vector<16xi32>], vector<16xf32>,
        %gather3A_206 = tpu.vector_load_idx %arg9[%add3A_202] : memref<17920xf32, #tpu.memory_space<vmem>>[vector<16xi32>], vector<16xf32>,
        %add3A_207 = arith.constant 1 : i32
        %add3A_208 = vector.broadcast %add3A_207 : i32 to vector<16xi32>
        %add3A_209 = arith.addi %add3A_202, %add3A_208 : vector<16xi32>
        %gather3A_210 = tpu.vector_load_idx %arg9[%add3A_209] : memref<17920xf32, #tpu.memory_space<vmem>>[vector<16xi32>], vector<16xf32>,
        %add3A_211 = arith.constant 2 : i32
        %add3A_212 = vector.broadcast %add3A_211 : i32 to vector<16xi32>
        %add3A_213 = arith.addi %add3A_202, %add3A_212 : vector<16xi32>
        %gather3A_214 = tpu.vector_load_idx %arg9[%add3A_213] : memref<17920xf32, #tpu.memory_space<vmem>>[vector<16xi32>], vector<16xf32>,
        %add3A_215 = arith.constant 3 : i32
        %add3A_216 = vector.broadcast %add3A_215 : i32 to vector<16xi32>
        %add3A_217 = arith.addi %add3A_202, %add3A_216 : vector<16xi32>
        %gather3A_218 = tpu.vector_load_idx %arg9[%add3A_217] : memref<17920xf32, #tpu.memory_space<vmem>>[vector<16xi32>], vector<16xf32>,
        %add3A_219 = arith.constant 4 : i32
        %add3A_220 = vector.broadcast %add3A_219 : i32 to vector<16xi32>
        %add3A_221 = arith.addi %add3A_202, %add3A_220 : vector<16xi32>
        %gather3A_222 = tpu.vector_load_idx %arg9[%add3A_221] : memref<17920xf32, #tpu.memory_space<vmem>>[vector<16xi32>], vector<16xf32>,
        %max3A = arith.maximumf %gather3A, %gather3A_203 : vector<16xf32>
        %max3A_223 = arith.maximumf %gather3A_204, %gather3A_205 : vector<16xf32>
        %max3A_224 = arith.maximumf %max3A, %max3A_223 : vector<16xf32>
        %max3A_225 = arith.constant 0.000000e+00 : f32
        %max3A_226 = vector.broadcast %max3A_225 : f32 to vector<16xf32>
        %max3A_227 = arith.maximumf %max3A_224, %max3A_226 : vector<16xf32>
        %sub3A = arith.subf %gather3A, %max3A_227 : vector<16xf32>
        %exp3A = math.exp %sub3A : vector<16xf32>
        %sub3A_228 = arith.subf %gather3A_203, %max3A_227 : vector<16xf32>
        %exp3A_229 = math.exp %sub3A_228 : vector<16xf32>
        %sub3A_230 = arith.subf %gather3A_204, %max3A_227 : vector<16xf32>
        %exp3A_231 = math.exp %sub3A_230 : vector<16xf32>
        %sub3A_232 = arith.subf %gather3A_205, %max3A_227 : vector<16xf32>
        %exp3A_233 = math.exp %sub3A_232 : vector<16xf32>
        %sub3A_234 = arith.constant 0.000000e+00 : f32
        %sub3A_235 = vector.broadcast %sub3A_234 : f32 to vector<16xf32>
        %sub3A_236 = arith.subf %sub3A_235, %max3A_227 : vector<16xf32>
        %exp3A_237 = math.exp %sub3A_236 : vector<16xf32>
        %add3A_238 = arith.addf %exp3A, %exp3A_229 : vector<16xf32>
        %add3A_239 = arith.addf %add3A_238, %exp3A_231 : vector<16xf32>
        %add3A_240 = arith.addf %add3A_239, %exp3A_233 : vector<16xf32>
        %add3A_241 = arith.addf %add3A_240, %exp3A_237 : vector<16xf32>
        %add3A_242 = arith.constant 9.99999993E-9 : f32
        %add3A_243 = vector.broadcast %add3A_242 : f32 to vector<16xf32>
        %add3A_244 = arith.addf %add3A_241, %add3A_243 : vector<16xf32>
        %div3A = arith.constant 1.000000e+00 : f32
        %div3A_245 = vector.broadcast %div3A : f32 to vector<16xf32>
        %div3A_246 = arith.divf %div3A_245, %add3A_244 : vector<16xf32>
        %mul3A_247 = arith.constant 9.99999993E-9 : f32
        %mul3A_248 = vector.broadcast %mul3A_247 : f32 to vector<16xf32>
        %mul3A_249 = arith.mulf %mul3A_248, %add3A_244 : vector<16xf32>
        %add3A_250 = arith.addf %exp3A, %mul3A_249 : vector<16xf32>
        %mul3A_251 = arith.mulf %add3A_250, %gather3A_206 : vector<16xf32>
        %add3A_252 = arith.addf %exp3A_229, %mul3A_249 : vector<16xf32>
        %mul3A_253 = arith.mulf %add3A_252, %gather3A_210 : vector<16xf32>
        %add3A_254 = arith.addf %exp3A_231, %mul3A_249 : vector<16xf32>
        %mul3A_255 = arith.mulf %add3A_254, %gather3A_214 : vector<16xf32>
        %add3A_256 = arith.addf %exp3A_233, %mul3A_249 : vector<16xf32>
        %mul3A_257 = arith.mulf %add3A_256, %gather3A_218 : vector<16xf32>
        %add3A_258 = arith.addf %exp3A_237, %mul3A_249 : vector<16xf32>
        %mul3A_259 = arith.mulf %add3A_258, %gather3A_222 : vector<16xf32>
        %max3A_260 = arith.maximumf %mul3A_251, %mul3A_253 : vector<16xf32>
        %max3A_261 = arith.maximumf %mul3A_255, %mul3A_257 : vector<16xf32>
        %max3A_262 = arith.maximumf %max3A_260, %max3A_261 : vector<16xf32>
        %max3A_263 = arith.maximumf %max3A_262, %mul3A_259 : vector<16xf32>
        %eq3A = arith.cmpf oeq, %mul3A_251, %max3A_263 : vector<16xf32>
        %eq3A_264 = arith.cmpf oeq, %mul3A_253, %max3A_263 : vector<16xf32>
        %eq3A_265 = arith.cmpf oeq, %mul3A_255, %max3A_263 : vector<16xf32>
        %eq3A_266 = arith.cmpf oeq, %mul3A_257, %max3A_263 : vector<16xf32>
        %jit3A = arith.constant 3 : i32
        %jit3A_267 = arith.constant 4 : i32
        %broadcast_in_dim3A = vector.broadcast %jit3A : i32 to vector<16xi32>
        %broadcast_in_dim3A_268 = vector.broadcast %jit3A_267 : i32 to vector<16xi32>
        %select_n3A = arith.select %eq3A_266, %broadcast_in_dim3A, %broadcast_in_dim3A_268 : vector<16xi1>, vector<16xi32>
        %jit3A_269 = arith.constant 2 : i32
        %broadcast_in_dim3A_270 = vector.broadcast %jit3A_269 : i32 to vector<16xi32>
        %select_n3A_271 = arith.select %eq3A_265, %broadcast_in_dim3A_270, %select_n3A : vector<16xi1>, vector<16xi32>
        %jit3A_272 = arith.constant 1 : i32
        %broadcast_in_dim3A_273 = vector.broadcast %jit3A_272 : i32 to vector<16xi32>
        %select_n3A_274 = arith.select %eq3A_264, %broadcast_in_dim3A_273, %select_n3A_271 : vector<16xi1>, vector<16xi32>
        %jit3A_275 = arith.constant 0 : i32
        %broadcast_in_dim3A_276 = vector.broadcast %jit3A_275 : i32 to vector<16xi32>
        %select_n3A_277 = arith.select %eq3A, %broadcast_in_dim3A_276, %select_n3A_274 : vector<16xi1>, vector<16xi32>
        %broadcast_in_dim3A_278 = arith.constant 0.000000e+00 : f32
        %broadcast_in_dim3A_279 = vector.broadcast %broadcast_in_dim3A_278 : f32 to vector<16xf32>
        %mul3A_280 = arith.mulf %exp3A, %div3A_246 : vector<16xf32>
        %select_n3A_281 = arith.select %eq3A, %mul3A_280, %broadcast_in_dim3A_279 : vector<16xi1>, vector<16xf32>
        %mul3A_282 = arith.mulf %exp3A_229, %div3A_246 : vector<16xf32>
        %select_n3A_283 = arith.select %eq3A_264, %mul3A_282, %broadcast_in_dim3A_279 : vector<16xi1>, vector<16xf32>
        %mul3A_284 = arith.mulf %exp3A_231, %div3A_246 : vector<16xf32>
        %select_n3A_285 = arith.select %eq3A_265, %mul3A_284, %broadcast_in_dim3A_279 : vector<16xi1>, vector<16xf32>
        %mul3A_286 = arith.mulf %exp3A_233, %div3A_246 : vector<16xf32>
        %select_n3A_287 = arith.select %eq3A_266, %mul3A_286, %broadcast_in_dim3A_279 : vector<16xi1>, vector<16xf32>
        %mul3A_288 = arith.mulf %add3A_240, %div3A_246 : vector<16xf32>
        %max3A_289 = arith.constant 0.000000e+00 : f32
        %max3A_290 = vector.broadcast %max3A_289 : f32 to vector<16xf32>
        %max3A_291 = arith.maximumf %mul3A_288, %max3A_290 : vector<16xf32>
        %min3A = arith.constant 1.000000e+00 : f32
        %min3A_292 = vector.broadcast %min3A : f32 to vector<16xf32>
        %min3A_293 = arith.minimumf %max3A_291, %min3A_292 : vector<16xf32>
        tpu.vector_store_idx %arg11[%add3A_189], %select_n3A_281 : memref<14336xf32, #tpu.memory_space<vmem>>[vector<16xi32>], vector<16xf32>,
        tpu.vector_store_idx %arg11[%add3A_192], %select_n3A_283 : memref<14336xf32, #tpu.memory_space<vmem>>[vector<16xi32>], vector<16xf32>,
        tpu.vector_store_idx %arg11[%add3A_195], %select_n3A_285 : memref<14336xf32, #tpu.memory_space<vmem>>[vector<16xi32>], vector<16xf32>,
        tpu.vector_store_idx %arg11[%add3A_198], %select_n3A_287 : memref<14336xf32, #tpu.memory_space<vmem>>[vector<16xi32>], vector<16xf32>,
        %add3A_294 = arith.constant 0 : i32
        %add3A_295 = arith.addi %mul3A_185, %add3A_294 : i32
        %swap3A = arith.index_cast %add3A_295 : i32 to index
        %swap3A_296 = tpu.vector_load %arg13[%swap3A] {strides = array<i32>} : memref<3584xf32, #tpu.memory_space<vmem>>, vector<16xf32>,
        tpu.vector_store %arg13[%swap3A], %min3A_293 {strides = array<i32>} : memref<3584xf32, #tpu.memory_space<vmem>>, vector<16xf32>,
        %add3A_297 = arith.constant 0 : i32
        %add3A_298 = arith.addi %mul3A_185, %add3A_297 : i32
        %swap3A_299 = arith.index_cast %add3A_298 : i32 to index
        %swap3A_300 = tpu.vector_load %arg15[%swap3A_299] {strides = array<i32>} : memref<3584xi32, #tpu.memory_space<vmem>>, vector<16xi32>,
        tpu.vector_store %arg15[%swap3A_299], %select_n3A_277 {strides = array<i32>} : memref<3584xi32, #tpu.memory_space<vmem>>, vector<16xi32>,
        %add3A_301 = arith.constant 32 : i32
        %add3A_302 = arith.addi %mul3A_181, %add3A_301 : i32
        %add3A_303 = vector.broadcast %add3A_302 : i32 to vector<16xi32>
        %add3A_304 = arith.addi %mul3A_3, %add3A_303 : vector<16xi32>
        %add3A_305 = arith.constant 1 : i32
        %add3A_306 = vector.broadcast %add3A_305 : i32 to vector<16xi32>
        %add3A_307 = arith.addi %add3A_304, %add3A_306 : vector<16xi32>
        %add3A_308 = arith.constant 224 : i32
        %add3A_309 = vector.broadcast %add3A_308 : i32 to vector<16xi32>
        %add3A_310 = arith.addi %add3A_304, %add3A_309 : vector<16xi32>
        %add3A_311 = arith.constant 225 : i32
        %add3A_312 = vector.broadcast %add3A_311 : i32 to vector<16xi32>
        %add3A_313 = arith.addi %add3A_304, %add3A_312 : vector<16xi32>
        %add3A_314 = arith.constant 80 : i32
        %add3A_315 = arith.addi %mul3A_183, %add3A_314 : i32
        %add3A_316 = vector.broadcast %add3A_315 : i32 to vector<16xi32>
        %add3A_317 = arith.addi %mul3A_6, %add3A_316 : vector<16xi32>
        %gather3A_318 = tpu.vector_load_idx %arg7[%add3A_304] : memref<14336xf32, #tpu.memory_space<vmem>>[vector<16xi32>], vector<16xf32>,
        %gather3A_319 = tpu.vector_load_idx %arg7[%add3A_307] : memref<14336xf32, #tpu.memory_space<vmem>>[vector<16xi32>], vector<16xf32>,
        %gather3A_320 = tpu.vector_load_idx %arg7[%add3A_310] : memref<14336xf32, #tpu.memory_space<vmem>>[vector<16xi32>], vector<16xf32>,
        %gather3A_321 = tpu.vector_load_idx %arg7[%add3A_313] : memref<14336xf32, #tpu.memory_space<vmem>>[vector<16xi32>], vector<16xf32>,
        %gather3A_322 = tpu.vector_load_idx %arg9[%add3A_317] : memref<17920xf32, #tpu.memory_space<vmem>>[vector<16xi32>], vector<16xf32>,
        %add3A_323 = arith.constant 1 : i32
        %add3A_324 = vector.broadcast %add3A_323 : i32 to vector<16xi32>
        %add3A_325 = arith.addi %add3A_317, %add3A_324 : vector<16xi32>
        %gather3A_326 = tpu.vector_load_idx %arg9[%add3A_325] : memref<17920xf32, #tpu.memory_space<vmem>>[vector<16xi32>], vector<16xf32>,
        %add3A_327 = arith.constant 2 : i32
        %add3A_328 = vector.broadcast %add3A_327 : i32 to vector<16xi32>
        %add3A_329 = arith.addi %add3A_317, %add3A_328 : vector<16xi32>
        %gather3A_330 = tpu.vector_load_idx %arg9[%add3A_329] : memref<17920xf32, #tpu.memory_space<vmem>>[vector<16xi32>], vector<16xf32>,
        %add3A_331 = arith.constant 3 : i32
        %add3A_332 = vector.broadcast %add3A_331 : i32 to vector<16xi32>
        %add3A_333 = arith.addi %add3A_317, %add3A_332 : vector<16xi32>
        %gather3A_334 = tpu.vector_load_idx %arg9[%add3A_333] : memref<17920xf32, #tpu.memory_space<vmem>>[vector<16xi32>], vector<16xf32>,
        %add3A_335 = arith.constant 4 : i32
        %add3A_336 = vector.broadcast %add3A_335 : i32 to vector<16xi32>
        %add3A_337 = arith.addi %add3A_317, %add3A_336 : vector<16xi32>
        %gather3A_338 = tpu.vector_load_idx %arg9[%add3A_337] : memref<17920xf32, #tpu.memory_space<vmem>>[vector<16xi32>], vector<16xf32>,
        %max3A_339 = arith.maximumf %gather3A_318, %gather3A_319 : vector<16xf32>
        %max3A_340 = arith.maximumf %gather3A_320, %gather3A_321 : vector<16xf32>
        %max3A_341 = arith.maximumf %max3A_339, %max3A_340 : vector<16xf32>
        %max3A_342 = arith.constant 0.000000e+00 : f32
        %max3A_343 = vector.broadcast %max3A_342 : f32 to vector<16xf32>
        %max3A_344 = arith.maximumf %max3A_341, %max3A_343 : vector<16xf32>
        %sub3A_345 = arith.subf %gather3A_318, %max3A_344 : vector<16xf32>
        %exp3A_346 = math.exp %sub3A_345 : vector<16xf32>
        %sub3A_347 = arith.subf %gather3A_319, %max3A_344 : vector<16xf32>
        %exp3A_348 = math.exp %sub3A_347 : vector<16xf32>
        %sub3A_349 = arith.subf %gather3A_320, %max3A_344 : vector<16xf32>
        %exp3A_350 = math.exp %sub3A_349 : vector<16xf32>
        %sub3A_351 = arith.subf %gather3A_321, %max3A_344 : vector<16xf32>
        %exp3A_352 = math.exp %sub3A_351 : vector<16xf32>
        %sub3A_353 = arith.constant 0.000000e+00 : f32
        %sub3A_354 = vector.broadcast %sub3A_353 : f32 to vector<16xf32>
        %sub3A_355 = arith.subf %sub3A_354, %max3A_344 : vector<16xf32>
        %exp3A_356 = math.exp %sub3A_355 : vector<16xf32>
        %add3A_357 = arith.addf %exp3A_346, %exp3A_348 : vector<16xf32>
        %add3A_358 = arith.addf %add3A_357, %exp3A_350 : vector<16xf32>
        %add3A_359 = arith.addf %add3A_358, %exp3A_352 : vector<16xf32>
        %add3A_360 = arith.addf %add3A_359, %exp3A_356 : vector<16xf32>
        %add3A_361 = arith.constant 9.99999993E-9 : f32
        %add3A_362 = vector.broadcast %add3A_361 : f32 to vector<16xf32>
        %add3A_363 = arith.addf %add3A_360, %add3A_362 : vector<16xf32>
        %div3A_364 = arith.constant 1.000000e+00 : f32
        %div3A_365 = vector.broadcast %div3A_364 : f32 to vector<16xf32>
        %div3A_366 = arith.divf %div3A_365, %add3A_363 : vector<16xf32>
        %mul3A_367 = arith.constant 9.99999993E-9 : f32
        %mul3A_368 = vector.broadcast %mul3A_367 : f32 to vector<16xf32>
        %mul3A_369 = arith.mulf %mul3A_368, %add3A_363 : vector<16xf32>
        %add3A_370 = arith.addf %exp3A_346, %mul3A_369 : vector<16xf32>
        %mul3A_371 = arith.mulf %add3A_370, %gather3A_322 : vector<16xf32>
        %add3A_372 = arith.addf %exp3A_348, %mul3A_369 : vector<16xf32>
        %mul3A_373 = arith.mulf %add3A_372, %gather3A_326 : vector<16xf32>
        %add3A_374 = arith.addf %exp3A_350, %mul3A_369 : vector<16xf32>
        %mul3A_375 = arith.mulf %add3A_374, %gather3A_330 : vector<16xf32>
        %add3A_376 = arith.addf %exp3A_352, %mul3A_369 : vector<16xf32>
        %mul3A_377 = arith.mulf %add3A_376, %gather3A_334 : vector<16xf32>
        %add3A_378 = arith.addf %exp3A_356, %mul3A_369 : vector<16xf32>
        %mul3A_379 = arith.mulf %add3A_378, %gather3A_338 : vector<16xf32>
        %max3A_380 = arith.maximumf %mul3A_371, %mul3A_373 : vector<16xf32>
        %max3A_381 = arith.maximumf %mul3A_375, %mul3A_377 : vector<16xf32>
        %max3A_382 = arith.maximumf %max3A_380, %max3A_381 : vector<16xf32>
        %max3A_383 = arith.maximumf %max3A_382, %mul3A_379 : vector<16xf32>
        %eq3A_384 = arith.cmpf oeq, %mul3A_371, %max3A_383 : vector<16xf32>
        %eq3A_385 = arith.cmpf oeq, %mul3A_373, %max3A_383 : vector<16xf32>
        %eq3A_386 = arith.cmpf oeq, %mul3A_375, %max3A_383 : vector<16xf32>
        %eq3A_387 = arith.cmpf oeq, %mul3A_377, %max3A_383 : vector<16xf32>
        %jit3A_388 = arith.constant 3 : i32
        %jit3A_389 = arith.constant 4 : i32
        %broadcast_in_dim3A_390 = vector.broadcast %jit3A_388 : i32 to vector<16xi32>
        %broadcast_in_dim3A_391 = vector.broadcast %jit3A_389 : i32 to vector<16xi32>
        %select_n3A_392 = arith.select %eq3A_387, %broadcast_in_dim3A_390, %broadcast_in_dim3A_391 : vector<16xi1>, vector<16xi32>
        %jit3A_393 = arith.constant 2 : i32
        %broadcast_in_dim3A_394 = vector.broadcast %jit3A_393 : i32 to vector<16xi32>
        %select_n3A_395 = arith.select %eq3A_386, %broadcast_in_dim3A_394, %select_n3A_392 : vector<16xi1>, vector<16xi32>
        %jit3A_396 = arith.constant 1 : i32
        %broadcast_in_dim3A_397 = vector.broadcast %jit3A_396 : i32 to vector<16xi32>
        %select_n3A_398 = arith.select %eq3A_385, %broadcast_in_dim3A_397, %select_n3A_395 : vector<16xi1>, vector<16xi32>
        %jit3A_399 = arith.constant 0 : i32
        %broadcast_in_dim3A_400 = vector.broadcast %jit3A_399 : i32 to vector<16xi32>
        %select_n3A_401 = arith.select %eq3A_384, %broadcast_in_dim3A_400, %select_n3A_398 : vector<16xi1>, vector<16xi32>
        %broadcast_in_dim3A_402 = arith.constant 0.000000e+00 : f32
        %broadcast_in_dim3A_403 = vector.broadcast %broadcast_in_dim3A_402 : f32 to vector<16xf32>
        %mul3A_404 = arith.mulf %exp3A_346, %div3A_366 : vector<16xf32>
        %select_n3A_405 = arith.select %eq3A_384, %mul3A_404, %broadcast_in_dim3A_403 : vector<16xi1>, vector<16xf32>
        %mul3A_406 = arith.mulf %exp3A_348, %div3A_366 : vector<16xf32>
        %select_n3A_407 = arith.select %eq3A_385, %mul3A_406, %broadcast_in_dim3A_403 : vector<16xi1>, vector<16xf32>
        %mul3A_408 = arith.mulf %exp3A_350, %div3A_366 : vector<16xf32>
        %select_n3A_409 = arith.select %eq3A_386, %mul3A_408, %broadcast_in_dim3A_403 : vector<16xi1>, vector<16xf32>
        %mul3A_410 = arith.mulf %exp3A_352, %div3A_366 : vector<16xf32>
        %select_n3A_411 = arith.select %eq3A_387, %mul3A_410, %broadcast_in_dim3A_403 : vector<16xi1>, vector<16xf32>
        %mul3A_412 = arith.mulf %add3A_359, %div3A_366 : vector<16xf32>
        %max3A_413 = arith.constant 0.000000e+00 : f32
        %max3A_414 = vector.broadcast %max3A_413 : f32 to vector<16xf32>
        %max3A_415 = arith.maximumf %mul3A_412, %max3A_414 : vector<16xf32>
        %min3A_416 = arith.constant 1.000000e+00 : f32
        %min3A_417 = vector.broadcast %min3A_416 : f32 to vector<16xf32>
        %min3A_418 = arith.minimumf %max3A_415, %min3A_417 : vector<16xf32>
        tpu.vector_store_idx %arg11[%add3A_304], %select_n3A_405 : memref<14336xf32, #tpu.memory_space<vmem>>[vector<16xi32>], vector<16xf32>,
        tpu.vector_store_idx %arg11[%add3A_307], %select_n3A_407 : memref<14336xf32, #tpu.memory_space<vmem>>[vector<16xi32>], vector<16xf32>,
        tpu.vector_store_idx %arg11[%add3A_310], %select_n3A_409 : memref<14336xf32, #tpu.memory_space<vmem>>[vector<16xi32>], vector<16xf32>,
        tpu.vector_store_idx %arg11[%add3A_313], %select_n3A_411 : memref<14336xf32, #tpu.memory_space<vmem>>[vector<16xi32>], vector<16xf32>,
        %add3A_419 = arith.constant 16 : i32
        %add3A_420 = arith.addi %mul3A_185, %add3A_419 : i32
        %swap3A_421 = arith.index_cast %add3A_420 : i32 to index
        %swap3A_422 = tpu.vector_load %arg13[%swap3A_421] {strides = array<i32>} : memref<3584xf32, #tpu.memory_space<vmem>>, vector<16xf32>,
        tpu.vector_store %arg13[%swap3A_421], %min3A_418 {strides = array<i32>} : memref<3584xf32, #tpu.memory_space<vmem>>, vector<16xf32>,
        %add3A_423 = arith.constant 16 : i32
        %add3A_424 = arith.addi %mul3A_185, %add3A_423 : i32
        %swap3A_425 = arith.index_cast %add3A_424 : i32 to index
        %swap3A_426 = tpu.vector_load %arg15[%swap3A_425] {strides = array<i32>} : memref<3584xi32, #tpu.memory_space<vmem>>, vector<16xi32>,
        tpu.vector_store %arg15[%swap3A_425], %select_n3A_401 {strides = array<i32>} : memref<3584xi32, #tpu.memory_space<vmem>>, vector<16xi32>,
        %add3A_427 = arith.constant 64 : i32
        %add3A_428 = arith.addi %mul3A_181, %add3A_427 : i32
        %add3A_429 = vector.broadcast %add3A_428 : i32 to vector<16xi32>
        %add3A_430 = arith.addi %mul3A_3, %add3A_429 : vector<16xi32>
        %add3A_431 = arith.constant 1 : i32
        %add3A_432 = vector.broadcast %add3A_431 : i32 to vector<16xi32>
        %add3A_433 = arith.addi %add3A_430, %add3A_432 : vector<16xi32>
        %add3A_434 = arith.constant 224 : i32
        %add3A_435 = vector.broadcast %add3A_434 : i32 to vector<16xi32>
        %add3A_436 = arith.addi %add3A_430, %add3A_435 : vector<16xi32>
        %add3A_437 = arith.constant 225 : i32
        %add3A_438 = vector.broadcast %add3A_437 : i32 to vector<16xi32>
        %add3A_439 = arith.addi %add3A_430, %add3A_438 : vector<16xi32>
        %add3A_440 = arith.constant 160 : i32
        %add3A_441 = arith.addi %mul3A_183, %add3A_440 : i32
        %add3A_442 = vector.broadcast %add3A_441 : i32 to vector<16xi32>
        %add3A_443 = arith.addi %mul3A_6, %add3A_442 : vector<16xi32>
        %gather3A_444 = tpu.vector_load_idx %arg7[%add3A_430] : memref<14336xf32, #tpu.memory_space<vmem>>[vector<16xi32>], vector<16xf32>,
        %gather3A_445 = tpu.vector_load_idx %arg7[%add3A_433] : memref<14336xf32, #tpu.memory_space<vmem>>[vector<16xi32>], vector<16xf32>,
        %gather3A_446 = tpu.vector_load_idx %arg7[%add3A_436] : memref<14336xf32, #tpu.memory_space<vmem>>[vector<16xi32>], vector<16xf32>,
        %gather3A_447 = tpu.vector_load_idx %arg7[%add3A_439] : memref<14336xf32, #tpu.memory_space<vmem>>[vector<16xi32>], vector<16xf32>,
        %gather3A_448 = tpu.vector_load_idx %arg9[%add3A_443] : memref<17920xf32, #tpu.memory_space<vmem>>[vector<16xi32>], vector<16xf32>,
        %add3A_449 = arith.constant 1 : i32
        %add3A_450 = vector.broadcast %add3A_449 : i32 to vector<16xi32>
        %add3A_451 = arith.addi %add3A_443, %add3A_450 : vector<16xi32>
        %gather3A_452 = tpu.vector_load_idx %arg9[%add3A_451] : memref<17920xf32, #tpu.memory_space<vmem>>[vector<16xi32>], vector<16xf32>,
        %add3A_453 = arith.constant 2 : i32
        %add3A_454 = vector.broadcast %add3A_453 : i32 to vector<16xi32>
        %add3A_455 = arith.addi %add3A_443, %add3A_454 : vector<16xi32>
        %gather3A_456 = tpu.vector_load_idx %arg9[%add3A_455] : memref<17920xf32, #tpu.memory_space<vmem>>[vector<16xi32>], vector<16xf32>,
        %add3A_457 = arith.constant 3 : i32
        %add3A_458 = vector.broadcast %add3A_457 : i32 to vector<16xi32>
        %add3A_459 = arith.addi %add3A_443, %add3A_458 : vector<16xi32>
        %gather3A_460 = tpu.vector_load_idx %arg9[%add3A_459] : memref<17920xf32, #tpu.memory_space<vmem>>[vector<16xi32>], vector<16xf32>,
        %add3A_461 = arith.constant 4 : i32
        %add3A_462 = vector.broadcast %add3A_461 : i32 to vector<16xi32>
        %add3A_463 = arith.addi %add3A_443, %add3A_462 : vector<16xi32>
        %gather3A_464 = tpu.vector_load_idx %arg9[%add3A_463] : memref<17920xf32, #tpu.memory_space<vmem>>[vector<16xi32>], vector<16xf32>,
        %max3A_465 = arith.maximumf %gather3A_444, %gather3A_445 : vector<16xf32>
        %max3A_466 = arith.maximumf %gather3A_446, %gather3A_447 : vector<16xf32>
        %max3A_467 = arith.maximumf %max3A_465, %max3A_466 : vector<16xf32>
        %max3A_468 = arith.constant 0.000000e+00 : f32
        %max3A_469 = vector.broadcast %max3A_468 : f32 to vector<16xf32>
        %max3A_470 = arith.maximumf %max3A_467, %max3A_469 : vector<16xf32>
        %sub3A_471 = arith.subf %gather3A_444, %max3A_470 : vector<16xf32>
        %exp3A_472 = math.exp %sub3A_471 : vector<16xf32>
        %sub3A_473 = arith.subf %gather3A_445, %max3A_470 : vector<16xf32>
        %exp3A_474 = math.exp %sub3A_473 : vector<16xf32>
        %sub3A_475 = arith.subf %gather3A_446, %max3A_470 : vector<16xf32>
        %exp3A_476 = math.exp %sub3A_475 : vector<16xf32>
        %sub3A_477 = arith.subf %gather3A_447, %max3A_470 : vector<16xf32>
        %exp3A_478 = math.exp %sub3A_477 : vector<16xf32>
        %sub3A_479 = arith.constant 0.000000e+00 : f32
        %sub3A_480 = vector.broadcast %sub3A_479 : f32 to vector<16xf32>
        %sub3A_481 = arith.subf %sub3A_480, %max3A_470 : vector<16xf32>
        %exp3A_482 = math.exp %sub3A_481 : vector<16xf32>
        %add3A_483 = arith.addf %exp3A_472, %exp3A_474 : vector<16xf32>
        %add3A_484 = arith.addf %add3A_483, %exp3A_476 : vector<16xf32>
        %add3A_485 = arith.addf %add3A_484, %exp3A_478 : vector<16xf32>
        %add3A_486 = arith.addf %add3A_485, %exp3A_482 : vector<16xf32>
        %add3A_487 = arith.constant 9.99999993E-9 : f32
        %add3A_488 = vector.broadcast %add3A_487 : f32 to vector<16xf32>
        %add3A_489 = arith.addf %add3A_486, %add3A_488 : vector<16xf32>
        %div3A_490 = arith.constant 1.000000e+00 : f32
        %div3A_491 = vector.broadcast %div3A_490 : f32 to vector<16xf32>
        %div3A_492 = arith.divf %div3A_491, %add3A_489 : vector<16xf32>
        %mul3A_493 = arith.constant 9.99999993E-9 : f32
        %mul3A_494 = vector.broadcast %mul3A_493 : f32 to vector<16xf32>
        %mul3A_495 = arith.mulf %mul3A_494, %add3A_489 : vector<16xf32>
        %add3A_496 = arith.addf %exp3A_472, %mul3A_495 : vector<16xf32>
        %mul3A_497 = arith.mulf %add3A_496, %gather3A_448 : vector<16xf32>
        %add3A_498 = arith.addf %exp3A_474, %mul3A_495 : vector<16xf32>
        %mul3A_499 = arith.mulf %add3A_498, %gather3A_452 : vector<16xf32>
        %add3A_500 = arith.addf %exp3A_476, %mul3A_495 : vector<16xf32>
        %mul3A_501 = arith.mulf %add3A_500, %gather3A_456 : vector<16xf32>
        %add3A_502 = arith.addf %exp3A_478, %mul3A_495 : vector<16xf32>
        %mul3A_503 = arith.mulf %add3A_502, %gather3A_460 : vector<16xf32>
        %add3A_504 = arith.addf %exp3A_482, %mul3A_495 : vector<16xf32>
        %mul3A_505 = arith.mulf %add3A_504, %gather3A_464 : vector<16xf32>
        %max3A_506 = arith.maximumf %mul3A_497, %mul3A_499 : vector<16xf32>
        %max3A_507 = arith.maximumf %mul3A_501, %mul3A_503 : vector<16xf32>
        %max3A_508 = arith.maximumf %max3A_506, %max3A_507 : vector<16xf32>
        %max3A_509 = arith.maximumf %max3A_508, %mul3A_505 : vector<16xf32>
        %eq3A_510 = arith.cmpf oeq, %mul3A_497, %max3A_509 : vector<16xf32>
        %eq3A_511 = arith.cmpf oeq, %mul3A_499, %max3A_509 : vector<16xf32>
        %eq3A_512 = arith.cmpf oeq, %mul3A_501, %max3A_509 : vector<16xf32>
        %eq3A_513 = arith.cmpf oeq, %mul3A_503, %max3A_509 : vector<16xf32>
        %jit3A_514 = arith.constant 3 : i32
        %jit3A_515 = arith.constant 4 : i32
        %broadcast_in_dim3A_516 = vector.broadcast %jit3A_514 : i32 to vector<16xi32>
        %broadcast_in_dim3A_517 = vector.broadcast %jit3A_515 : i32 to vector<16xi32>
        %select_n3A_518 = arith.select %eq3A_513, %broadcast_in_dim3A_516, %broadcast_in_dim3A_517 : vector<16xi1>, vector<16xi32>
        %jit3A_519 = arith.constant 2 : i32
        %broadcast_in_dim3A_520 = vector.broadcast %jit3A_519 : i32 to vector<16xi32>
        %select_n3A_521 = arith.select %eq3A_512, %broadcast_in_dim3A_520, %select_n3A_518 : vector<16xi1>, vector<16xi32>
        %jit3A_522 = arith.constant 1 : i32
        %broadcast_in_dim3A_523 = vector.broadcast %jit3A_522 : i32 to vector<16xi32>
        %select_n3A_524 = arith.select %eq3A_511, %broadcast_in_dim3A_523, %select_n3A_521 : vector<16xi1>, vector<16xi32>
        %jit3A_525 = arith.constant 0 : i32
        %broadcast_in_dim3A_526 = vector.broadcast %jit3A_525 : i32 to vector<16xi32>
        %select_n3A_527 = arith.select %eq3A_510, %broadcast_in_dim3A_526, %select_n3A_524 : vector<16xi1>, vector<16xi32>
        %broadcast_in_dim3A_528 = arith.constant 0.000000e+00 : f32
        %broadcast_in_dim3A_529 = vector.broadcast %broadcast_in_dim3A_528 : f32 to vector<16xf32>
        %mul3A_530 = arith.mulf %exp3A_472, %div3A_492 : vector<16xf32>
        %select_n3A_531 = arith.select %eq3A_510, %mul3A_530, %broadcast_in_dim3A_529 : vector<16xi1>, vector<16xf32>
        %mul3A_532 = arith.mulf %exp3A_474, %div3A_492 : vector<16xf32>
        %select_n3A_533 = arith.select %eq3A_511, %mul3A_532, %broadcast_in_dim3A_529 : vector<16xi1>, vector<16xf32>
        %mul3A_534 = arith.mulf %exp3A_476, %div3A_492 : vector<16xf32>
        %select_n3A_535 = arith.select %eq3A_512, %mul3A_534, %broadcast_in_dim3A_529 : vector<16xi1>, vector<16xf32>
        %mul3A_536 = arith.mulf %exp3A_478, %div3A_492 : vector<16xf32>
        %select_n3A_537 = arith.select %eq3A_513, %mul3A_536, %broadcast_in_dim3A_529 : vector<16xi1>, vector<16xf32>
        %mul3A_538 = arith.mulf %add3A_485, %div3A_492 : vector<16xf32>
        %max3A_539 = arith.constant 0.000000e+00 : f32
        %max3A_540 = vector.broadcast %max3A_539 : f32 to vector<16xf32>
        %max3A_541 = arith.maximumf %mul3A_538, %max3A_540 : vector<16xf32>
        %min3A_542 = arith.constant 1.000000e+00 : f32
        %min3A_543 = vector.broadcast %min3A_542 : f32 to vector<16xf32>
        %min3A_544 = arith.minimumf %max3A_541, %min3A_543 : vector<16xf32>
        tpu.vector_store_idx %arg11[%add3A_430], %select_n3A_531 : memref<14336xf32, #tpu.memory_space<vmem>>[vector<16xi32>], vector<16xf32>,
        tpu.vector_store_idx %arg11[%add3A_433], %select_n3A_533 : memref<14336xf32, #tpu.memory_space<vmem>>[vector<16xi32>], vector<16xf32>,
        tpu.vector_store_idx %arg11[%add3A_436], %select_n3A_535 : memref<14336xf32, #tpu.memory_space<vmem>>[vector<16xi32>], vector<16xf32>,
        tpu.vector_store_idx %arg11[%add3A_439], %select_n3A_537 : memref<14336xf32, #tpu.memory_space<vmem>>[vector<16xi32>], vector<16xf32>,
        %add3A_545 = arith.constant 32 : i32
        %add3A_546 = arith.addi %mul3A_185, %add3A_545 : i32
        %swap3A_547 = arith.index_cast %add3A_546 : i32 to index
        %swap3A_548 = tpu.vector_load %arg13[%swap3A_547] {strides = array<i32>} : memref<3584xf32, #tpu.memory_space<vmem>>, vector<16xf32>,
        tpu.vector_store %arg13[%swap3A_547], %min3A_544 {strides = array<i32>} : memref<3584xf32, #tpu.memory_space<vmem>>, vector<16xf32>,
        %add3A_549 = arith.constant 32 : i32
        %add3A_550 = arith.addi %mul3A_185, %add3A_549 : i32
        %swap3A_551 = arith.index_cast %add3A_550 : i32 to index
        %swap3A_552 = tpu.vector_load %arg15[%swap3A_551] {strides = array<i32>} : memref<3584xi32, #tpu.memory_space<vmem>>, vector<16xi32>,
        tpu.vector_store %arg15[%swap3A_551], %select_n3A_527 {strides = array<i32>} : memref<3584xi32, #tpu.memory_space<vmem>>, vector<16xi32>,
        %add3A_553 = arith.constant 96 : i32
        %add3A_554 = arith.addi %mul3A_181, %add3A_553 : i32
        %add3A_555 = vector.broadcast %add3A_554 : i32 to vector<16xi32>
        %add3A_556 = arith.addi %mul3A_3, %add3A_555 : vector<16xi32>
        %add3A_557 = arith.constant 1 : i32
        %add3A_558 = vector.broadcast %add3A_557 : i32 to vector<16xi32>
        %add3A_559 = arith.addi %add3A_556, %add3A_558 : vector<16xi32>
        %add3A_560 = arith.constant 224 : i32
        %add3A_561 = vector.broadcast %add3A_560 : i32 to vector<16xi32>
        %add3A_562 = arith.addi %add3A_556, %add3A_561 : vector<16xi32>
        %add3A_563 = arith.constant 225 : i32
        %add3A_564 = vector.broadcast %add3A_563 : i32 to vector<16xi32>
        %add3A_565 = arith.addi %add3A_556, %add3A_564 : vector<16xi32>
        %add3A_566 = arith.constant 240 : i32
        %add3A_567 = arith.addi %mul3A_183, %add3A_566 : i32
        %add3A_568 = vector.broadcast %add3A_567 : i32 to vector<16xi32>
        %add3A_569 = arith.addi %mul3A_6, %add3A_568 : vector<16xi32>
        %gather3A_570 = tpu.vector_load_idx %arg7[%add3A_556] : memref<14336xf32, #tpu.memory_space<vmem>>[vector<16xi32>], vector<16xf32>,
        %gather3A_571 = tpu.vector_load_idx %arg7[%add3A_559] : memref<14336xf32, #tpu.memory_space<vmem>>[vector<16xi32>], vector<16xf32>,
        %gather3A_572 = tpu.vector_load_idx %arg7[%add3A_562] : memref<14336xf32, #tpu.memory_space<vmem>>[vector<16xi32>], vector<16xf32>,
        %gather3A_573 = tpu.vector_load_idx %arg7[%add3A_565] : memref<14336xf32, #tpu.memory_space<vmem>>[vector<16xi32>], vector<16xf32>,
        %gather3A_574 = tpu.vector_load_idx %arg9[%add3A_569] : memref<17920xf32, #tpu.memory_space<vmem>>[vector<16xi32>], vector<16xf32>,
        %add3A_575 = arith.constant 1 : i32
        %add3A_576 = vector.broadcast %add3A_575 : i32 to vector<16xi32>
        %add3A_577 = arith.addi %add3A_569, %add3A_576 : vector<16xi32>
        %gather3A_578 = tpu.vector_load_idx %arg9[%add3A_577] : memref<17920xf32, #tpu.memory_space<vmem>>[vector<16xi32>], vector<16xf32>,
        %add3A_579 = arith.constant 2 : i32
        %add3A_580 = vector.broadcast %add3A_579 : i32 to vector<16xi32>
        %add3A_581 = arith.addi %add3A_569, %add3A_580 : vector<16xi32>
        %gather3A_582 = tpu.vector_load_idx %arg9[%add3A_581] : memref<17920xf32, #tpu.memory_space<vmem>>[vector<16xi32>], vector<16xf32>,
        %add3A_583 = arith.constant 3 : i32
        %add3A_584 = vector.broadcast %add3A_583 : i32 to vector<16xi32>
        %add3A_585 = arith.addi %add3A_569, %add3A_584 : vector<16xi32>
        %gather3A_586 = tpu.vector_load_idx %arg9[%add3A_585] : memref<17920xf32, #tpu.memory_space<vmem>>[vector<16xi32>], vector<16xf32>,
        %add3A_587 = arith.constant 4 : i32
        %add3A_588 = vector.broadcast %add3A_587 : i32 to vector<16xi32>
        %add3A_589 = arith.addi %add3A_569, %add3A_588 : vector<16xi32>
        %gather3A_590 = tpu.vector_load_idx %arg9[%add3A_589] : memref<17920xf32, #tpu.memory_space<vmem>>[vector<16xi32>], vector<16xf32>,
        %max3A_591 = arith.maximumf %gather3A_570, %gather3A_571 : vector<16xf32>
        %max3A_592 = arith.maximumf %gather3A_572, %gather3A_573 : vector<16xf32>
        %max3A_593 = arith.maximumf %max3A_591, %max3A_592 : vector<16xf32>
        %max3A_594 = arith.constant 0.000000e+00 : f32
        %max3A_595 = vector.broadcast %max3A_594 : f32 to vector<16xf32>
        %max3A_596 = arith.maximumf %max3A_593, %max3A_595 : vector<16xf32>
        %sub3A_597 = arith.subf %gather3A_570, %max3A_596 : vector<16xf32>
        %exp3A_598 = math.exp %sub3A_597 : vector<16xf32>
        %sub3A_599 = arith.subf %gather3A_571, %max3A_596 : vector<16xf32>
        %exp3A_600 = math.exp %sub3A_599 : vector<16xf32>
        %sub3A_601 = arith.subf %gather3A_572, %max3A_596 : vector<16xf32>
        %exp3A_602 = math.exp %sub3A_601 : vector<16xf32>
        %sub3A_603 = arith.subf %gather3A_573, %max3A_596 : vector<16xf32>
        %exp3A_604 = math.exp %sub3A_603 : vector<16xf32>
        %sub3A_605 = arith.constant 0.000000e+00 : f32
        %sub3A_606 = vector.broadcast %sub3A_605 : f32 to vector<16xf32>
        %sub3A_607 = arith.subf %sub3A_606, %max3A_596 : vector<16xf32>
        %exp3A_608 = math.exp %sub3A_607 : vector<16xf32>
        %add3A_609 = arith.addf %exp3A_598, %exp3A_600 : vector<16xf32>
        %add3A_610 = arith.addf %add3A_609, %exp3A_602 : vector<16xf32>
        %add3A_611 = arith.addf %add3A_610, %exp3A_604 : vector<16xf32>
        %add3A_612 = arith.addf %add3A_611, %exp3A_608 : vector<16xf32>
        %add3A_613 = arith.constant 9.99999993E-9 : f32
        %add3A_614 = vector.broadcast %add3A_613 : f32 to vector<16xf32>
        %add3A_615 = arith.addf %add3A_612, %add3A_614 : vector<16xf32>
        %div3A_616 = arith.constant 1.000000e+00 : f32
        %div3A_617 = vector.broadcast %div3A_616 : f32 to vector<16xf32>
        %div3A_618 = arith.divf %div3A_617, %add3A_615 : vector<16xf32>
        %mul3A_619 = arith.constant 9.99999993E-9 : f32
        %mul3A_620 = vector.broadcast %mul3A_619 : f32 to vector<16xf32>
        %mul3A_621 = arith.mulf %mul3A_620, %add3A_615 : vector<16xf32>
        %add3A_622 = arith.addf %exp3A_598, %mul3A_621 : vector<16xf32>
        %mul3A_623 = arith.mulf %add3A_622, %gather3A_574 : vector<16xf32>
        %add3A_624 = arith.addf %exp3A_600, %mul3A_621 : vector<16xf32>
        %mul3A_625 = arith.mulf %add3A_624, %gather3A_578 : vector<16xf32>
        %add3A_626 = arith.addf %exp3A_602, %mul3A_621 : vector<16xf32>
        %mul3A_627 = arith.mulf %add3A_626, %gather3A_582 : vector<16xf32>
        %add3A_628 = arith.addf %exp3A_604, %mul3A_621 : vector<16xf32>
        %mul3A_629 = arith.mulf %add3A_628, %gather3A_586 : vector<16xf32>
        %add3A_630 = arith.addf %exp3A_608, %mul3A_621 : vector<16xf32>
        %mul3A_631 = arith.mulf %add3A_630, %gather3A_590 : vector<16xf32>
        %max3A_632 = arith.maximumf %mul3A_623, %mul3A_625 : vector<16xf32>
        %max3A_633 = arith.maximumf %mul3A_627, %mul3A_629 : vector<16xf32>
        %max3A_634 = arith.maximumf %max3A_632, %max3A_633 : vector<16xf32>
        %max3A_635 = arith.maximumf %max3A_634, %mul3A_631 : vector<16xf32>
        %eq3A_636 = arith.cmpf oeq, %mul3A_623, %max3A_635 : vector<16xf32>
        %eq3A_637 = arith.cmpf oeq, %mul3A_625, %max3A_635 : vector<16xf32>
        %eq3A_638 = arith.cmpf oeq, %mul3A_627, %max3A_635 : vector<16xf32>
        %eq3A_639 = arith.cmpf oeq, %mul3A_629, %max3A_635 : vector<16xf32>
        %jit3A_640 = arith.constant 3 : i32
        %jit3A_641 = arith.constant 4 : i32
        %broadcast_in_dim3A_642 = vector.broadcast %jit3A_640 : i32 to vector<16xi32>
        %broadcast_in_dim3A_643 = vector.broadcast %jit3A_641 : i32 to vector<16xi32>
        %select_n3A_644 = arith.select %eq3A_639, %broadcast_in_dim3A_642, %broadcast_in_dim3A_643 : vector<16xi1>, vector<16xi32>
        %jit3A_645 = arith.constant 2 : i32
        %broadcast_in_dim3A_646 = vector.broadcast %jit3A_645 : i32 to vector<16xi32>
        %select_n3A_647 = arith.select %eq3A_638, %broadcast_in_dim3A_646, %select_n3A_644 : vector<16xi1>, vector<16xi32>
        %jit3A_648 = arith.constant 1 : i32
        %broadcast_in_dim3A_649 = vector.broadcast %jit3A_648 : i32 to vector<16xi32>
        %select_n3A_650 = arith.select %eq3A_637, %broadcast_in_dim3A_649, %select_n3A_647 : vector<16xi1>, vector<16xi32>
        %jit3A_651 = arith.constant 0 : i32
        %broadcast_in_dim3A_652 = vector.broadcast %jit3A_651 : i32 to vector<16xi32>
        %select_n3A_653 = arith.select %eq3A_636, %broadcast_in_dim3A_652, %select_n3A_650 : vector<16xi1>, vector<16xi32>
        %broadcast_in_dim3A_654 = arith.constant 0.000000e+00 : f32
        %broadcast_in_dim3A_655 = vector.broadcast %broadcast_in_dim3A_654 : f32 to vector<16xf32>
        %mul3A_656 = arith.mulf %exp3A_598, %div3A_618 : vector<16xf32>
        %select_n3A_657 = arith.select %eq3A_636, %mul3A_656, %broadcast_in_dim3A_655 : vector<16xi1>, vector<16xf32>
        %mul3A_658 = arith.mulf %exp3A_600, %div3A_618 : vector<16xf32>
        %select_n3A_659 = arith.select %eq3A_637, %mul3A_658, %broadcast_in_dim3A_655 : vector<16xi1>, vector<16xf32>
        %mul3A_660 = arith.mulf %exp3A_602, %div3A_618 : vector<16xf32>
        %select_n3A_661 = arith.select %eq3A_638, %mul3A_660, %broadcast_in_dim3A_655 : vector<16xi1>, vector<16xf32>
        %mul3A_662 = arith.mulf %exp3A_604, %div3A_618 : vector<16xf32>
        %select_n3A_663 = arith.select %eq3A_639, %mul3A_662, %broadcast_in_dim3A_655 : vector<16xi1>, vector<16xf32>
        %mul3A_664 = arith.mulf %add3A_611, %div3A_618 : vector<16xf32>
        %max3A_665 = arith.constant 0.000000e+00 : f32
        %max3A_666 = vector.broadcast %max3A_665 : f32 to vector<16xf32>
        %max3A_667 = arith.maximumf %mul3A_664, %max3A_666 : vector<16xf32>
        %min3A_668 = arith.constant 1.000000e+00 : f32
        %min3A_669 = vector.broadcast %min3A_668 : f32 to vector<16xf32>
        %min3A_670 = arith.minimumf %max3A_667, %min3A_669 : vector<16xf32>
        tpu.vector_store_idx %arg11[%add3A_556], %select_n3A_657 : memref<14336xf32, #tpu.memory_space<vmem>>[vector<16xi32>], vector<16xf32>,
        tpu.vector_store_idx %arg11[%add3A_559], %select_n3A_659 : memref<14336xf32, #tpu.memory_space<vmem>>[vector<16xi32>], vector<16xf32>,
        tpu.vector_store_idx %arg11[%add3A_562], %select_n3A_661 : memref<14336xf32, #tpu.memory_space<vmem>>[vector<16xi32>], vector<16xf32>,
        tpu.vector_store_idx %arg11[%add3A_565], %select_n3A_663 : memref<14336xf32, #tpu.memory_space<vmem>>[vector<16xi32>], vector<16xf32>,
        %add3A_671 = arith.constant 48 : i32
        %add3A_672 = arith.addi %mul3A_185, %add3A_671 : i32
        %swap3A_673 = arith.index_cast %add3A_672 : i32 to index
        %swap3A_674 = tpu.vector_load %arg13[%swap3A_673] {strides = array<i32>} : memref<3584xf32, #tpu.memory_space<vmem>>, vector<16xf32>,
        tpu.vector_store %arg13[%swap3A_673], %min3A_670 {strides = array<i32>} : memref<3584xf32, #tpu.memory_space<vmem>>, vector<16xf32>,
        %add3A_675 = arith.constant 48 : i32
        %add3A_676 = arith.addi %mul3A_185, %add3A_675 : i32
        %swap3A_677 = arith.index_cast %add3A_676 : i32 to index
        %swap3A_678 = tpu.vector_load %arg15[%swap3A_677] {strides = array<i32>} : memref<3584xi32, #tpu.memory_space<vmem>>, vector<16xi32>,
        tpu.vector_store %arg15[%swap3A_677], %select_n3A_653 {strides = array<i32>} : memref<3584xi32, #tpu.memory_space<vmem>>, vector<16xi32>,
        %add3A_679 = arith.constant 128 : i32
        %add3A_680 = arith.addi %mul3A_181, %add3A_679 : i32
        %add3A_681 = vector.broadcast %add3A_680 : i32 to vector<16xi32>
        %add3A_682 = arith.addi %mul3A_3, %add3A_681 : vector<16xi32>
        %add3A_683 = arith.constant 1 : i32
        %add3A_684 = vector.broadcast %add3A_683 : i32 to vector<16xi32>
        %add3A_685 = arith.addi %add3A_682, %add3A_684 : vector<16xi32>
        %add3A_686 = arith.constant 224 : i32
        %add3A_687 = vector.broadcast %add3A_686 : i32 to vector<16xi32>
        %add3A_688 = arith.addi %add3A_682, %add3A_687 : vector<16xi32>
        %add3A_689 = arith.constant 225 : i32
        %add3A_690 = vector.broadcast %add3A_689 : i32 to vector<16xi32>
        %add3A_691 = arith.addi %add3A_682, %add3A_690 : vector<16xi32>
        %add3A_692 = arith.constant 320 : i32
        %add3A_693 = arith.addi %mul3A_183, %add3A_692 : i32
        %add3A_694 = vector.broadcast %add3A_693 : i32 to vector<16xi32>
        %add3A_695 = arith.addi %mul3A_6, %add3A_694 : vector<16xi32>
        %gather3A_696 = tpu.vector_load_idx %arg7[%add3A_682] : memref<14336xf32, #tpu.memory_space<vmem>>[vector<16xi32>], vector<16xf32>,
        %gather3A_697 = tpu.vector_load_idx %arg7[%add3A_685] : memref<14336xf32, #tpu.memory_space<vmem>>[vector<16xi32>], vector<16xf32>,
        %gather3A_698 = tpu.vector_load_idx %arg7[%add3A_688] : memref<14336xf32, #tpu.memory_space<vmem>>[vector<16xi32>], vector<16xf32>,
        %gather3A_699 = tpu.vector_load_idx %arg7[%add3A_691] : memref<14336xf32, #tpu.memory_space<vmem>>[vector<16xi32>], vector<16xf32>,
        %gather3A_700 = tpu.vector_load_idx %arg9[%add3A_695] : memref<17920xf32, #tpu.memory_space<vmem>>[vector<16xi32>], vector<16xf32>,
        %add3A_701 = arith.constant 1 : i32
        %add3A_702 = vector.broadcast %add3A_701 : i32 to vector<16xi32>
        %add3A_703 = arith.addi %add3A_695, %add3A_702 : vector<16xi32>
        %gather3A_704 = tpu.vector_load_idx %arg9[%add3A_703] : memref<17920xf32, #tpu.memory_space<vmem>>[vector<16xi32>], vector<16xf32>,
        %add3A_705 = arith.constant 2 : i32
        %add3A_706 = vector.broadcast %add3A_705 : i32 to vector<16xi32>
        %add3A_707 = arith.addi %add3A_695, %add3A_706 : vector<16xi32>
        %gather3A_708 = tpu.vector_load_idx %arg9[%add3A_707] : memref<17920xf32, #tpu.memory_space<vmem>>[vector<16xi32>], vector<16xf32>,
        %add3A_709 = arith.constant 3 : i32
        %add3A_710 = vector.broadcast %add3A_709 : i32 to vector<16xi32>
        %add3A_711 = arith.addi %add3A_695, %add3A_710 : vector<16xi32>
        %gather3A_712 = tpu.vector_load_idx %arg9[%add3A_711] : memref<17920xf32, #tpu.memory_space<vmem>>[vector<16xi32>], vector<16xf32>,
        %add3A_713 = arith.constant 4 : i32
        %add3A_714 = vector.broadcast %add3A_713 : i32 to vector<16xi32>
        %add3A_715 = arith.addi %add3A_695, %add3A_714 : vector<16xi32>
        %gather3A_716 = tpu.vector_load_idx %arg9[%add3A_715] : memref<17920xf32, #tpu.memory_space<vmem>>[vector<16xi32>], vector<16xf32>,
        %max3A_717 = arith.maximumf %gather3A_696, %gather3A_697 : vector<16xf32>
        %max3A_718 = arith.maximumf %gather3A_698, %gather3A_699 : vector<16xf32>
        %max3A_719 = arith.maximumf %max3A_717, %max3A_718 : vector<16xf32>
        %max3A_720 = arith.constant 0.000000e+00 : f32
        %max3A_721 = vector.broadcast %max3A_720 : f32 to vector<16xf32>
        %max3A_722 = arith.maximumf %max3A_719, %max3A_721 : vector<16xf32>
        %sub3A_723 = arith.subf %gather3A_696, %max3A_722 : vector<16xf32>
        %exp3A_724 = math.exp %sub3A_723 : vector<16xf32>
        %sub3A_725 = arith.subf %gather3A_697, %max3A_722 : vector<16xf32>
        %exp3A_726 = math.exp %sub3A_725 : vector<16xf32>
        %sub3A_727 = arith.subf %gather3A_698, %max3A_722 : vector<16xf32>
        %exp3A_728 = math.exp %sub3A_727 : vector<16xf32>
        %sub3A_729 = arith.subf %gather3A_699, %max3A_722 : vector<16xf32>
        %exp3A_730 = math.exp %sub3A_729 : vector<16xf32>
        %sub3A_731 = arith.constant 0.000000e+00 : f32
        %sub3A_732 = vector.broadcast %sub3A_731 : f32 to vector<16xf32>
        %sub3A_733 = arith.subf %sub3A_732, %max3A_722 : vector<16xf32>
        %exp3A_734 = math.exp %sub3A_733 : vector<16xf32>
        %add3A_735 = arith.addf %exp3A_724, %exp3A_726 : vector<16xf32>
        %add3A_736 = arith.addf %add3A_735, %exp3A_728 : vector<16xf32>
        %add3A_737 = arith.addf %add3A_736, %exp3A_730 : vector<16xf32>
        %add3A_738 = arith.addf %add3A_737, %exp3A_734 : vector<16xf32>
        %add3A_739 = arith.constant 9.99999993E-9 : f32
        %add3A_740 = vector.broadcast %add3A_739 : f32 to vector<16xf32>
        %add3A_741 = arith.addf %add3A_738, %add3A_740 : vector<16xf32>
        %div3A_742 = arith.constant 1.000000e+00 : f32
        %div3A_743 = vector.broadcast %div3A_742 : f32 to vector<16xf32>
        %div3A_744 = arith.divf %div3A_743, %add3A_741 : vector<16xf32>
        %mul3A_745 = arith.constant 9.99999993E-9 : f32
        %mul3A_746 = vector.broadcast %mul3A_745 : f32 to vector<16xf32>
        %mul3A_747 = arith.mulf %mul3A_746, %add3A_741 : vector<16xf32>
        %add3A_748 = arith.addf %exp3A_724, %mul3A_747 : vector<16xf32>
        %mul3A_749 = arith.mulf %add3A_748, %gather3A_700 : vector<16xf32>
        %add3A_750 = arith.addf %exp3A_726, %mul3A_747 : vector<16xf32>
        %mul3A_751 = arith.mulf %add3A_750, %gather3A_704 : vector<16xf32>
        %add3A_752 = arith.addf %exp3A_728, %mul3A_747 : vector<16xf32>
        %mul3A_753 = arith.mulf %add3A_752, %gather3A_708 : vector<16xf32>
        %add3A_754 = arith.addf %exp3A_730, %mul3A_747 : vector<16xf32>
        %mul3A_755 = arith.mulf %add3A_754, %gather3A_712 : vector<16xf32>
        %add3A_756 = arith.addf %exp3A_734, %mul3A_747 : vector<16xf32>
        %mul3A_757 = arith.mulf %add3A_756, %gather3A_716 : vector<16xf32>
        %max3A_758 = arith.maximumf %mul3A_749, %mul3A_751 : vector<16xf32>
        %max3A_759 = arith.maximumf %mul3A_753, %mul3A_755 : vector<16xf32>
        %max3A_760 = arith.maximumf %max3A_758, %max3A_759 : vector<16xf32>
        %max3A_761 = arith.maximumf %max3A_760, %mul3A_757 : vector<16xf32>
        %eq3A_762 = arith.cmpf oeq, %mul3A_749, %max3A_761 : vector<16xf32>
        %eq3A_763 = arith.cmpf oeq, %mul3A_751, %max3A_761 : vector<16xf32>
        %eq3A_764 = arith.cmpf oeq, %mul3A_753, %max3A_761 : vector<16xf32>
        %eq3A_765 = arith.cmpf oeq, %mul3A_755, %max3A_761 : vector<16xf32>
        %jit3A_766 = arith.constant 3 : i32
        %jit3A_767 = arith.constant 4 : i32
        %broadcast_in_dim3A_768 = vector.broadcast %jit3A_766 : i32 to vector<16xi32>
        %broadcast_in_dim3A_769 = vector.broadcast %jit3A_767 : i32 to vector<16xi32>
        %select_n3A_770 = arith.select %eq3A_765, %broadcast_in_dim3A_768, %broadcast_in_dim3A_769 : vector<16xi1>, vector<16xi32>
        %jit3A_771 = arith.constant 2 : i32
        %broadcast_in_dim3A_772 = vector.broadcast %jit3A_771 : i32 to vector<16xi32>
        %select_n3A_773 = arith.select %eq3A_764, %broadcast_in_dim3A_772, %select_n3A_770 : vector<16xi1>, vector<16xi32>
        %jit3A_774 = arith.constant 1 : i32
        %broadcast_in_dim3A_775 = vector.broadcast %jit3A_774 : i32 to vector<16xi32>
        %select_n3A_776 = arith.select %eq3A_763, %broadcast_in_dim3A_775, %select_n3A_773 : vector<16xi1>, vector<16xi32>
        %jit3A_777 = arith.constant 0 : i32
        %broadcast_in_dim3A_778 = vector.broadcast %jit3A_777 : i32 to vector<16xi32>
        %select_n3A_779 = arith.select %eq3A_762, %broadcast_in_dim3A_778, %select_n3A_776 : vector<16xi1>, vector<16xi32>
        %broadcast_in_dim3A_780 = arith.constant 0.000000e+00 : f32
        %broadcast_in_dim3A_781 = vector.broadcast %broadcast_in_dim3A_780 : f32 to vector<16xf32>
        %mul3A_782 = arith.mulf %exp3A_724, %div3A_744 : vector<16xf32>
        %select_n3A_783 = arith.select %eq3A_762, %mul3A_782, %broadcast_in_dim3A_781 : vector<16xi1>, vector<16xf32>
        %mul3A_784 = arith.mulf %exp3A_726, %div3A_744 : vector<16xf32>
        %select_n3A_785 = arith.select %eq3A_763, %mul3A_784, %broadcast_in_dim3A_781 : vector<16xi1>, vector<16xf32>
        %mul3A_786 = arith.mulf %exp3A_728, %div3A_744 : vector<16xf32>
        %select_n3A_787 = arith.select %eq3A_764, %mul3A_786, %broadcast_in_dim3A_781 : vector<16xi1>, vector<16xf32>
        %mul3A_788 = arith.mulf %exp3A_730, %div3A_744 : vector<16xf32>
        %select_n3A_789 = arith.select %eq3A_765, %mul3A_788, %broadcast_in_dim3A_781 : vector<16xi1>, vector<16xf32>
        %mul3A_790 = arith.mulf %add3A_737, %div3A_744 : vector<16xf32>
        %max3A_791 = arith.constant 0.000000e+00 : f32
        %max3A_792 = vector.broadcast %max3A_791 : f32 to vector<16xf32>
        %max3A_793 = arith.maximumf %mul3A_790, %max3A_792 : vector<16xf32>
        %min3A_794 = arith.constant 1.000000e+00 : f32
        %min3A_795 = vector.broadcast %min3A_794 : f32 to vector<16xf32>
        %min3A_796 = arith.minimumf %max3A_793, %min3A_795 : vector<16xf32>
        tpu.vector_store_idx %arg11[%add3A_682], %select_n3A_783 : memref<14336xf32, #tpu.memory_space<vmem>>[vector<16xi32>], vector<16xf32>,
        tpu.vector_store_idx %arg11[%add3A_685], %select_n3A_785 : memref<14336xf32, #tpu.memory_space<vmem>>[vector<16xi32>], vector<16xf32>,
        tpu.vector_store_idx %arg11[%add3A_688], %select_n3A_787 : memref<14336xf32, #tpu.memory_space<vmem>>[vector<16xi32>], vector<16xf32>,
        tpu.vector_store_idx %arg11[%add3A_691], %select_n3A_789 : memref<14336xf32, #tpu.memory_space<vmem>>[vector<16xi32>], vector<16xf32>,
        %add3A_797 = arith.constant 64 : i32
        %add3A_798 = arith.addi %mul3A_185, %add3A_797 : i32
        %swap3A_799 = arith.index_cast %add3A_798 : i32 to index
        %swap3A_800 = tpu.vector_load %arg13[%swap3A_799] {strides = array<i32>} : memref<3584xf32, #tpu.memory_space<vmem>>, vector<16xf32>,
        tpu.vector_store %arg13[%swap3A_799], %min3A_796 {strides = array<i32>} : memref<3584xf32, #tpu.memory_space<vmem>>, vector<16xf32>,
        %add3A_801 = arith.constant 64 : i32
        %add3A_802 = arith.addi %mul3A_185, %add3A_801 : i32
        %swap3A_803 = arith.index_cast %add3A_802 : i32 to index
        %swap3A_804 = tpu.vector_load %arg15[%swap3A_803] {strides = array<i32>} : memref<3584xi32, #tpu.memory_space<vmem>>, vector<16xi32>,
        tpu.vector_store %arg15[%swap3A_803], %select_n3A_779 {strides = array<i32>} : memref<3584xi32, #tpu.memory_space<vmem>>, vector<16xi32>,
        %add3A_805 = arith.constant 160 : i32
        %add3A_806 = arith.addi %mul3A_181, %add3A_805 : i32
        %add3A_807 = vector.broadcast %add3A_806 : i32 to vector<16xi32>
        %add3A_808 = arith.addi %mul3A_3, %add3A_807 : vector<16xi32>
        %add3A_809 = arith.constant 1 : i32
        %add3A_810 = vector.broadcast %add3A_809 : i32 to vector<16xi32>
        %add3A_811 = arith.addi %add3A_808, %add3A_810 : vector<16xi32>
        %add3A_812 = arith.constant 224 : i32
        %add3A_813 = vector.broadcast %add3A_812 : i32 to vector<16xi32>
        %add3A_814 = arith.addi %add3A_808, %add3A_813 : vector<16xi32>
        %add3A_815 = arith.constant 225 : i32
        %add3A_816 = vector.broadcast %add3A_815 : i32 to vector<16xi32>
        %add3A_817 = arith.addi %add3A_808, %add3A_816 : vector<16xi32>
        %add3A_818 = arith.constant 400 : i32
        %add3A_819 = arith.addi %mul3A_183, %add3A_818 : i32
        %add3A_820 = vector.broadcast %add3A_819 : i32 to vector<16xi32>
        %add3A_821 = arith.addi %mul3A_6, %add3A_820 : vector<16xi32>
        %gather3A_822 = tpu.vector_load_idx %arg7[%add3A_808] : memref<14336xf32, #tpu.memory_space<vmem>>[vector<16xi32>], vector<16xf32>,
        %gather3A_823 = tpu.vector_load_idx %arg7[%add3A_811] : memref<14336xf32, #tpu.memory_space<vmem>>[vector<16xi32>], vector<16xf32>,
        %gather3A_824 = tpu.vector_load_idx %arg7[%add3A_814] : memref<14336xf32, #tpu.memory_space<vmem>>[vector<16xi32>], vector<16xf32>,
        %gather3A_825 = tpu.vector_load_idx %arg7[%add3A_817] : memref<14336xf32, #tpu.memory_space<vmem>>[vector<16xi32>], vector<16xf32>,
        %gather3A_826 = tpu.vector_load_idx %arg9[%add3A_821] : memref<17920xf32, #tpu.memory_space<vmem>>[vector<16xi32>], vector<16xf32>,
        %add3A_827 = arith.constant 1 : i32
        %add3A_828 = vector.broadcast %add3A_827 : i32 to vector<16xi32>
        %add3A_829 = arith.addi %add3A_821, %add3A_828 : vector<16xi32>
        %gather3A_830 = tpu.vector_load_idx %arg9[%add3A_829] : memref<17920xf32, #tpu.memory_space<vmem>>[vector<16xi32>], vector<16xf32>,
        %add3A_831 = arith.constant 2 : i32
        %add3A_832 = vector.broadcast %add3A_831 : i32 to vector<16xi32>
        %add3A_833 = arith.addi %add3A_821, %add3A_832 : vector<16xi32>
        %gather3A_834 = tpu.vector_load_idx %arg9[%add3A_833] : memref<17920xf32, #tpu.memory_space<vmem>>[vector<16xi32>], vector<16xf32>,
        %add3A_835 = arith.constant 3 : i32
        %add3A_836 = vector.broadcast %add3A_835 : i32 to vector<16xi32>
        %add3A_837 = arith.addi %add3A_821, %add3A_836 : vector<16xi32>
        %gather3A_838 = tpu.vector_load_idx %arg9[%add3A_837] : memref<17920xf32, #tpu.memory_space<vmem>>[vector<16xi32>], vector<16xf32>,
        %add3A_839 = arith.constant 4 : i32
        %add3A_840 = vector.broadcast %add3A_839 : i32 to vector<16xi32>
        %add3A_841 = arith.addi %add3A_821, %add3A_840 : vector<16xi32>
        %gather3A_842 = tpu.vector_load_idx %arg9[%add3A_841] : memref<17920xf32, #tpu.memory_space<vmem>>[vector<16xi32>], vector<16xf32>,
        %max3A_843 = arith.maximumf %gather3A_822, %gather3A_823 : vector<16xf32>
        %max3A_844 = arith.maximumf %gather3A_824, %gather3A_825 : vector<16xf32>
        %max3A_845 = arith.maximumf %max3A_843, %max3A_844 : vector<16xf32>
        %max3A_846 = arith.constant 0.000000e+00 : f32
        %max3A_847 = vector.broadcast %max3A_846 : f32 to vector<16xf32>
        %max3A_848 = arith.maximumf %max3A_845, %max3A_847 : vector<16xf32>
        %sub3A_849 = arith.subf %gather3A_822, %max3A_848 : vector<16xf32>
        %exp3A_850 = math.exp %sub3A_849 : vector<16xf32>
        %sub3A_851 = arith.subf %gather3A_823, %max3A_848 : vector<16xf32>
        %exp3A_852 = math.exp %sub3A_851 : vector<16xf32>
        %sub3A_853 = arith.subf %gather3A_824, %max3A_848 : vector<16xf32>
        %exp3A_854 = math.exp %sub3A_853 : vector<16xf32>
        %sub3A_855 = arith.subf %gather3A_825, %max3A_848 : vector<16xf32>
        %exp3A_856 = math.exp %sub3A_855 : vector<16xf32>
        %sub3A_857 = arith.constant 0.000000e+00 : f32
        %sub3A_858 = vector.broadcast %sub3A_857 : f32 to vector<16xf32>
        %sub3A_859 = arith.subf %sub3A_858, %max3A_848 : vector<16xf32>
        %exp3A_860 = math.exp %sub3A_859 : vector<16xf32>
        %add3A_861 = arith.addf %exp3A_850, %exp3A_852 : vector<16xf32>
        %add3A_862 = arith.addf %add3A_861, %exp3A_854 : vector<16xf32>
        %add3A_863 = arith.addf %add3A_862, %exp3A_856 : vector<16xf32>
        %add3A_864 = arith.addf %add3A_863, %exp3A_860 : vector<16xf32>
        %add3A_865 = arith.constant 9.99999993E-9 : f32
        %add3A_866 = vector.broadcast %add3A_865 : f32 to vector<16xf32>
        %add3A_867 = arith.addf %add3A_864, %add3A_866 : vector<16xf32>
        %div3A_868 = arith.constant 1.000000e+00 : f32
        %div3A_869 = vector.broadcast %div3A_868 : f32 to vector<16xf32>
        %div3A_870 = arith.divf %div3A_869, %add3A_867 : vector<16xf32>
        %mul3A_871 = arith.constant 9.99999993E-9 : f32
        %mul3A_872 = vector.broadcast %mul3A_871 : f32 to vector<16xf32>
        %mul3A_873 = arith.mulf %mul3A_872, %add3A_867 : vector<16xf32>
        %add3A_874 = arith.addf %exp3A_850, %mul3A_873 : vector<16xf32>
        %mul3A_875 = arith.mulf %add3A_874, %gather3A_826 : vector<16xf32>
        %add3A_876 = arith.addf %exp3A_852, %mul3A_873 : vector<16xf32>
        %mul3A_877 = arith.mulf %add3A_876, %gather3A_830 : vector<16xf32>
        %add3A_878 = arith.addf %exp3A_854, %mul3A_873 : vector<16xf32>
        %mul3A_879 = arith.mulf %add3A_878, %gather3A_834 : vector<16xf32>
        %add3A_880 = arith.addf %exp3A_856, %mul3A_873 : vector<16xf32>
        %mul3A_881 = arith.mulf %add3A_880, %gather3A_838 : vector<16xf32>
        %add3A_882 = arith.addf %exp3A_860, %mul3A_873 : vector<16xf32>
        %mul3A_883 = arith.mulf %add3A_882, %gather3A_842 : vector<16xf32>
        %max3A_884 = arith.maximumf %mul3A_875, %mul3A_877 : vector<16xf32>
        %max3A_885 = arith.maximumf %mul3A_879, %mul3A_881 : vector<16xf32>
        %max3A_886 = arith.maximumf %max3A_884, %max3A_885 : vector<16xf32>
        %max3A_887 = arith.maximumf %max3A_886, %mul3A_883 : vector<16xf32>
        %eq3A_888 = arith.cmpf oeq, %mul3A_875, %max3A_887 : vector<16xf32>
        %eq3A_889 = arith.cmpf oeq, %mul3A_877, %max3A_887 : vector<16xf32>
        %eq3A_890 = arith.cmpf oeq, %mul3A_879, %max3A_887 : vector<16xf32>
        %eq3A_891 = arith.cmpf oeq, %mul3A_881, %max3A_887 : vector<16xf32>
        %jit3A_892 = arith.constant 3 : i32
        %jit3A_893 = arith.constant 4 : i32
        %broadcast_in_dim3A_894 = vector.broadcast %jit3A_892 : i32 to vector<16xi32>
        %broadcast_in_dim3A_895 = vector.broadcast %jit3A_893 : i32 to vector<16xi32>
        %select_n3A_896 = arith.select %eq3A_891, %broadcast_in_dim3A_894, %broadcast_in_dim3A_895 : vector<16xi1>, vector<16xi32>
        %jit3A_897 = arith.constant 2 : i32
        %broadcast_in_dim3A_898 = vector.broadcast %jit3A_897 : i32 to vector<16xi32>
        %select_n3A_899 = arith.select %eq3A_890, %broadcast_in_dim3A_898, %select_n3A_896 : vector<16xi1>, vector<16xi32>
        %jit3A_900 = arith.constant 1 : i32
        %broadcast_in_dim3A_901 = vector.broadcast %jit3A_900 : i32 to vector<16xi32>
        %select_n3A_902 = arith.select %eq3A_889, %broadcast_in_dim3A_901, %select_n3A_899 : vector<16xi1>, vector<16xi32>
        %jit3A_903 = arith.constant 0 : i32
        %broadcast_in_dim3A_904 = vector.broadcast %jit3A_903 : i32 to vector<16xi32>
        %select_n3A_905 = arith.select %eq3A_888, %broadcast_in_dim3A_904, %select_n3A_902 : vector<16xi1>, vector<16xi32>
        %broadcast_in_dim3A_906 = arith.constant 0.000000e+00 : f32
        %broadcast_in_dim3A_907 = vector.broadcast %broadcast_in_dim3A_906 : f32 to vector<16xf32>
        %mul3A_908 = arith.mulf %exp3A_850, %div3A_870 : vector<16xf32>
        %select_n3A_909 = arith.select %eq3A_888, %mul3A_908, %broadcast_in_dim3A_907 : vector<16xi1>, vector<16xf32>
        %mul3A_910 = arith.mulf %exp3A_852, %div3A_870 : vector<16xf32>
        %select_n3A_911 = arith.select %eq3A_889, %mul3A_910, %broadcast_in_dim3A_907 : vector<16xi1>, vector<16xf32>
        %mul3A_912 = arith.mulf %exp3A_854, %div3A_870 : vector<16xf32>
        %select_n3A_913 = arith.select %eq3A_890, %mul3A_912, %broadcast_in_dim3A_907 : vector<16xi1>, vector<16xf32>
        %mul3A_914 = arith.mulf %exp3A_856, %div3A_870 : vector<16xf32>
        %select_n3A_915 = arith.select %eq3A_891, %mul3A_914, %broadcast_in_dim3A_907 : vector<16xi1>, vector<16xf32>
        %mul3A_916 = arith.mulf %add3A_863, %div3A_870 : vector<16xf32>
        %max3A_917 = arith.constant 0.000000e+00 : f32
        %max3A_918 = vector.broadcast %max3A_917 : f32 to vector<16xf32>
        %max3A_919 = arith.maximumf %mul3A_916, %max3A_918 : vector<16xf32>
        %min3A_920 = arith.constant 1.000000e+00 : f32
        %min3A_921 = vector.broadcast %min3A_920 : f32 to vector<16xf32>
        %min3A_922 = arith.minimumf %max3A_919, %min3A_921 : vector<16xf32>
        tpu.vector_store_idx %arg11[%add3A_808], %select_n3A_909 : memref<14336xf32, #tpu.memory_space<vmem>>[vector<16xi32>], vector<16xf32>,
        tpu.vector_store_idx %arg11[%add3A_811], %select_n3A_911 : memref<14336xf32, #tpu.memory_space<vmem>>[vector<16xi32>], vector<16xf32>,
        tpu.vector_store_idx %arg11[%add3A_814], %select_n3A_913 : memref<14336xf32, #tpu.memory_space<vmem>>[vector<16xi32>], vector<16xf32>,
        tpu.vector_store_idx %arg11[%add3A_817], %select_n3A_915 : memref<14336xf32, #tpu.memory_space<vmem>>[vector<16xi32>], vector<16xf32>,
        %add3A_923 = arith.constant 80 : i32
        %add3A_924 = arith.addi %mul3A_185, %add3A_923 : i32
        %swap3A_925 = arith.index_cast %add3A_924 : i32 to index
        %swap3A_926 = tpu.vector_load %arg13[%swap3A_925] {strides = array<i32>} : memref<3584xf32, #tpu.memory_space<vmem>>, vector<16xf32>,
        tpu.vector_store %arg13[%swap3A_925], %min3A_922 {strides = array<i32>} : memref<3584xf32, #tpu.memory_space<vmem>>, vector<16xf32>,
        %add3A_927 = arith.constant 80 : i32
        %add3A_928 = arith.addi %mul3A_185, %add3A_927 : i32
        %swap3A_929 = arith.index_cast %add3A_928 : i32 to index
        %swap3A_930 = tpu.vector_load %arg15[%swap3A_929] {strides = array<i32>} : memref<3584xi32, #tpu.memory_space<vmem>>, vector<16xi32>,
        tpu.vector_store %arg15[%swap3A_929], %select_n3A_905 {strides = array<i32>} : memref<3584xi32, #tpu.memory_space<vmem>>, vector<16xi32>,
        %add3A_931 = arith.constant 192 : i32
        %add3A_932 = arith.addi %mul3A_181, %add3A_931 : i32
        %add3A_933 = vector.broadcast %add3A_932 : i32 to vector<16xi32>
        %add3A_934 = arith.addi %mul3A_3, %add3A_933 : vector<16xi32>
        %add3A_935 = arith.constant 1 : i32
        %add3A_936 = vector.broadcast %add3A_935 : i32 to vector<16xi32>
        %add3A_937 = arith.addi %add3A_934, %add3A_936 : vector<16xi32>
        %add3A_938 = arith.constant 224 : i32
        %add3A_939 = vector.broadcast %add3A_938 : i32 to vector<16xi32>
        %add3A_940 = arith.addi %add3A_934, %add3A_939 : vector<16xi32>
        %add3A_941 = arith.constant 225 : i32
        %add3A_942 = vector.broadcast %add3A_941 : i32 to vector<16xi32>
        %add3A_943 = arith.addi %add3A_934, %add3A_942 : vector<16xi32>
        %add3A_944 = arith.constant 480 : i32
        %add3A_945 = arith.addi %mul3A_183, %add3A_944 : i32
        %add3A_946 = vector.broadcast %add3A_945 : i32 to vector<16xi32>
        %add3A_947 = arith.addi %mul3A_6, %add3A_946 : vector<16xi32>
        %gather3A_948 = tpu.vector_load_idx %arg7[%add3A_934] : memref<14336xf32, #tpu.memory_space<vmem>>[vector<16xi32>], vector<16xf32>,
        %gather3A_949 = tpu.vector_load_idx %arg7[%add3A_937] : memref<14336xf32, #tpu.memory_space<vmem>>[vector<16xi32>], vector<16xf32>,
        %gather3A_950 = tpu.vector_load_idx %arg7[%add3A_940] : memref<14336xf32, #tpu.memory_space<vmem>>[vector<16xi32>], vector<16xf32>,
        %gather3A_951 = tpu.vector_load_idx %arg7[%add3A_943] : memref<14336xf32, #tpu.memory_space<vmem>>[vector<16xi32>], vector<16xf32>,
        %gather3A_952 = tpu.vector_load_idx %arg9[%add3A_947] : memref<17920xf32, #tpu.memory_space<vmem>>[vector<16xi32>], vector<16xf32>,
        %add3A_953 = arith.constant 1 : i32
        %add3A_954 = vector.broadcast %add3A_953 : i32 to vector<16xi32>
        %add3A_955 = arith.addi %add3A_947, %add3A_954 : vector<16xi32>
        %gather3A_956 = tpu.vector_load_idx %arg9[%add3A_955] : memref<17920xf32, #tpu.memory_space<vmem>>[vector<16xi32>], vector<16xf32>,
        %add3A_957 = arith.constant 2 : i32
        %add3A_958 = vector.broadcast %add3A_957 : i32 to vector<16xi32>
        %add3A_959 = arith.addi %add3A_947, %add3A_958 : vector<16xi32>
        %gather3A_960 = tpu.vector_load_idx %arg9[%add3A_959] : memref<17920xf32, #tpu.memory_space<vmem>>[vector<16xi32>], vector<16xf32>,
        %add3A_961 = arith.constant 3 : i32
        %add3A_962 = vector.broadcast %add3A_961 : i32 to vector<16xi32>
        %add3A_963 = arith.addi %add3A_947, %add3A_962 : vector<16xi32>
        %gather3A_964 = tpu.vector_load_idx %arg9[%add3A_963] : memref<17920xf32, #tpu.memory_space<vmem>>[vector<16xi32>], vector<16xf32>,
        %add3A_965 = arith.constant 4 : i32
        %add3A_966 = vector.broadcast %add3A_965 : i32 to vector<16xi32>
        %add3A_967 = arith.addi %add3A_947, %add3A_966 : vector<16xi32>
        %gather3A_968 = tpu.vector_load_idx %arg9[%add3A_967] : memref<17920xf32, #tpu.memory_space<vmem>>[vector<16xi32>], vector<16xf32>,
        %max3A_969 = arith.maximumf %gather3A_948, %gather3A_949 : vector<16xf32>
        %max3A_970 = arith.maximumf %gather3A_950, %gather3A_951 : vector<16xf32>
        %max3A_971 = arith.maximumf %max3A_969, %max3A_970 : vector<16xf32>
        %max3A_972 = arith.constant 0.000000e+00 : f32
        %max3A_973 = vector.broadcast %max3A_972 : f32 to vector<16xf32>
        %max3A_974 = arith.maximumf %max3A_971, %max3A_973 : vector<16xf32>
        %sub3A_975 = arith.subf %gather3A_948, %max3A_974 : vector<16xf32>
        %exp3A_976 = math.exp %sub3A_975 : vector<16xf32>
        %sub3A_977 = arith.subf %gather3A_949, %max3A_974 : vector<16xf32>
        %exp3A_978 = math.exp %sub3A_977 : vector<16xf32>
        %sub3A_979 = arith.subf %gather3A_950, %max3A_974 : vector<16xf32>
        %exp3A_980 = math.exp %sub3A_979 : vector<16xf32>
        %sub3A_981 = arith.subf %gather3A_951, %max3A_974 : vector<16xf32>
        %exp3A_982 = math.exp %sub3A_981 : vector<16xf32>
        %sub3A_983 = arith.constant 0.000000e+00 : f32
        %sub3A_984 = vector.broadcast %sub3A_983 : f32 to vector<16xf32>
        %sub3A_985 = arith.subf %sub3A_984, %max3A_974 : vector<16xf32>
        %exp3A_986 = math.exp %sub3A_985 : vector<16xf32>
        %add3A_987 = arith.addf %exp3A_976, %exp3A_978 : vector<16xf32>
        %add3A_988 = arith.addf %add3A_987, %exp3A_980 : vector<16xf32>
        %add3A_989 = arith.addf %add3A_988, %exp3A_982 : vector<16xf32>
        %add3A_990 = arith.addf %add3A_989, %exp3A_986 : vector<16xf32>
        %add3A_991 = arith.constant 9.99999993E-9 : f32
        %add3A_992 = vector.broadcast %add3A_991 : f32 to vector<16xf32>
        %add3A_993 = arith.addf %add3A_990, %add3A_992 : vector<16xf32>
        %div3A_994 = arith.constant 1.000000e+00 : f32
        %div3A_995 = vector.broadcast %div3A_994 : f32 to vector<16xf32>
        %div3A_996 = arith.divf %div3A_995, %add3A_993 : vector<16xf32>
        %mul3A_997 = arith.constant 9.99999993E-9 : f32
        %mul3A_998 = vector.broadcast %mul3A_997 : f32 to vector<16xf32>
        %mul3A_999 = arith.mulf %mul3A_998, %add3A_993 : vector<16xf32>
        %add3A_1000 = arith.addf %exp3A_976, %mul3A_999 : vector<16xf32>
        %mul3A_1001 = arith.mulf %add3A_1000, %gather3A_952 : vector<16xf32>
        %add3A_1002 = arith.addf %exp3A_978, %mul3A_999 : vector<16xf32>
        %mul3A_1003 = arith.mulf %add3A_1002, %gather3A_956 : vector<16xf32>
        %add3A_1004 = arith.addf %exp3A_980, %mul3A_999 : vector<16xf32>
        %mul3A_1005 = arith.mulf %add3A_1004, %gather3A_960 : vector<16xf32>
        %add3A_1006 = arith.addf %exp3A_982, %mul3A_999 : vector<16xf32>
        %mul3A_1007 = arith.mulf %add3A_1006, %gather3A_964 : vector<16xf32>
        %add3A_1008 = arith.addf %exp3A_986, %mul3A_999 : vector<16xf32>
        %mul3A_1009 = arith.mulf %add3A_1008, %gather3A_968 : vector<16xf32>
        %max3A_1010 = arith.maximumf %mul3A_1001, %mul3A_1003 : vector<16xf32>
        %max3A_1011 = arith.maximumf %mul3A_1005, %mul3A_1007 : vector<16xf32>
        %max3A_1012 = arith.maximumf %max3A_1010, %max3A_1011 : vector<16xf32>
        %max3A_1013 = arith.maximumf %max3A_1012, %mul3A_1009 : vector<16xf32>
        %eq3A_1014 = arith.cmpf oeq, %mul3A_1001, %max3A_1013 : vector<16xf32>
        %eq3A_1015 = arith.cmpf oeq, %mul3A_1003, %max3A_1013 : vector<16xf32>
        %eq3A_1016 = arith.cmpf oeq, %mul3A_1005, %max3A_1013 : vector<16xf32>
        %eq3A_1017 = arith.cmpf oeq, %mul3A_1007, %max3A_1013 : vector<16xf32>
        %jit3A_1018 = arith.constant 3 : i32
        %jit3A_1019 = arith.constant 4 : i32
        %broadcast_in_dim3A_1020 = vector.broadcast %jit3A_1018 : i32 to vector<16xi32>
        %broadcast_in_dim3A_1021 = vector.broadcast %jit3A_1019 : i32 to vector<16xi32>
        %select_n3A_1022 = arith.select %eq3A_1017, %broadcast_in_dim3A_1020, %broadcast_in_dim3A_1021 : vector<16xi1>, vector<16xi32>
        %jit3A_1023 = arith.constant 2 : i32
        %broadcast_in_dim3A_1024 = vector.broadcast %jit3A_1023 : i32 to vector<16xi32>
        %select_n3A_1025 = arith.select %eq3A_1016, %broadcast_in_dim3A_1024, %select_n3A_1022 : vector<16xi1>, vector<16xi32>
        %jit3A_1026 = arith.constant 1 : i32
        %broadcast_in_dim3A_1027 = vector.broadcast %jit3A_1026 : i32 to vector<16xi32>
        %select_n3A_1028 = arith.select %eq3A_1015, %broadcast_in_dim3A_1027, %select_n3A_1025 : vector<16xi1>, vector<16xi32>
        %jit3A_1029 = arith.constant 0 : i32
        %broadcast_in_dim3A_1030 = vector.broadcast %jit3A_1029 : i32 to vector<16xi32>
        %select_n3A_1031 = arith.select %eq3A_1014, %broadcast_in_dim3A_1030, %select_n3A_1028 : vector<16xi1>, vector<16xi32>
        %broadcast_in_dim3A_1032 = arith.constant 0.000000e+00 : f32
        %broadcast_in_dim3A_1033 = vector.broadcast %broadcast_in_dim3A_1032 : f32 to vector<16xf32>
        %mul3A_1034 = arith.mulf %exp3A_976, %div3A_996 : vector<16xf32>
        %select_n3A_1035 = arith.select %eq3A_1014, %mul3A_1034, %broadcast_in_dim3A_1033 : vector<16xi1>, vector<16xf32>
        %mul3A_1036 = arith.mulf %exp3A_978, %div3A_996 : vector<16xf32>
        %select_n3A_1037 = arith.select %eq3A_1015, %mul3A_1036, %broadcast_in_dim3A_1033 : vector<16xi1>, vector<16xf32>
        %mul3A_1038 = arith.mulf %exp3A_980, %div3A_996 : vector<16xf32>
        %select_n3A_1039 = arith.select %eq3A_1016, %mul3A_1038, %broadcast_in_dim3A_1033 : vector<16xi1>, vector<16xf32>
        %mul3A_1040 = arith.mulf %exp3A_982, %div3A_996 : vector<16xf32>
        %select_n3A_1041 = arith.select %eq3A_1017, %mul3A_1040, %broadcast_in_dim3A_1033 : vector<16xi1>, vector<16xf32>
        %mul3A_1042 = arith.mulf %add3A_989, %div3A_996 : vector<16xf32>
        %max3A_1043 = arith.constant 0.000000e+00 : f32
        %max3A_1044 = vector.broadcast %max3A_1043 : f32 to vector<16xf32>
        %max3A_1045 = arith.maximumf %mul3A_1042, %max3A_1044 : vector<16xf32>
        %min3A_1046 = arith.constant 1.000000e+00 : f32
        %min3A_1047 = vector.broadcast %min3A_1046 : f32 to vector<16xf32>
        %min3A_1048 = arith.minimumf %max3A_1045, %min3A_1047 : vector<16xf32>
        tpu.vector_store_idx %arg11[%add3A_934], %select_n3A_1035 : memref<14336xf32, #tpu.memory_space<vmem>>[vector<16xi32>], vector<16xf32>,
        tpu.vector_store_idx %arg11[%add3A_937], %select_n3A_1037 : memref<14336xf32, #tpu.memory_space<vmem>>[vector<16xi32>], vector<16xf32>,
        tpu.vector_store_idx %arg11[%add3A_940], %select_n3A_1039 : memref<14336xf32, #tpu.memory_space<vmem>>[vector<16xi32>], vector<16xf32>,
        tpu.vector_store_idx %arg11[%add3A_943], %select_n3A_1041 : memref<14336xf32, #tpu.memory_space<vmem>>[vector<16xi32>], vector<16xf32>,
        %add3A_1049 = arith.constant 96 : i32
        %add3A_1050 = arith.addi %mul3A_185, %add3A_1049 : i32
        %swap3A_1051 = arith.index_cast %add3A_1050 : i32 to index
        %swap3A_1052 = tpu.vector_load %arg13[%swap3A_1051] {strides = array<i32>} : memref<3584xf32, #tpu.memory_space<vmem>>, vector<16xf32>,
        tpu.vector_store %arg13[%swap3A_1051], %min3A_1048 {strides = array<i32>} : memref<3584xf32, #tpu.memory_space<vmem>>, vector<16xf32>,
        %add3A_1053 = arith.constant 96 : i32
        %add3A_1054 = arith.addi %mul3A_185, %add3A_1053 : i32
        %swap3A_1055 = arith.index_cast %add3A_1054 : i32 to index
        %swap3A_1056 = tpu.vector_load %arg15[%swap3A_1055] {strides = array<i32>} : memref<3584xi32, #tpu.memory_space<vmem>>, vector<16xi32>,
        tpu.vector_store %arg15[%swap3A_1055], %select_n3A_1031 {strides = array<i32>} : memref<3584xi32, #tpu.memory_space<vmem>>, vector<16xi32>,
        %scan3A_1057 = arith.constant 0 : i32
        scf.yield %scan3A_1057 : i32
      }
      %scan3A_102 = arith.constant 32 : i32
      %mul3A_103 = arith.constant 2688 : i32
      %mul3A_104 = arith.muli %add3A, %mul3A_103 : i32
      %mul3A_105 = arith.constant 32 : i32
      %mul3A_106 = arith.muli %mul3A_74, %mul3A_105 : i32
      %add3A_107 = arith.addi %mul3A_104, %mul3A_106 : i32
      %mul3A_108 = arith.constant 448 : i32
      %mul3A_109 = arith.muli %add3A_107, %mul3A_108 : i32
      %mul3A_110 = arith.constant 560 : i32
      %mul3A_111 = arith.muli %add3A_107, %mul3A_110 : i32
      %mul3A_112 = arith.constant 112 : i32
      %mul3A_113 = arith.muli %add3A_107, %mul3A_112 : i32
      %dma_start3A_114 = tpu.memref_slice %arg4[%mul3A_109] : memref<38535168xf32, #tpu.memory_space<hbm>> -> memref<14336xf32, #tpu.memory_space<hbm>>
      %dma_start3A_115 = tpu.memref_slice %arg4[%mul3A_109] : memref<38535168xf32, #tpu.memory_space<hbm>> -> memref<14336xf32, #tpu.memory_space<hbm>>
      tpu.enqueue_dma source(%arg11 : memref<14336xf32, #tpu.memory_space<vmem>>) target(%dma_start3A_115 : memref<14336xf32, #tpu.memory_space<hbm>>) target_semaphore(%arg21 : memref<!tpu.dma_semaphore, #tpu.memory_space<semaphore_mem>>)
      %dma_start3A_116 = tpu.memref_slice %arg5[%mul3A_113] : memref<9633792xf32, #tpu.memory_space<hbm>> -> memref<3584xf32, #tpu.memory_space<hbm>>
      %dma_start3A_117 = tpu.memref_slice %arg5[%mul3A_113] : memref<9633792xf32, #tpu.memory_space<hbm>> -> memref<3584xf32, #tpu.memory_space<hbm>>
      tpu.enqueue_dma source(%arg13 : memref<3584xf32, #tpu.memory_space<vmem>>) target(%dma_start3A_117 : memref<3584xf32, #tpu.memory_space<hbm>>) target_semaphore(%arg23 : memref<!tpu.dma_semaphore, #tpu.memory_space<semaphore_mem>>)
      %dma_start3A_118 = tpu.memref_slice %arg6[%mul3A_113] : memref<9633792xi32, #tpu.memory_space<hbm>> -> memref<3584xi32, #tpu.memory_space<hbm>>
      %dma_start3A_119 = tpu.memref_slice %arg6[%mul3A_113] : memref<9633792xi32, #tpu.memory_space<hbm>> -> memref<3584xi32, #tpu.memory_space<hbm>>
      tpu.enqueue_dma source(%arg15 : memref<3584xi32, #tpu.memory_space<vmem>>) target(%dma_start3A_119 : memref<3584xi32, #tpu.memory_space<hbm>>) target_semaphore(%arg25 : memref<!tpu.dma_semaphore, #tpu.memory_space<semaphore_mem>>)
      %add3A_120 = arith.constant 2 : i32
      %add3A_121 = arith.addi %mul3A_74, %add3A_120 : i32
      %lt3A = arith.constant 84 : i32
      %lt3A_122 = arith.cmpi slt, %add3A_121, %lt3A : i32
      %convert_element_type3A_123 = arith.extui %lt3A_122 : i1 to i32
      %cond3A_124 = arith.constant 0 : i32
      %cond3A_125 = arith.cmpi ne, %convert_element_type3A_123, %cond3A_124 : i32
      scf.if %cond3A_125 {
        %add3A_178 = arith.constant 2 : i32
        %add3A_179 = arith.addi %mul3A_74, %add3A_178 : i32
        %mul3A_180 = arith.constant 2688 : i32
        %mul3A_181 = arith.muli %add3A, %mul3A_180 : i32
        %mul3A_182 = arith.constant 32 : i32
        %mul3A_183 = arith.muli %add3A_179, %mul3A_182 : i32
        %add3A_184 = arith.addi %mul3A_181, %mul3A_183 : i32
        %mul3A_185 = arith.constant 448 : i32
        %mul3A_186 = arith.muli %add3A_184, %mul3A_185 : i32
        %mul3A_187 = arith.constant 560 : i32
        %mul3A_188 = arith.muli %add3A_184, %mul3A_187 : i32
        %mul3A_189 = arith.constant 112 : i32
        %mul3A_190 = arith.muli %add3A_184, %mul3A_189 : i32
        %dma_start3A_191 = tpu.memref_slice %arg2[%mul3A_186] : memref<38535168xf32, #tpu.memory_space<hbm>> -> memref<14336xf32, #tpu.memory_space<hbm>>
        %dma_start3A_192 = tpu.memref_slice %arg2[%mul3A_186] : memref<38535168xf32, #tpu.memory_space<hbm>> -> memref<14336xf32, #tpu.memory_space<hbm>>
        tpu.enqueue_dma source(%dma_start3A_192 : memref<14336xf32, #tpu.memory_space<hbm>>) target(%arg7 : memref<14336xf32, #tpu.memory_space<vmem>>) target_semaphore(%arg17 : memref<!tpu.dma_semaphore, #tpu.memory_space<semaphore_mem>>)
        %dma_start3A_193 = tpu.memref_slice %arg3[%mul3A_188] : memref<48168960xf32, #tpu.memory_space<hbm>> -> memref<17920xf32, #tpu.memory_space<hbm>>
        %dma_start3A_194 = tpu.memref_slice %arg3[%mul3A_188] : memref<48168960xf32, #tpu.memory_space<hbm>> -> memref<17920xf32, #tpu.memory_space<hbm>>
        tpu.enqueue_dma source(%dma_start3A_194 : memref<17920xf32, #tpu.memory_space<hbm>>) target(%arg9 : memref<17920xf32, #tpu.memory_space<vmem>>) target_semaphore(%arg19 : memref<!tpu.dma_semaphore, #tpu.memory_space<semaphore_mem>>)
      } else {
      }
      %ge3A_126 = arith.constant 2 : i32
      %ge3A_127 = arith.cmpi sge, %add3A_78, %ge3A_126 : i32
      %convert_element_type3A_128 = arith.extui %ge3A_127 : i1 to i32
      %cond3A_129 = arith.constant 0 : i32
      %cond3A_130 = arith.cmpi ne, %convert_element_type3A_128, %cond3A_129 : i32
      scf.if %cond3A_130 {
        %sub3A = arith.constant 2 : i32
        %sub3A_178 = arith.subi %add3A_78, %sub3A : i32
        %mul3A_179 = arith.constant 2688 : i32
        %mul3A_180 = arith.muli %add3A, %mul3A_179 : i32
        %mul3A_181 = arith.constant 32 : i32
        %mul3A_182 = arith.muli %sub3A_178, %mul3A_181 : i32
        %add3A_183 = arith.addi %mul3A_180, %mul3A_182 : i32
        %mul3A_184 = arith.constant 448 : i32
        %mul3A_185 = arith.muli %add3A_183, %mul3A_184 : i32
        %mul3A_186 = arith.constant 560 : i32
        %mul3A_187 = arith.muli %add3A_183, %mul3A_186 : i32
        %mul3A_188 = arith.constant 112 : i32
        %mul3A_189 = arith.muli %add3A_183, %mul3A_188 : i32
        %dma_wait3A_190 = tpu.memref_slice %arg4[%mul3A_185] : memref<38535168xf32, #tpu.memory_space<hbm>> -> memref<14336xf32, #tpu.memory_space<hbm>>
        %dma_wait3A_191 = tpu.memref_slice %arg4[%mul3A_185] : memref<38535168xf32, #tpu.memory_space<hbm>> -> memref<14336xf32, #tpu.memory_space<hbm>>
        tpu.wait_dma2 semaphore(%arg22 : memref<!tpu.dma_semaphore, #tpu.memory_space<semaphore_mem>>) src(%arg12 : memref<14336xf32, #tpu.memory_space<vmem>>) dst(%dma_wait3A_191 : memref<14336xf32, #tpu.memory_space<hbm>>)
        %dma_wait3A_192 = tpu.memref_slice %arg5[%mul3A_189] : memref<9633792xf32, #tpu.memory_space<hbm>> -> memref<3584xf32, #tpu.memory_space<hbm>>
        %dma_wait3A_193 = tpu.memref_slice %arg5[%mul3A_189] : memref<9633792xf32, #tpu.memory_space<hbm>> -> memref<3584xf32, #tpu.memory_space<hbm>>
        tpu.wait_dma2 semaphore(%arg24 : memref<!tpu.dma_semaphore, #tpu.memory_space<semaphore_mem>>) src(%arg14 : memref<3584xf32, #tpu.memory_space<vmem>>) dst(%dma_wait3A_193 : memref<3584xf32, #tpu.memory_space<hbm>>)
        %dma_wait3A_194 = tpu.memref_slice %arg6[%mul3A_189] : memref<9633792xi32, #tpu.memory_space<hbm>> -> memref<3584xi32, #tpu.memory_space<hbm>>
        %dma_wait3A_195 = tpu.memref_slice %arg6[%mul3A_189] : memref<9633792xi32, #tpu.memory_space<hbm>> -> memref<3584xi32, #tpu.memory_space<hbm>>
        tpu.wait_dma2 semaphore(%arg26 : memref<!tpu.dma_semaphore, #tpu.memory_space<semaphore_mem>>) src(%arg16 : memref<3584xi32, #tpu.memory_space<vmem>>) dst(%dma_wait3A_195 : memref<3584xi32, #tpu.memory_space<hbm>>)
      } else {
      }
      %mul3A_131 = arith.constant 2688 : i32
      %mul3A_132 = arith.muli %add3A, %mul3A_131 : i32
      %mul3A_133 = arith.constant 32 : i32
      %mul3A_134 = arith.muli %add3A_78, %mul3A_133 : i32
      %add3A_135 = arith.addi %mul3A_132, %mul3A_134 : i32
      %mul3A_136 = arith.constant 448 : i32
      %mul3A_137 = arith.muli %add3A_135, %mul3A_136 : i32
      %mul3A_138 = arith.constant 560 : i32
      %mul3A_139 = arith.muli %add3A_135, %mul3A_138 : i32
      %mul3A_140 = arith.constant 112 : i32
      %mul3A_141 = arith.muli %add3A_135, %mul3A_140 : i32
      %dma_wait3A_142 = tpu.memref_slice %arg2[%mul3A_137] : memref<38535168xf32, #tpu.memory_space<hbm>> -> memref<14336xf32, #tpu.memory_space<hbm>>
      %dma_wait3A_143 = tpu.memref_slice %arg2[%mul3A_137] : memref<38535168xf32, #tpu.memory_space<hbm>> -> memref<14336xf32, #tpu.memory_space<hbm>>
      tpu.wait_dma2 semaphore(%arg18 : memref<!tpu.dma_semaphore, #tpu.memory_space<semaphore_mem>>) src(%dma_wait3A_143 : memref<14336xf32, #tpu.memory_space<hbm>>) dst(%arg8 : memref<14336xf32, #tpu.memory_space<vmem>>)
      %dma_wait3A_144 = tpu.memref_slice %arg3[%mul3A_139] : memref<48168960xf32, #tpu.memory_space<hbm>> -> memref<17920xf32, #tpu.memory_space<hbm>>
      %dma_wait3A_145 = tpu.memref_slice %arg3[%mul3A_139] : memref<48168960xf32, #tpu.memory_space<hbm>> -> memref<17920xf32, #tpu.memory_space<hbm>>
      tpu.wait_dma2 semaphore(%arg20 : memref<!tpu.dma_semaphore, #tpu.memory_space<semaphore_mem>>) src(%dma_wait3A_145 : memref<17920xf32, #tpu.memory_space<hbm>>) dst(%arg10 : memref<17920xf32, #tpu.memory_space<vmem>>)
      %scan3A_146 = arith.constant 0 : i32
      %scan3A_147 = arith.constant 0 : i32
      %scan3A_148 = arith.constant 32 : i32
      %scan3A_149 = arith.addi %scan3A_147, %scan3A_148 : i32
      %scan3A_150 = arith.constant 1 : i32
      %scan3A_151 = scf.for %scan3A_178 = %scan3A_147 to %scan3A_149 step %scan3A_150 iter_args(%scan3A_179 = %scan3A_146) -> (i32)  : i32 {
        %mul3A_180 = arith.constant 448 : i32
        %mul3A_181 = arith.muli %scan3A_178, %mul3A_180 : i32
        %mul3A_182 = arith.constant 560 : i32
        %mul3A_183 = arith.muli %scan3A_178, %mul3A_182 : i32
        %mul3A_184 = arith.constant 112 : i32
        %mul3A_185 = arith.muli %scan3A_178, %mul3A_184 : i32
        %add3A_186 = arith.constant 0 : i32
        %add3A_187 = arith.addi %mul3A_181, %add3A_186 : i32
        %add3A_188 = vector.broadcast %add3A_187 : i32 to vector<16xi32>
        %add3A_189 = arith.addi %mul3A_3, %add3A_188 : vector<16xi32>
        %add3A_190 = arith.constant 1 : i32
        %add3A_191 = vector.broadcast %add3A_190 : i32 to vector<16xi32>
        %add3A_192 = arith.addi %add3A_189, %add3A_191 : vector<16xi32>
        %add3A_193 = arith.constant 224 : i32
        %add3A_194 = vector.broadcast %add3A_193 : i32 to vector<16xi32>
        %add3A_195 = arith.addi %add3A_189, %add3A_194 : vector<16xi32>
        %add3A_196 = arith.constant 225 : i32
        %add3A_197 = vector.broadcast %add3A_196 : i32 to vector<16xi32>
        %add3A_198 = arith.addi %add3A_189, %add3A_197 : vector<16xi32>
        %add3A_199 = arith.constant 0 : i32
        %add3A_200 = arith.addi %mul3A_183, %add3A_199 : i32
        %add3A_201 = vector.broadcast %add3A_200 : i32 to vector<16xi32>
        %add3A_202 = arith.addi %mul3A_6, %add3A_201 : vector<16xi32>
        %gather3A = tpu.vector_load_idx %arg8[%add3A_189] : memref<14336xf32, #tpu.memory_space<vmem>>[vector<16xi32>], vector<16xf32>,
        %gather3A_203 = tpu.vector_load_idx %arg8[%add3A_192] : memref<14336xf32, #tpu.memory_space<vmem>>[vector<16xi32>], vector<16xf32>,
        %gather3A_204 = tpu.vector_load_idx %arg8[%add3A_195] : memref<14336xf32, #tpu.memory_space<vmem>>[vector<16xi32>], vector<16xf32>,
        %gather3A_205 = tpu.vector_load_idx %arg8[%add3A_198] : memref<14336xf32, #tpu.memory_space<vmem>>[vector<16xi32>], vector<16xf32>,
        %gather3A_206 = tpu.vector_load_idx %arg10[%add3A_202] : memref<17920xf32, #tpu.memory_space<vmem>>[vector<16xi32>], vector<16xf32>,
        %add3A_207 = arith.constant 1 : i32
        %add3A_208 = vector.broadcast %add3A_207 : i32 to vector<16xi32>
        %add3A_209 = arith.addi %add3A_202, %add3A_208 : vector<16xi32>
        %gather3A_210 = tpu.vector_load_idx %arg10[%add3A_209] : memref<17920xf32, #tpu.memory_space<vmem>>[vector<16xi32>], vector<16xf32>,
        %add3A_211 = arith.constant 2 : i32
        %add3A_212 = vector.broadcast %add3A_211 : i32 to vector<16xi32>
        %add3A_213 = arith.addi %add3A_202, %add3A_212 : vector<16xi32>
        %gather3A_214 = tpu.vector_load_idx %arg10[%add3A_213] : memref<17920xf32, #tpu.memory_space<vmem>>[vector<16xi32>], vector<16xf32>,
        %add3A_215 = arith.constant 3 : i32
        %add3A_216 = vector.broadcast %add3A_215 : i32 to vector<16xi32>
        %add3A_217 = arith.addi %add3A_202, %add3A_216 : vector<16xi32>
        %gather3A_218 = tpu.vector_load_idx %arg10[%add3A_217] : memref<17920xf32, #tpu.memory_space<vmem>>[vector<16xi32>], vector<16xf32>,
        %add3A_219 = arith.constant 4 : i32
        %add3A_220 = vector.broadcast %add3A_219 : i32 to vector<16xi32>
        %add3A_221 = arith.addi %add3A_202, %add3A_220 : vector<16xi32>
        %gather3A_222 = tpu.vector_load_idx %arg10[%add3A_221] : memref<17920xf32, #tpu.memory_space<vmem>>[vector<16xi32>], vector<16xf32>,
        %max3A = arith.maximumf %gather3A, %gather3A_203 : vector<16xf32>
        %max3A_223 = arith.maximumf %gather3A_204, %gather3A_205 : vector<16xf32>
        %max3A_224 = arith.maximumf %max3A, %max3A_223 : vector<16xf32>
        %max3A_225 = arith.constant 0.000000e+00 : f32
        %max3A_226 = vector.broadcast %max3A_225 : f32 to vector<16xf32>
        %max3A_227 = arith.maximumf %max3A_224, %max3A_226 : vector<16xf32>
        %sub3A = arith.subf %gather3A, %max3A_227 : vector<16xf32>
        %exp3A = math.exp %sub3A : vector<16xf32>
        %sub3A_228 = arith.subf %gather3A_203, %max3A_227 : vector<16xf32>
        %exp3A_229 = math.exp %sub3A_228 : vector<16xf32>
        %sub3A_230 = arith.subf %gather3A_204, %max3A_227 : vector<16xf32>
        %exp3A_231 = math.exp %sub3A_230 : vector<16xf32>
        %sub3A_232 = arith.subf %gather3A_205, %max3A_227 : vector<16xf32>
        %exp3A_233 = math.exp %sub3A_232 : vector<16xf32>
        %sub3A_234 = arith.constant 0.000000e+00 : f32
        %sub3A_235 = vector.broadcast %sub3A_234 : f32 to vector<16xf32>
        %sub3A_236 = arith.subf %sub3A_235, %max3A_227 : vector<16xf32>
        %exp3A_237 = math.exp %sub3A_236 : vector<16xf32>
        %add3A_238 = arith.addf %exp3A, %exp3A_229 : vector<16xf32>
        %add3A_239 = arith.addf %add3A_238, %exp3A_231 : vector<16xf32>
        %add3A_240 = arith.addf %add3A_239, %exp3A_233 : vector<16xf32>
        %add3A_241 = arith.addf %add3A_240, %exp3A_237 : vector<16xf32>
        %add3A_242 = arith.constant 9.99999993E-9 : f32
        %add3A_243 = vector.broadcast %add3A_242 : f32 to vector<16xf32>
        %add3A_244 = arith.addf %add3A_241, %add3A_243 : vector<16xf32>
        %div3A = arith.constant 1.000000e+00 : f32
        %div3A_245 = vector.broadcast %div3A : f32 to vector<16xf32>
        %div3A_246 = arith.divf %div3A_245, %add3A_244 : vector<16xf32>
        %mul3A_247 = arith.constant 9.99999993E-9 : f32
        %mul3A_248 = vector.broadcast %mul3A_247 : f32 to vector<16xf32>
        %mul3A_249 = arith.mulf %mul3A_248, %add3A_244 : vector<16xf32>
        %add3A_250 = arith.addf %exp3A, %mul3A_249 : vector<16xf32>
        %mul3A_251 = arith.mulf %add3A_250, %gather3A_206 : vector<16xf32>
        %add3A_252 = arith.addf %exp3A_229, %mul3A_249 : vector<16xf32>
        %mul3A_253 = arith.mulf %add3A_252, %gather3A_210 : vector<16xf32>
        %add3A_254 = arith.addf %exp3A_231, %mul3A_249 : vector<16xf32>
        %mul3A_255 = arith.mulf %add3A_254, %gather3A_214 : vector<16xf32>
        %add3A_256 = arith.addf %exp3A_233, %mul3A_249 : vector<16xf32>
        %mul3A_257 = arith.mulf %add3A_256, %gather3A_218 : vector<16xf32>
        %add3A_258 = arith.addf %exp3A_237, %mul3A_249 : vector<16xf32>
        %mul3A_259 = arith.mulf %add3A_258, %gather3A_222 : vector<16xf32>
        %max3A_260 = arith.maximumf %mul3A_251, %mul3A_253 : vector<16xf32>
        %max3A_261 = arith.maximumf %mul3A_255, %mul3A_257 : vector<16xf32>
        %max3A_262 = arith.maximumf %max3A_260, %max3A_261 : vector<16xf32>
        %max3A_263 = arith.maximumf %max3A_262, %mul3A_259 : vector<16xf32>
        %eq3A = arith.cmpf oeq, %mul3A_251, %max3A_263 : vector<16xf32>
        %eq3A_264 = arith.cmpf oeq, %mul3A_253, %max3A_263 : vector<16xf32>
        %eq3A_265 = arith.cmpf oeq, %mul3A_255, %max3A_263 : vector<16xf32>
        %eq3A_266 = arith.cmpf oeq, %mul3A_257, %max3A_263 : vector<16xf32>
        %jit3A = arith.constant 3 : i32
        %jit3A_267 = arith.constant 4 : i32
        %broadcast_in_dim3A = vector.broadcast %jit3A : i32 to vector<16xi32>
        %broadcast_in_dim3A_268 = vector.broadcast %jit3A_267 : i32 to vector<16xi32>
        %select_n3A = arith.select %eq3A_266, %broadcast_in_dim3A, %broadcast_in_dim3A_268 : vector<16xi1>, vector<16xi32>
        %jit3A_269 = arith.constant 2 : i32
        %broadcast_in_dim3A_270 = vector.broadcast %jit3A_269 : i32 to vector<16xi32>
        %select_n3A_271 = arith.select %eq3A_265, %broadcast_in_dim3A_270, %select_n3A : vector<16xi1>, vector<16xi32>
        %jit3A_272 = arith.constant 1 : i32
        %broadcast_in_dim3A_273 = vector.broadcast %jit3A_272 : i32 to vector<16xi32>
        %select_n3A_274 = arith.select %eq3A_264, %broadcast_in_dim3A_273, %select_n3A_271 : vector<16xi1>, vector<16xi32>
        %jit3A_275 = arith.constant 0 : i32
        %broadcast_in_dim3A_276 = vector.broadcast %jit3A_275 : i32 to vector<16xi32>
        %select_n3A_277 = arith.select %eq3A, %broadcast_in_dim3A_276, %select_n3A_274 : vector<16xi1>, vector<16xi32>
        %broadcast_in_dim3A_278 = arith.constant 0.000000e+00 : f32
        %broadcast_in_dim3A_279 = vector.broadcast %broadcast_in_dim3A_278 : f32 to vector<16xf32>
        %mul3A_280 = arith.mulf %exp3A, %div3A_246 : vector<16xf32>
        %select_n3A_281 = arith.select %eq3A, %mul3A_280, %broadcast_in_dim3A_279 : vector<16xi1>, vector<16xf32>
        %mul3A_282 = arith.mulf %exp3A_229, %div3A_246 : vector<16xf32>
        %select_n3A_283 = arith.select %eq3A_264, %mul3A_282, %broadcast_in_dim3A_279 : vector<16xi1>, vector<16xf32>
        %mul3A_284 = arith.mulf %exp3A_231, %div3A_246 : vector<16xf32>
        %select_n3A_285 = arith.select %eq3A_265, %mul3A_284, %broadcast_in_dim3A_279 : vector<16xi1>, vector<16xf32>
        %mul3A_286 = arith.mulf %exp3A_233, %div3A_246 : vector<16xf32>
        %select_n3A_287 = arith.select %eq3A_266, %mul3A_286, %broadcast_in_dim3A_279 : vector<16xi1>, vector<16xf32>
        %mul3A_288 = arith.mulf %add3A_240, %div3A_246 : vector<16xf32>
        %max3A_289 = arith.constant 0.000000e+00 : f32
        %max3A_290 = vector.broadcast %max3A_289 : f32 to vector<16xf32>
        %max3A_291 = arith.maximumf %mul3A_288, %max3A_290 : vector<16xf32>
        %min3A = arith.constant 1.000000e+00 : f32
        %min3A_292 = vector.broadcast %min3A : f32 to vector<16xf32>
        %min3A_293 = arith.minimumf %max3A_291, %min3A_292 : vector<16xf32>
        tpu.vector_store_idx %arg12[%add3A_189], %select_n3A_281 : memref<14336xf32, #tpu.memory_space<vmem>>[vector<16xi32>], vector<16xf32>,
        tpu.vector_store_idx %arg12[%add3A_192], %select_n3A_283 : memref<14336xf32, #tpu.memory_space<vmem>>[vector<16xi32>], vector<16xf32>,
        tpu.vector_store_idx %arg12[%add3A_195], %select_n3A_285 : memref<14336xf32, #tpu.memory_space<vmem>>[vector<16xi32>], vector<16xf32>,
        tpu.vector_store_idx %arg12[%add3A_198], %select_n3A_287 : memref<14336xf32, #tpu.memory_space<vmem>>[vector<16xi32>], vector<16xf32>,
        %add3A_294 = arith.constant 0 : i32
        %add3A_295 = arith.addi %mul3A_185, %add3A_294 : i32
        %swap3A = arith.index_cast %add3A_295 : i32 to index
        %swap3A_296 = tpu.vector_load %arg14[%swap3A] {strides = array<i32>} : memref<3584xf32, #tpu.memory_space<vmem>>, vector<16xf32>,
        tpu.vector_store %arg14[%swap3A], %min3A_293 {strides = array<i32>} : memref<3584xf32, #tpu.memory_space<vmem>>, vector<16xf32>,
        %add3A_297 = arith.constant 0 : i32
        %add3A_298 = arith.addi %mul3A_185, %add3A_297 : i32
        %swap3A_299 = arith.index_cast %add3A_298 : i32 to index
        %swap3A_300 = tpu.vector_load %arg16[%swap3A_299] {strides = array<i32>} : memref<3584xi32, #tpu.memory_space<vmem>>, vector<16xi32>,
        tpu.vector_store %arg16[%swap3A_299], %select_n3A_277 {strides = array<i32>} : memref<3584xi32, #tpu.memory_space<vmem>>, vector<16xi32>,
        %add3A_301 = arith.constant 32 : i32
        %add3A_302 = arith.addi %mul3A_181, %add3A_301 : i32
        %add3A_303 = vector.broadcast %add3A_302 : i32 to vector<16xi32>
        %add3A_304 = arith.addi %mul3A_3, %add3A_303 : vector<16xi32>
        %add3A_305 = arith.constant 1 : i32
        %add3A_306 = vector.broadcast %add3A_305 : i32 to vector<16xi32>
        %add3A_307 = arith.addi %add3A_304, %add3A_306 : vector<16xi32>
        %add3A_308 = arith.constant 224 : i32
        %add3A_309 = vector.broadcast %add3A_308 : i32 to vector<16xi32>
        %add3A_310 = arith.addi %add3A_304, %add3A_309 : vector<16xi32>
        %add3A_311 = arith.constant 225 : i32
        %add3A_312 = vector.broadcast %add3A_311 : i32 to vector<16xi32>
        %add3A_313 = arith.addi %add3A_304, %add3A_312 : vector<16xi32>
        %add3A_314 = arith.constant 80 : i32
        %add3A_315 = arith.addi %mul3A_183, %add3A_314 : i32
        %add3A_316 = vector.broadcast %add3A_315 : i32 to vector<16xi32>
        %add3A_317 = arith.addi %mul3A_6, %add3A_316 : vector<16xi32>
        %gather3A_318 = tpu.vector_load_idx %arg8[%add3A_304] : memref<14336xf32, #tpu.memory_space<vmem>>[vector<16xi32>], vector<16xf32>,
        %gather3A_319 = tpu.vector_load_idx %arg8[%add3A_307] : memref<14336xf32, #tpu.memory_space<vmem>>[vector<16xi32>], vector<16xf32>,
        %gather3A_320 = tpu.vector_load_idx %arg8[%add3A_310] : memref<14336xf32, #tpu.memory_space<vmem>>[vector<16xi32>], vector<16xf32>,
        %gather3A_321 = tpu.vector_load_idx %arg8[%add3A_313] : memref<14336xf32, #tpu.memory_space<vmem>>[vector<16xi32>], vector<16xf32>,
        %gather3A_322 = tpu.vector_load_idx %arg10[%add3A_317] : memref<17920xf32, #tpu.memory_space<vmem>>[vector<16xi32>], vector<16xf32>,
        %add3A_323 = arith.constant 1 : i32
        %add3A_324 = vector.broadcast %add3A_323 : i32 to vector<16xi32>
        %add3A_325 = arith.addi %add3A_317, %add3A_324 : vector<16xi32>
        %gather3A_326 = tpu.vector_load_idx %arg10[%add3A_325] : memref<17920xf32, #tpu.memory_space<vmem>>[vector<16xi32>], vector<16xf32>,
        %add3A_327 = arith.constant 2 : i32
        %add3A_328 = vector.broadcast %add3A_327 : i32 to vector<16xi32>
        %add3A_329 = arith.addi %add3A_317, %add3A_328 : vector<16xi32>
        %gather3A_330 = tpu.vector_load_idx %arg10[%add3A_329] : memref<17920xf32, #tpu.memory_space<vmem>>[vector<16xi32>], vector<16xf32>,
        %add3A_331 = arith.constant 3 : i32
        %add3A_332 = vector.broadcast %add3A_331 : i32 to vector<16xi32>
        %add3A_333 = arith.addi %add3A_317, %add3A_332 : vector<16xi32>
        %gather3A_334 = tpu.vector_load_idx %arg10[%add3A_333] : memref<17920xf32, #tpu.memory_space<vmem>>[vector<16xi32>], vector<16xf32>,
        %add3A_335 = arith.constant 4 : i32
        %add3A_336 = vector.broadcast %add3A_335 : i32 to vector<16xi32>
        %add3A_337 = arith.addi %add3A_317, %add3A_336 : vector<16xi32>
        %gather3A_338 = tpu.vector_load_idx %arg10[%add3A_337] : memref<17920xf32, #tpu.memory_space<vmem>>[vector<16xi32>], vector<16xf32>,
        %max3A_339 = arith.maximumf %gather3A_318, %gather3A_319 : vector<16xf32>
        %max3A_340 = arith.maximumf %gather3A_320, %gather3A_321 : vector<16xf32>
        %max3A_341 = arith.maximumf %max3A_339, %max3A_340 : vector<16xf32>
        %max3A_342 = arith.constant 0.000000e+00 : f32
        %max3A_343 = vector.broadcast %max3A_342 : f32 to vector<16xf32>
        %max3A_344 = arith.maximumf %max3A_341, %max3A_343 : vector<16xf32>
        %sub3A_345 = arith.subf %gather3A_318, %max3A_344 : vector<16xf32>
        %exp3A_346 = math.exp %sub3A_345 : vector<16xf32>
        %sub3A_347 = arith.subf %gather3A_319, %max3A_344 : vector<16xf32>
        %exp3A_348 = math.exp %sub3A_347 : vector<16xf32>
        %sub3A_349 = arith.subf %gather3A_320, %max3A_344 : vector<16xf32>
        %exp3A_350 = math.exp %sub3A_349 : vector<16xf32>
        %sub3A_351 = arith.subf %gather3A_321, %max3A_344 : vector<16xf32>
        %exp3A_352 = math.exp %sub3A_351 : vector<16xf32>
        %sub3A_353 = arith.constant 0.000000e+00 : f32
        %sub3A_354 = vector.broadcast %sub3A_353 : f32 to vector<16xf32>
        %sub3A_355 = arith.subf %sub3A_354, %max3A_344 : vector<16xf32>
        %exp3A_356 = math.exp %sub3A_355 : vector<16xf32>
        %add3A_357 = arith.addf %exp3A_346, %exp3A_348 : vector<16xf32>
        %add3A_358 = arith.addf %add3A_357, %exp3A_350 : vector<16xf32>
        %add3A_359 = arith.addf %add3A_358, %exp3A_352 : vector<16xf32>
        %add3A_360 = arith.addf %add3A_359, %exp3A_356 : vector<16xf32>
        %add3A_361 = arith.constant 9.99999993E-9 : f32
        %add3A_362 = vector.broadcast %add3A_361 : f32 to vector<16xf32>
        %add3A_363 = arith.addf %add3A_360, %add3A_362 : vector<16xf32>
        %div3A_364 = arith.constant 1.000000e+00 : f32
        %div3A_365 = vector.broadcast %div3A_364 : f32 to vector<16xf32>
        %div3A_366 = arith.divf %div3A_365, %add3A_363 : vector<16xf32>
        %mul3A_367 = arith.constant 9.99999993E-9 : f32
        %mul3A_368 = vector.broadcast %mul3A_367 : f32 to vector<16xf32>
        %mul3A_369 = arith.mulf %mul3A_368, %add3A_363 : vector<16xf32>
        %add3A_370 = arith.addf %exp3A_346, %mul3A_369 : vector<16xf32>
        %mul3A_371 = arith.mulf %add3A_370, %gather3A_322 : vector<16xf32>
        %add3A_372 = arith.addf %exp3A_348, %mul3A_369 : vector<16xf32>
        %mul3A_373 = arith.mulf %add3A_372, %gather3A_326 : vector<16xf32>
        %add3A_374 = arith.addf %exp3A_350, %mul3A_369 : vector<16xf32>
        %mul3A_375 = arith.mulf %add3A_374, %gather3A_330 : vector<16xf32>
        %add3A_376 = arith.addf %exp3A_352, %mul3A_369 : vector<16xf32>
        %mul3A_377 = arith.mulf %add3A_376, %gather3A_334 : vector<16xf32>
        %add3A_378 = arith.addf %exp3A_356, %mul3A_369 : vector<16xf32>
        %mul3A_379 = arith.mulf %add3A_378, %gather3A_338 : vector<16xf32>
        %max3A_380 = arith.maximumf %mul3A_371, %mul3A_373 : vector<16xf32>
        %max3A_381 = arith.maximumf %mul3A_375, %mul3A_377 : vector<16xf32>
        %max3A_382 = arith.maximumf %max3A_380, %max3A_381 : vector<16xf32>
        %max3A_383 = arith.maximumf %max3A_382, %mul3A_379 : vector<16xf32>
        %eq3A_384 = arith.cmpf oeq, %mul3A_371, %max3A_383 : vector<16xf32>
        %eq3A_385 = arith.cmpf oeq, %mul3A_373, %max3A_383 : vector<16xf32>
        %eq3A_386 = arith.cmpf oeq, %mul3A_375, %max3A_383 : vector<16xf32>
        %eq3A_387 = arith.cmpf oeq, %mul3A_377, %max3A_383 : vector<16xf32>
        %jit3A_388 = arith.constant 3 : i32
        %jit3A_389 = arith.constant 4 : i32
        %broadcast_in_dim3A_390 = vector.broadcast %jit3A_388 : i32 to vector<16xi32>
        %broadcast_in_dim3A_391 = vector.broadcast %jit3A_389 : i32 to vector<16xi32>
        %select_n3A_392 = arith.select %eq3A_387, %broadcast_in_dim3A_390, %broadcast_in_dim3A_391 : vector<16xi1>, vector<16xi32>
        %jit3A_393 = arith.constant 2 : i32
        %broadcast_in_dim3A_394 = vector.broadcast %jit3A_393 : i32 to vector<16xi32>
        %select_n3A_395 = arith.select %eq3A_386, %broadcast_in_dim3A_394, %select_n3A_392 : vector<16xi1>, vector<16xi32>
        %jit3A_396 = arith.constant 1 : i32
        %broadcast_in_dim3A_397 = vector.broadcast %jit3A_396 : i32 to vector<16xi32>
        %select_n3A_398 = arith.select %eq3A_385, %broadcast_in_dim3A_397, %select_n3A_395 : vector<16xi1>, vector<16xi32>
        %jit3A_399 = arith.constant 0 : i32
        %broadcast_in_dim3A_400 = vector.broadcast %jit3A_399 : i32 to vector<16xi32>
        %select_n3A_401 = arith.select %eq3A_384, %broadcast_in_dim3A_400, %select_n3A_398 : vector<16xi1>, vector<16xi32>
        %broadcast_in_dim3A_402 = arith.constant 0.000000e+00 : f32
        %broadcast_in_dim3A_403 = vector.broadcast %broadcast_in_dim3A_402 : f32 to vector<16xf32>
        %mul3A_404 = arith.mulf %exp3A_346, %div3A_366 : vector<16xf32>
        %select_n3A_405 = arith.select %eq3A_384, %mul3A_404, %broadcast_in_dim3A_403 : vector<16xi1>, vector<16xf32>
        %mul3A_406 = arith.mulf %exp3A_348, %div3A_366 : vector<16xf32>
        %select_n3A_407 = arith.select %eq3A_385, %mul3A_406, %broadcast_in_dim3A_403 : vector<16xi1>, vector<16xf32>
        %mul3A_408 = arith.mulf %exp3A_350, %div3A_366 : vector<16xf32>
        %select_n3A_409 = arith.select %eq3A_386, %mul3A_408, %broadcast_in_dim3A_403 : vector<16xi1>, vector<16xf32>
        %mul3A_410 = arith.mulf %exp3A_352, %div3A_366 : vector<16xf32>
        %select_n3A_411 = arith.select %eq3A_387, %mul3A_410, %broadcast_in_dim3A_403 : vector<16xi1>, vector<16xf32>
        %mul3A_412 = arith.mulf %add3A_359, %div3A_366 : vector<16xf32>
        %max3A_413 = arith.constant 0.000000e+00 : f32
        %max3A_414 = vector.broadcast %max3A_413 : f32 to vector<16xf32>
        %max3A_415 = arith.maximumf %mul3A_412, %max3A_414 : vector<16xf32>
        %min3A_416 = arith.constant 1.000000e+00 : f32
        %min3A_417 = vector.broadcast %min3A_416 : f32 to vector<16xf32>
        %min3A_418 = arith.minimumf %max3A_415, %min3A_417 : vector<16xf32>
        tpu.vector_store_idx %arg12[%add3A_304], %select_n3A_405 : memref<14336xf32, #tpu.memory_space<vmem>>[vector<16xi32>], vector<16xf32>,
        tpu.vector_store_idx %arg12[%add3A_307], %select_n3A_407 : memref<14336xf32, #tpu.memory_space<vmem>>[vector<16xi32>], vector<16xf32>,
        tpu.vector_store_idx %arg12[%add3A_310], %select_n3A_409 : memref<14336xf32, #tpu.memory_space<vmem>>[vector<16xi32>], vector<16xf32>,
        tpu.vector_store_idx %arg12[%add3A_313], %select_n3A_411 : memref<14336xf32, #tpu.memory_space<vmem>>[vector<16xi32>], vector<16xf32>,
        %add3A_419 = arith.constant 16 : i32
        %add3A_420 = arith.addi %mul3A_185, %add3A_419 : i32
        %swap3A_421 = arith.index_cast %add3A_420 : i32 to index
        %swap3A_422 = tpu.vector_load %arg14[%swap3A_421] {strides = array<i32>} : memref<3584xf32, #tpu.memory_space<vmem>>, vector<16xf32>,
        tpu.vector_store %arg14[%swap3A_421], %min3A_418 {strides = array<i32>} : memref<3584xf32, #tpu.memory_space<vmem>>, vector<16xf32>,
        %add3A_423 = arith.constant 16 : i32
        %add3A_424 = arith.addi %mul3A_185, %add3A_423 : i32
        %swap3A_425 = arith.index_cast %add3A_424 : i32 to index
        %swap3A_426 = tpu.vector_load %arg16[%swap3A_425] {strides = array<i32>} : memref<3584xi32, #tpu.memory_space<vmem>>, vector<16xi32>,
        tpu.vector_store %arg16[%swap3A_425], %select_n3A_401 {strides = array<i32>} : memref<3584xi32, #tpu.memory_space<vmem>>, vector<16xi32>,
        %add3A_427 = arith.constant 64 : i32
        %add3A_428 = arith.addi %mul3A_181, %add3A_427 : i32
        %add3A_429 = vector.broadcast %add3A_428 : i32 to vector<16xi32>
        %add3A_430 = arith.addi %mul3A_3, %add3A_429 : vector<16xi32>
        %add3A_431 = arith.constant 1 : i32
        %add3A_432 = vector.broadcast %add3A_431 : i32 to vector<16xi32>
        %add3A_433 = arith.addi %add3A_430, %add3A_432 : vector<16xi32>
        %add3A_434 = arith.constant 224 : i32
        %add3A_435 = vector.broadcast %add3A_434 : i32 to vector<16xi32>
        %add3A_436 = arith.addi %add3A_430, %add3A_435 : vector<16xi32>
        %add3A_437 = arith.constant 225 : i32
        %add3A_438 = vector.broadcast %add3A_437 : i32 to vector<16xi32>
        %add3A_439 = arith.addi %add3A_430, %add3A_438 : vector<16xi32>
        %add3A_440 = arith.constant 160 : i32
        %add3A_441 = arith.addi %mul3A_183, %add3A_440 : i32
        %add3A_442 = vector.broadcast %add3A_441 : i32 to vector<16xi32>
        %add3A_443 = arith.addi %mul3A_6, %add3A_442 : vector<16xi32>
        %gather3A_444 = tpu.vector_load_idx %arg8[%add3A_430] : memref<14336xf32, #tpu.memory_space<vmem>>[vector<16xi32>], vector<16xf32>,
        %gather3A_445 = tpu.vector_load_idx %arg8[%add3A_433] : memref<14336xf32, #tpu.memory_space<vmem>>[vector<16xi32>], vector<16xf32>,
        %gather3A_446 = tpu.vector_load_idx %arg8[%add3A_436] : memref<14336xf32, #tpu.memory_space<vmem>>[vector<16xi32>], vector<16xf32>,
        %gather3A_447 = tpu.vector_load_idx %arg8[%add3A_439] : memref<14336xf32, #tpu.memory_space<vmem>>[vector<16xi32>], vector<16xf32>,
        %gather3A_448 = tpu.vector_load_idx %arg10[%add3A_443] : memref<17920xf32, #tpu.memory_space<vmem>>[vector<16xi32>], vector<16xf32>,
        %add3A_449 = arith.constant 1 : i32
        %add3A_450 = vector.broadcast %add3A_449 : i32 to vector<16xi32>
        %add3A_451 = arith.addi %add3A_443, %add3A_450 : vector<16xi32>
        %gather3A_452 = tpu.vector_load_idx %arg10[%add3A_451] : memref<17920xf32, #tpu.memory_space<vmem>>[vector<16xi32>], vector<16xf32>,
        %add3A_453 = arith.constant 2 : i32
        %add3A_454 = vector.broadcast %add3A_453 : i32 to vector<16xi32>
        %add3A_455 = arith.addi %add3A_443, %add3A_454 : vector<16xi32>
        %gather3A_456 = tpu.vector_load_idx %arg10[%add3A_455] : memref<17920xf32, #tpu.memory_space<vmem>>[vector<16xi32>], vector<16xf32>,
        %add3A_457 = arith.constant 3 : i32
        %add3A_458 = vector.broadcast %add3A_457 : i32 to vector<16xi32>
        %add3A_459 = arith.addi %add3A_443, %add3A_458 : vector<16xi32>
        %gather3A_460 = tpu.vector_load_idx %arg10[%add3A_459] : memref<17920xf32, #tpu.memory_space<vmem>>[vector<16xi32>], vector<16xf32>,
        %add3A_461 = arith.constant 4 : i32
        %add3A_462 = vector.broadcast %add3A_461 : i32 to vector<16xi32>
        %add3A_463 = arith.addi %add3A_443, %add3A_462 : vector<16xi32>
        %gather3A_464 = tpu.vector_load_idx %arg10[%add3A_463] : memref<17920xf32, #tpu.memory_space<vmem>>[vector<16xi32>], vector<16xf32>,
        %max3A_465 = arith.maximumf %gather3A_444, %gather3A_445 : vector<16xf32>
        %max3A_466 = arith.maximumf %gather3A_446, %gather3A_447 : vector<16xf32>
        %max3A_467 = arith.maximumf %max3A_465, %max3A_466 : vector<16xf32>
        %max3A_468 = arith.constant 0.000000e+00 : f32
        %max3A_469 = vector.broadcast %max3A_468 : f32 to vector<16xf32>
        %max3A_470 = arith.maximumf %max3A_467, %max3A_469 : vector<16xf32>
        %sub3A_471 = arith.subf %gather3A_444, %max3A_470 : vector<16xf32>
        %exp3A_472 = math.exp %sub3A_471 : vector<16xf32>
        %sub3A_473 = arith.subf %gather3A_445, %max3A_470 : vector<16xf32>
        %exp3A_474 = math.exp %sub3A_473 : vector<16xf32>
        %sub3A_475 = arith.subf %gather3A_446, %max3A_470 : vector<16xf32>
        %exp3A_476 = math.exp %sub3A_475 : vector<16xf32>
        %sub3A_477 = arith.subf %gather3A_447, %max3A_470 : vector<16xf32>
        %exp3A_478 = math.exp %sub3A_477 : vector<16xf32>
        %sub3A_479 = arith.constant 0.000000e+00 : f32
        %sub3A_480 = vector.broadcast %sub3A_479 : f32 to vector<16xf32>
        %sub3A_481 = arith.subf %sub3A_480, %max3A_470 : vector<16xf32>
        %exp3A_482 = math.exp %sub3A_481 : vector<16xf32>
        %add3A_483 = arith.addf %exp3A_472, %exp3A_474 : vector<16xf32>
        %add3A_484 = arith.addf %add3A_483, %exp3A_476 : vector<16xf32>
        %add3A_485 = arith.addf %add3A_484, %exp3A_478 : vector<16xf32>
        %add3A_486 = arith.addf %add3A_485, %exp3A_482 : vector<16xf32>
        %add3A_487 = arith.constant 9.99999993E-9 : f32
        %add3A_488 = vector.broadcast %add3A_487 : f32 to vector<16xf32>
        %add3A_489 = arith.addf %add3A_486, %add3A_488 : vector<16xf32>
        %div3A_490 = arith.constant 1.000000e+00 : f32
        %div3A_491 = vector.broadcast %div3A_490 : f32 to vector<16xf32>
        %div3A_492 = arith.divf %div3A_491, %add3A_489 : vector<16xf32>
        %mul3A_493 = arith.constant 9.99999993E-9 : f32
        %mul3A_494 = vector.broadcast %mul3A_493 : f32 to vector<16xf32>
        %mul3A_495 = arith.mulf %mul3A_494, %add3A_489 : vector<16xf32>
        %add3A_496 = arith.addf %exp3A_472, %mul3A_495 : vector<16xf32>
        %mul3A_497 = arith.mulf %add3A_496, %gather3A_448 : vector<16xf32>
        %add3A_498 = arith.addf %exp3A_474, %mul3A_495 : vector<16xf32>
        %mul3A_499 = arith.mulf %add3A_498, %gather3A_452 : vector<16xf32>
        %add3A_500 = arith.addf %exp3A_476, %mul3A_495 : vector<16xf32>
        %mul3A_501 = arith.mulf %add3A_500, %gather3A_456 : vector<16xf32>
        %add3A_502 = arith.addf %exp3A_478, %mul3A_495 : vector<16xf32>
        %mul3A_503 = arith.mulf %add3A_502, %gather3A_460 : vector<16xf32>
        %add3A_504 = arith.addf %exp3A_482, %mul3A_495 : vector<16xf32>
        %mul3A_505 = arith.mulf %add3A_504, %gather3A_464 : vector<16xf32>
        %max3A_506 = arith.maximumf %mul3A_497, %mul3A_499 : vector<16xf32>
        %max3A_507 = arith.maximumf %mul3A_501, %mul3A_503 : vector<16xf32>
        %max3A_508 = arith.maximumf %max3A_506, %max3A_507 : vector<16xf32>
        %max3A_509 = arith.maximumf %max3A_508, %mul3A_505 : vector<16xf32>
        %eq3A_510 = arith.cmpf oeq, %mul3A_497, %max3A_509 : vector<16xf32>
        %eq3A_511 = arith.cmpf oeq, %mul3A_499, %max3A_509 : vector<16xf32>
        %eq3A_512 = arith.cmpf oeq, %mul3A_501, %max3A_509 : vector<16xf32>
        %eq3A_513 = arith.cmpf oeq, %mul3A_503, %max3A_509 : vector<16xf32>
        %jit3A_514 = arith.constant 3 : i32
        %jit3A_515 = arith.constant 4 : i32
        %broadcast_in_dim3A_516 = vector.broadcast %jit3A_514 : i32 to vector<16xi32>
        %broadcast_in_dim3A_517 = vector.broadcast %jit3A_515 : i32 to vector<16xi32>
        %select_n3A_518 = arith.select %eq3A_513, %broadcast_in_dim3A_516, %broadcast_in_dim3A_517 : vector<16xi1>, vector<16xi32>
        %jit3A_519 = arith.constant 2 : i32
        %broadcast_in_dim3A_520 = vector.broadcast %jit3A_519 : i32 to vector<16xi32>
        %select_n3A_521 = arith.select %eq3A_512, %broadcast_in_dim3A_520, %select_n3A_518 : vector<16xi1>, vector<16xi32>
        %jit3A_522 = arith.constant 1 : i32
        %broadcast_in_dim3A_523 = vector.broadcast %jit3A_522 : i32 to vector<16xi32>
        %select_n3A_524 = arith.select %eq3A_511, %broadcast_in_dim3A_523, %select_n3A_521 : vector<16xi1>, vector<16xi32>
        %jit3A_525 = arith.constant 0 : i32
        %broadcast_in_dim3A_526 = vector.broadcast %jit3A_525 : i32 to vector<16xi32>
        %select_n3A_527 = arith.select %eq3A_510, %broadcast_in_dim3A_526, %select_n3A_524 : vector<16xi1>, vector<16xi32>
        %broadcast_in_dim3A_528 = arith.constant 0.000000e+00 : f32
        %broadcast_in_dim3A_529 = vector.broadcast %broadcast_in_dim3A_528 : f32 to vector<16xf32>
        %mul3A_530 = arith.mulf %exp3A_472, %div3A_492 : vector<16xf32>
        %select_n3A_531 = arith.select %eq3A_510, %mul3A_530, %broadcast_in_dim3A_529 : vector<16xi1>, vector<16xf32>
        %mul3A_532 = arith.mulf %exp3A_474, %div3A_492 : vector<16xf32>
        %select_n3A_533 = arith.select %eq3A_511, %mul3A_532, %broadcast_in_dim3A_529 : vector<16xi1>, vector<16xf32>
        %mul3A_534 = arith.mulf %exp3A_476, %div3A_492 : vector<16xf32>
        %select_n3A_535 = arith.select %eq3A_512, %mul3A_534, %broadcast_in_dim3A_529 : vector<16xi1>, vector<16xf32>
        %mul3A_536 = arith.mulf %exp3A_478, %div3A_492 : vector<16xf32>
        %select_n3A_537 = arith.select %eq3A_513, %mul3A_536, %broadcast_in_dim3A_529 : vector<16xi1>, vector<16xf32>
        %mul3A_538 = arith.mulf %add3A_485, %div3A_492 : vector<16xf32>
        %max3A_539 = arith.constant 0.000000e+00 : f32
        %max3A_540 = vector.broadcast %max3A_539 : f32 to vector<16xf32>
        %max3A_541 = arith.maximumf %mul3A_538, %max3A_540 : vector<16xf32>
        %min3A_542 = arith.constant 1.000000e+00 : f32
        %min3A_543 = vector.broadcast %min3A_542 : f32 to vector<16xf32>
        %min3A_544 = arith.minimumf %max3A_541, %min3A_543 : vector<16xf32>
        tpu.vector_store_idx %arg12[%add3A_430], %select_n3A_531 : memref<14336xf32, #tpu.memory_space<vmem>>[vector<16xi32>], vector<16xf32>,
        tpu.vector_store_idx %arg12[%add3A_433], %select_n3A_533 : memref<14336xf32, #tpu.memory_space<vmem>>[vector<16xi32>], vector<16xf32>,
        tpu.vector_store_idx %arg12[%add3A_436], %select_n3A_535 : memref<14336xf32, #tpu.memory_space<vmem>>[vector<16xi32>], vector<16xf32>,
        tpu.vector_store_idx %arg12[%add3A_439], %select_n3A_537 : memref<14336xf32, #tpu.memory_space<vmem>>[vector<16xi32>], vector<16xf32>,
        %add3A_545 = arith.constant 32 : i32
        %add3A_546 = arith.addi %mul3A_185, %add3A_545 : i32
        %swap3A_547 = arith.index_cast %add3A_546 : i32 to index
        %swap3A_548 = tpu.vector_load %arg14[%swap3A_547] {strides = array<i32>} : memref<3584xf32, #tpu.memory_space<vmem>>, vector<16xf32>,
        tpu.vector_store %arg14[%swap3A_547], %min3A_544 {strides = array<i32>} : memref<3584xf32, #tpu.memory_space<vmem>>, vector<16xf32>,
        %add3A_549 = arith.constant 32 : i32
        %add3A_550 = arith.addi %mul3A_185, %add3A_549 : i32
        %swap3A_551 = arith.index_cast %add3A_550 : i32 to index
        %swap3A_552 = tpu.vector_load %arg16[%swap3A_551] {strides = array<i32>} : memref<3584xi32, #tpu.memory_space<vmem>>, vector<16xi32>,
        tpu.vector_store %arg16[%swap3A_551], %select_n3A_527 {strides = array<i32>} : memref<3584xi32, #tpu.memory_space<vmem>>, vector<16xi32>,
        %add3A_553 = arith.constant 96 : i32
        %add3A_554 = arith.addi %mul3A_181, %add3A_553 : i32
        %add3A_555 = vector.broadcast %add3A_554 : i32 to vector<16xi32>
        %add3A_556 = arith.addi %mul3A_3, %add3A_555 : vector<16xi32>
        %add3A_557 = arith.constant 1 : i32
        %add3A_558 = vector.broadcast %add3A_557 : i32 to vector<16xi32>
        %add3A_559 = arith.addi %add3A_556, %add3A_558 : vector<16xi32>
        %add3A_560 = arith.constant 224 : i32
        %add3A_561 = vector.broadcast %add3A_560 : i32 to vector<16xi32>
        %add3A_562 = arith.addi %add3A_556, %add3A_561 : vector<16xi32>
        %add3A_563 = arith.constant 225 : i32
        %add3A_564 = vector.broadcast %add3A_563 : i32 to vector<16xi32>
        %add3A_565 = arith.addi %add3A_556, %add3A_564 : vector<16xi32>
        %add3A_566 = arith.constant 240 : i32
        %add3A_567 = arith.addi %mul3A_183, %add3A_566 : i32
        %add3A_568 = vector.broadcast %add3A_567 : i32 to vector<16xi32>
        %add3A_569 = arith.addi %mul3A_6, %add3A_568 : vector<16xi32>
        %gather3A_570 = tpu.vector_load_idx %arg8[%add3A_556] : memref<14336xf32, #tpu.memory_space<vmem>>[vector<16xi32>], vector<16xf32>,
        %gather3A_571 = tpu.vector_load_idx %arg8[%add3A_559] : memref<14336xf32, #tpu.memory_space<vmem>>[vector<16xi32>], vector<16xf32>,
        %gather3A_572 = tpu.vector_load_idx %arg8[%add3A_562] : memref<14336xf32, #tpu.memory_space<vmem>>[vector<16xi32>], vector<16xf32>,
        %gather3A_573 = tpu.vector_load_idx %arg8[%add3A_565] : memref<14336xf32, #tpu.memory_space<vmem>>[vector<16xi32>], vector<16xf32>,
        %gather3A_574 = tpu.vector_load_idx %arg10[%add3A_569] : memref<17920xf32, #tpu.memory_space<vmem>>[vector<16xi32>], vector<16xf32>,
        %add3A_575 = arith.constant 1 : i32
        %add3A_576 = vector.broadcast %add3A_575 : i32 to vector<16xi32>
        %add3A_577 = arith.addi %add3A_569, %add3A_576 : vector<16xi32>
        %gather3A_578 = tpu.vector_load_idx %arg10[%add3A_577] : memref<17920xf32, #tpu.memory_space<vmem>>[vector<16xi32>], vector<16xf32>,
        %add3A_579 = arith.constant 2 : i32
        %add3A_580 = vector.broadcast %add3A_579 : i32 to vector<16xi32>
        %add3A_581 = arith.addi %add3A_569, %add3A_580 : vector<16xi32>
        %gather3A_582 = tpu.vector_load_idx %arg10[%add3A_581] : memref<17920xf32, #tpu.memory_space<vmem>>[vector<16xi32>], vector<16xf32>,
        %add3A_583 = arith.constant 3 : i32
        %add3A_584 = vector.broadcast %add3A_583 : i32 to vector<16xi32>
        %add3A_585 = arith.addi %add3A_569, %add3A_584 : vector<16xi32>
        %gather3A_586 = tpu.vector_load_idx %arg10[%add3A_585] : memref<17920xf32, #tpu.memory_space<vmem>>[vector<16xi32>], vector<16xf32>,
        %add3A_587 = arith.constant 4 : i32
        %add3A_588 = vector.broadcast %add3A_587 : i32 to vector<16xi32>
        %add3A_589 = arith.addi %add3A_569, %add3A_588 : vector<16xi32>
        %gather3A_590 = tpu.vector_load_idx %arg10[%add3A_589] : memref<17920xf32, #tpu.memory_space<vmem>>[vector<16xi32>], vector<16xf32>,
        %max3A_591 = arith.maximumf %gather3A_570, %gather3A_571 : vector<16xf32>
        %max3A_592 = arith.maximumf %gather3A_572, %gather3A_573 : vector<16xf32>
        %max3A_593 = arith.maximumf %max3A_591, %max3A_592 : vector<16xf32>
        %max3A_594 = arith.constant 0.000000e+00 : f32
        %max3A_595 = vector.broadcast %max3A_594 : f32 to vector<16xf32>
        %max3A_596 = arith.maximumf %max3A_593, %max3A_595 : vector<16xf32>
        %sub3A_597 = arith.subf %gather3A_570, %max3A_596 : vector<16xf32>
        %exp3A_598 = math.exp %sub3A_597 : vector<16xf32>
        %sub3A_599 = arith.subf %gather3A_571, %max3A_596 : vector<16xf32>
        %exp3A_600 = math.exp %sub3A_599 : vector<16xf32>
        %sub3A_601 = arith.subf %gather3A_572, %max3A_596 : vector<16xf32>
        %exp3A_602 = math.exp %sub3A_601 : vector<16xf32>
        %sub3A_603 = arith.subf %gather3A_573, %max3A_596 : vector<16xf32>
        %exp3A_604 = math.exp %sub3A_603 : vector<16xf32>
        %sub3A_605 = arith.constant 0.000000e+00 : f32
        %sub3A_606 = vector.broadcast %sub3A_605 : f32 to vector<16xf32>
        %sub3A_607 = arith.subf %sub3A_606, %max3A_596 : vector<16xf32>
        %exp3A_608 = math.exp %sub3A_607 : vector<16xf32>
        %add3A_609 = arith.addf %exp3A_598, %exp3A_600 : vector<16xf32>
        %add3A_610 = arith.addf %add3A_609, %exp3A_602 : vector<16xf32>
        %add3A_611 = arith.addf %add3A_610, %exp3A_604 : vector<16xf32>
        %add3A_612 = arith.addf %add3A_611, %exp3A_608 : vector<16xf32>
        %add3A_613 = arith.constant 9.99999993E-9 : f32
        %add3A_614 = vector.broadcast %add3A_613 : f32 to vector<16xf32>
        %add3A_615 = arith.addf %add3A_612, %add3A_614 : vector<16xf32>
        %div3A_616 = arith.constant 1.000000e+00 : f32
        %div3A_617 = vector.broadcast %div3A_616 : f32 to vector<16xf32>
        %div3A_618 = arith.divf %div3A_617, %add3A_615 : vector<16xf32>
        %mul3A_619 = arith.constant 9.99999993E-9 : f32
        %mul3A_620 = vector.broadcast %mul3A_619 : f32 to vector<16xf32>
        %mul3A_621 = arith.mulf %mul3A_620, %add3A_615 : vector<16xf32>
        %add3A_622 = arith.addf %exp3A_598, %mul3A_621 : vector<16xf32>
        %mul3A_623 = arith.mulf %add3A_622, %gather3A_574 : vector<16xf32>
        %add3A_624 = arith.addf %exp3A_600, %mul3A_621 : vector<16xf32>
        %mul3A_625 = arith.mulf %add3A_624, %gather3A_578 : vector<16xf32>
        %add3A_626 = arith.addf %exp3A_602, %mul3A_621 : vector<16xf32>
        %mul3A_627 = arith.mulf %add3A_626, %gather3A_582 : vector<16xf32>
        %add3A_628 = arith.addf %exp3A_604, %mul3A_621 : vector<16xf32>
        %mul3A_629 = arith.mulf %add3A_628, %gather3A_586 : vector<16xf32>
        %add3A_630 = arith.addf %exp3A_608, %mul3A_621 : vector<16xf32>
        %mul3A_631 = arith.mulf %add3A_630, %gather3A_590 : vector<16xf32>
        %max3A_632 = arith.maximumf %mul3A_623, %mul3A_625 : vector<16xf32>
        %max3A_633 = arith.maximumf %mul3A_627, %mul3A_629 : vector<16xf32>
        %max3A_634 = arith.maximumf %max3A_632, %max3A_633 : vector<16xf32>
        %max3A_635 = arith.maximumf %max3A_634, %mul3A_631 : vector<16xf32>
        %eq3A_636 = arith.cmpf oeq, %mul3A_623, %max3A_635 : vector<16xf32>
        %eq3A_637 = arith.cmpf oeq, %mul3A_625, %max3A_635 : vector<16xf32>
        %eq3A_638 = arith.cmpf oeq, %mul3A_627, %max3A_635 : vector<16xf32>
        %eq3A_639 = arith.cmpf oeq, %mul3A_629, %max3A_635 : vector<16xf32>
        %jit3A_640 = arith.constant 3 : i32
        %jit3A_641 = arith.constant 4 : i32
        %broadcast_in_dim3A_642 = vector.broadcast %jit3A_640 : i32 to vector<16xi32>
        %broadcast_in_dim3A_643 = vector.broadcast %jit3A_641 : i32 to vector<16xi32>
        %select_n3A_644 = arith.select %eq3A_639, %broadcast_in_dim3A_642, %broadcast_in_dim3A_643 : vector<16xi1>, vector<16xi32>
        %jit3A_645 = arith.constant 2 : i32
        %broadcast_in_dim3A_646 = vector.broadcast %jit3A_645 : i32 to vector<16xi32>
        %select_n3A_647 = arith.select %eq3A_638, %broadcast_in_dim3A_646, %select_n3A_644 : vector<16xi1>, vector<16xi32>
        %jit3A_648 = arith.constant 1 : i32
        %broadcast_in_dim3A_649 = vector.broadcast %jit3A_648 : i32 to vector<16xi32>
        %select_n3A_650 = arith.select %eq3A_637, %broadcast_in_dim3A_649, %select_n3A_647 : vector<16xi1>, vector<16xi32>
        %jit3A_651 = arith.constant 0 : i32
        %broadcast_in_dim3A_652 = vector.broadcast %jit3A_651 : i32 to vector<16xi32>
        %select_n3A_653 = arith.select %eq3A_636, %broadcast_in_dim3A_652, %select_n3A_650 : vector<16xi1>, vector<16xi32>
        %broadcast_in_dim3A_654 = arith.constant 0.000000e+00 : f32
        %broadcast_in_dim3A_655 = vector.broadcast %broadcast_in_dim3A_654 : f32 to vector<16xf32>
        %mul3A_656 = arith.mulf %exp3A_598, %div3A_618 : vector<16xf32>
        %select_n3A_657 = arith.select %eq3A_636, %mul3A_656, %broadcast_in_dim3A_655 : vector<16xi1>, vector<16xf32>
        %mul3A_658 = arith.mulf %exp3A_600, %div3A_618 : vector<16xf32>
        %select_n3A_659 = arith.select %eq3A_637, %mul3A_658, %broadcast_in_dim3A_655 : vector<16xi1>, vector<16xf32>
        %mul3A_660 = arith.mulf %exp3A_602, %div3A_618 : vector<16xf32>
        %select_n3A_661 = arith.select %eq3A_638, %mul3A_660, %broadcast_in_dim3A_655 : vector<16xi1>, vector<16xf32>
        %mul3A_662 = arith.mulf %exp3A_604, %div3A_618 : vector<16xf32>
        %select_n3A_663 = arith.select %eq3A_639, %mul3A_662, %broadcast_in_dim3A_655 : vector<16xi1>, vector<16xf32>
        %mul3A_664 = arith.mulf %add3A_611, %div3A_618 : vector<16xf32>
        %max3A_665 = arith.constant 0.000000e+00 : f32
        %max3A_666 = vector.broadcast %max3A_665 : f32 to vector<16xf32>
        %max3A_667 = arith.maximumf %mul3A_664, %max3A_666 : vector<16xf32>
        %min3A_668 = arith.constant 1.000000e+00 : f32
        %min3A_669 = vector.broadcast %min3A_668 : f32 to vector<16xf32>
        %min3A_670 = arith.minimumf %max3A_667, %min3A_669 : vector<16xf32>
        tpu.vector_store_idx %arg12[%add3A_556], %select_n3A_657 : memref<14336xf32, #tpu.memory_space<vmem>>[vector<16xi32>], vector<16xf32>,
        tpu.vector_store_idx %arg12[%add3A_559], %select_n3A_659 : memref<14336xf32, #tpu.memory_space<vmem>>[vector<16xi32>], vector<16xf32>,
        tpu.vector_store_idx %arg12[%add3A_562], %select_n3A_661 : memref<14336xf32, #tpu.memory_space<vmem>>[vector<16xi32>], vector<16xf32>,
        tpu.vector_store_idx %arg12[%add3A_565], %select_n3A_663 : memref<14336xf32, #tpu.memory_space<vmem>>[vector<16xi32>], vector<16xf32>,
        %add3A_671 = arith.constant 48 : i32
        %add3A_672 = arith.addi %mul3A_185, %add3A_671 : i32
        %swap3A_673 = arith.index_cast %add3A_672 : i32 to index
        %swap3A_674 = tpu.vector_load %arg14[%swap3A_673] {strides = array<i32>} : memref<3584xf32, #tpu.memory_space<vmem>>, vector<16xf32>,
        tpu.vector_store %arg14[%swap3A_673], %min3A_670 {strides = array<i32>} : memref<3584xf32, #tpu.memory_space<vmem>>, vector<16xf32>,
        %add3A_675 = arith.constant 48 : i32
        %add3A_676 = arith.addi %mul3A_185, %add3A_675 : i32
        %swap3A_677 = arith.index_cast %add3A_676 : i32 to index
        %swap3A_678 = tpu.vector_load %arg16[%swap3A_677] {strides = array<i32>} : memref<3584xi32, #tpu.memory_space<vmem>>, vector<16xi32>,
        tpu.vector_store %arg16[%swap3A_677], %select_n3A_653 {strides = array<i32>} : memref<3584xi32, #tpu.memory_space<vmem>>, vector<16xi32>,
        %add3A_679 = arith.constant 128 : i32
        %add3A_680 = arith.addi %mul3A_181, %add3A_679 : i32
        %add3A_681 = vector.broadcast %add3A_680 : i32 to vector<16xi32>
        %add3A_682 = arith.addi %mul3A_3, %add3A_681 : vector<16xi32>
        %add3A_683 = arith.constant 1 : i32
        %add3A_684 = vector.broadcast %add3A_683 : i32 to vector<16xi32>
        %add3A_685 = arith.addi %add3A_682, %add3A_684 : vector<16xi32>
        %add3A_686 = arith.constant 224 : i32
        %add3A_687 = vector.broadcast %add3A_686 : i32 to vector<16xi32>
        %add3A_688 = arith.addi %add3A_682, %add3A_687 : vector<16xi32>
        %add3A_689 = arith.constant 225 : i32
        %add3A_690 = vector.broadcast %add3A_689 : i32 to vector<16xi32>
        %add3A_691 = arith.addi %add3A_682, %add3A_690 : vector<16xi32>
        %add3A_692 = arith.constant 320 : i32
        %add3A_693 = arith.addi %mul3A_183, %add3A_692 : i32
        %add3A_694 = vector.broadcast %add3A_693 : i32 to vector<16xi32>
        %add3A_695 = arith.addi %mul3A_6, %add3A_694 : vector<16xi32>
        %gather3A_696 = tpu.vector_load_idx %arg8[%add3A_682] : memref<14336xf32, #tpu.memory_space<vmem>>[vector<16xi32>], vector<16xf32>,
        %gather3A_697 = tpu.vector_load_idx %arg8[%add3A_685] : memref<14336xf32, #tpu.memory_space<vmem>>[vector<16xi32>], vector<16xf32>,
        %gather3A_698 = tpu.vector_load_idx %arg8[%add3A_688] : memref<14336xf32, #tpu.memory_space<vmem>>[vector<16xi32>], vector<16xf32>,
        %gather3A_699 = tpu.vector_load_idx %arg8[%add3A_691] : memref<14336xf32, #tpu.memory_space<vmem>>[vector<16xi32>], vector<16xf32>,
        %gather3A_700 = tpu.vector_load_idx %arg10[%add3A_695] : memref<17920xf32, #tpu.memory_space<vmem>>[vector<16xi32>], vector<16xf32>,
        %add3A_701 = arith.constant 1 : i32
        %add3A_702 = vector.broadcast %add3A_701 : i32 to vector<16xi32>
        %add3A_703 = arith.addi %add3A_695, %add3A_702 : vector<16xi32>
        %gather3A_704 = tpu.vector_load_idx %arg10[%add3A_703] : memref<17920xf32, #tpu.memory_space<vmem>>[vector<16xi32>], vector<16xf32>,
        %add3A_705 = arith.constant 2 : i32
        %add3A_706 = vector.broadcast %add3A_705 : i32 to vector<16xi32>
        %add3A_707 = arith.addi %add3A_695, %add3A_706 : vector<16xi32>
        %gather3A_708 = tpu.vector_load_idx %arg10[%add3A_707] : memref<17920xf32, #tpu.memory_space<vmem>>[vector<16xi32>], vector<16xf32>,
        %add3A_709 = arith.constant 3 : i32
        %add3A_710 = vector.broadcast %add3A_709 : i32 to vector<16xi32>
        %add3A_711 = arith.addi %add3A_695, %add3A_710 : vector<16xi32>
        %gather3A_712 = tpu.vector_load_idx %arg10[%add3A_711] : memref<17920xf32, #tpu.memory_space<vmem>>[vector<16xi32>], vector<16xf32>,
        %add3A_713 = arith.constant 4 : i32
        %add3A_714 = vector.broadcast %add3A_713 : i32 to vector<16xi32>
        %add3A_715 = arith.addi %add3A_695, %add3A_714 : vector<16xi32>
        %gather3A_716 = tpu.vector_load_idx %arg10[%add3A_715] : memref<17920xf32, #tpu.memory_space<vmem>>[vector<16xi32>], vector<16xf32>,
        %max3A_717 = arith.maximumf %gather3A_696, %gather3A_697 : vector<16xf32>
        %max3A_718 = arith.maximumf %gather3A_698, %gather3A_699 : vector<16xf32>
        %max3A_719 = arith.maximumf %max3A_717, %max3A_718 : vector<16xf32>
        %max3A_720 = arith.constant 0.000000e+00 : f32
        %max3A_721 = vector.broadcast %max3A_720 : f32 to vector<16xf32>
        %max3A_722 = arith.maximumf %max3A_719, %max3A_721 : vector<16xf32>
        %sub3A_723 = arith.subf %gather3A_696, %max3A_722 : vector<16xf32>
        %exp3A_724 = math.exp %sub3A_723 : vector<16xf32>
        %sub3A_725 = arith.subf %gather3A_697, %max3A_722 : vector<16xf32>
        %exp3A_726 = math.exp %sub3A_725 : vector<16xf32>
        %sub3A_727 = arith.subf %gather3A_698, %max3A_722 : vector<16xf32>
        %exp3A_728 = math.exp %sub3A_727 : vector<16xf32>
        %sub3A_729 = arith.subf %gather3A_699, %max3A_722 : vector<16xf32>
        %exp3A_730 = math.exp %sub3A_729 : vector<16xf32>
        %sub3A_731 = arith.constant 0.000000e+00 : f32
        %sub3A_732 = vector.broadcast %sub3A_731 : f32 to vector<16xf32>
        %sub3A_733 = arith.subf %sub3A_732, %max3A_722 : vector<16xf32>
        %exp3A_734 = math.exp %sub3A_733 : vector<16xf32>
        %add3A_735 = arith.addf %exp3A_724, %exp3A_726 : vector<16xf32>
        %add3A_736 = arith.addf %add3A_735, %exp3A_728 : vector<16xf32>
        %add3A_737 = arith.addf %add3A_736, %exp3A_730 : vector<16xf32>
        %add3A_738 = arith.addf %add3A_737, %exp3A_734 : vector<16xf32>
        %add3A_739 = arith.constant 9.99999993E-9 : f32
        %add3A_740 = vector.broadcast %add3A_739 : f32 to vector<16xf32>
        %add3A_741 = arith.addf %add3A_738, %add3A_740 : vector<16xf32>
        %div3A_742 = arith.constant 1.000000e+00 : f32
        %div3A_743 = vector.broadcast %div3A_742 : f32 to vector<16xf32>
        %div3A_744 = arith.divf %div3A_743, %add3A_741 : vector<16xf32>
        %mul3A_745 = arith.constant 9.99999993E-9 : f32
        %mul3A_746 = vector.broadcast %mul3A_745 : f32 to vector<16xf32>
        %mul3A_747 = arith.mulf %mul3A_746, %add3A_741 : vector<16xf32>
        %add3A_748 = arith.addf %exp3A_724, %mul3A_747 : vector<16xf32>
        %mul3A_749 = arith.mulf %add3A_748, %gather3A_700 : vector<16xf32>
        %add3A_750 = arith.addf %exp3A_726, %mul3A_747 : vector<16xf32>
        %mul3A_751 = arith.mulf %add3A_750, %gather3A_704 : vector<16xf32>
        %add3A_752 = arith.addf %exp3A_728, %mul3A_747 : vector<16xf32>
        %mul3A_753 = arith.mulf %add3A_752, %gather3A_708 : vector<16xf32>
        %add3A_754 = arith.addf %exp3A_730, %mul3A_747 : vector<16xf32>
        %mul3A_755 = arith.mulf %add3A_754, %gather3A_712 : vector<16xf32>
        %add3A_756 = arith.addf %exp3A_734, %mul3A_747 : vector<16xf32>
        %mul3A_757 = arith.mulf %add3A_756, %gather3A_716 : vector<16xf32>
        %max3A_758 = arith.maximumf %mul3A_749, %mul3A_751 : vector<16xf32>
        %max3A_759 = arith.maximumf %mul3A_753, %mul3A_755 : vector<16xf32>
        %max3A_760 = arith.maximumf %max3A_758, %max3A_759 : vector<16xf32>
        %max3A_761 = arith.maximumf %max3A_760, %mul3A_757 : vector<16xf32>
        %eq3A_762 = arith.cmpf oeq, %mul3A_749, %max3A_761 : vector<16xf32>
        %eq3A_763 = arith.cmpf oeq, %mul3A_751, %max3A_761 : vector<16xf32>
        %eq3A_764 = arith.cmpf oeq, %mul3A_753, %max3A_761 : vector<16xf32>
        %eq3A_765 = arith.cmpf oeq, %mul3A_755, %max3A_761 : vector<16xf32>
        %jit3A_766 = arith.constant 3 : i32
        %jit3A_767 = arith.constant 4 : i32
        %broadcast_in_dim3A_768 = vector.broadcast %jit3A_766 : i32 to vector<16xi32>
        %broadcast_in_dim3A_769 = vector.broadcast %jit3A_767 : i32 to vector<16xi32>
        %select_n3A_770 = arith.select %eq3A_765, %broadcast_in_dim3A_768, %broadcast_in_dim3A_769 : vector<16xi1>, vector<16xi32>
        %jit3A_771 = arith.constant 2 : i32
        %broadcast_in_dim3A_772 = vector.broadcast %jit3A_771 : i32 to vector<16xi32>
        %select_n3A_773 = arith.select %eq3A_764, %broadcast_in_dim3A_772, %select_n3A_770 : vector<16xi1>, vector<16xi32>
        %jit3A_774 = arith.constant 1 : i32
        %broadcast_in_dim3A_775 = vector.broadcast %jit3A_774 : i32 to vector<16xi32>
        %select_n3A_776 = arith.select %eq3A_763, %broadcast_in_dim3A_775, %select_n3A_773 : vector<16xi1>, vector<16xi32>
        %jit3A_777 = arith.constant 0 : i32
        %broadcast_in_dim3A_778 = vector.broadcast %jit3A_777 : i32 to vector<16xi32>
        %select_n3A_779 = arith.select %eq3A_762, %broadcast_in_dim3A_778, %select_n3A_776 : vector<16xi1>, vector<16xi32>
        %broadcast_in_dim3A_780 = arith.constant 0.000000e+00 : f32
        %broadcast_in_dim3A_781 = vector.broadcast %broadcast_in_dim3A_780 : f32 to vector<16xf32>
        %mul3A_782 = arith.mulf %exp3A_724, %div3A_744 : vector<16xf32>
        %select_n3A_783 = arith.select %eq3A_762, %mul3A_782, %broadcast_in_dim3A_781 : vector<16xi1>, vector<16xf32>
        %mul3A_784 = arith.mulf %exp3A_726, %div3A_744 : vector<16xf32>
        %select_n3A_785 = arith.select %eq3A_763, %mul3A_784, %broadcast_in_dim3A_781 : vector<16xi1>, vector<16xf32>
        %mul3A_786 = arith.mulf %exp3A_728, %div3A_744 : vector<16xf32>
        %select_n3A_787 = arith.select %eq3A_764, %mul3A_786, %broadcast_in_dim3A_781 : vector<16xi1>, vector<16xf32>
        %mul3A_788 = arith.mulf %exp3A_730, %div3A_744 : vector<16xf32>
        %select_n3A_789 = arith.select %eq3A_765, %mul3A_788, %broadcast_in_dim3A_781 : vector<16xi1>, vector<16xf32>
        %mul3A_790 = arith.mulf %add3A_737, %div3A_744 : vector<16xf32>
        %max3A_791 = arith.constant 0.000000e+00 : f32
        %max3A_792 = vector.broadcast %max3A_791 : f32 to vector<16xf32>
        %max3A_793 = arith.maximumf %mul3A_790, %max3A_792 : vector<16xf32>
        %min3A_794 = arith.constant 1.000000e+00 : f32
        %min3A_795 = vector.broadcast %min3A_794 : f32 to vector<16xf32>
        %min3A_796 = arith.minimumf %max3A_793, %min3A_795 : vector<16xf32>
        tpu.vector_store_idx %arg12[%add3A_682], %select_n3A_783 : memref<14336xf32, #tpu.memory_space<vmem>>[vector<16xi32>], vector<16xf32>,
        tpu.vector_store_idx %arg12[%add3A_685], %select_n3A_785 : memref<14336xf32, #tpu.memory_space<vmem>>[vector<16xi32>], vector<16xf32>,
        tpu.vector_store_idx %arg12[%add3A_688], %select_n3A_787 : memref<14336xf32, #tpu.memory_space<vmem>>[vector<16xi32>], vector<16xf32>,
        tpu.vector_store_idx %arg12[%add3A_691], %select_n3A_789 : memref<14336xf32, #tpu.memory_space<vmem>>[vector<16xi32>], vector<16xf32>,
        %add3A_797 = arith.constant 64 : i32
        %add3A_798 = arith.addi %mul3A_185, %add3A_797 : i32
        %swap3A_799 = arith.index_cast %add3A_798 : i32 to index
        %swap3A_800 = tpu.vector_load %arg14[%swap3A_799] {strides = array<i32>} : memref<3584xf32, #tpu.memory_space<vmem>>, vector<16xf32>,
        tpu.vector_store %arg14[%swap3A_799], %min3A_796 {strides = array<i32>} : memref<3584xf32, #tpu.memory_space<vmem>>, vector<16xf32>,
        %add3A_801 = arith.constant 64 : i32
        %add3A_802 = arith.addi %mul3A_185, %add3A_801 : i32
        %swap3A_803 = arith.index_cast %add3A_802 : i32 to index
        %swap3A_804 = tpu.vector_load %arg16[%swap3A_803] {strides = array<i32>} : memref<3584xi32, #tpu.memory_space<vmem>>, vector<16xi32>,
        tpu.vector_store %arg16[%swap3A_803], %select_n3A_779 {strides = array<i32>} : memref<3584xi32, #tpu.memory_space<vmem>>, vector<16xi32>,
        %add3A_805 = arith.constant 160 : i32
        %add3A_806 = arith.addi %mul3A_181, %add3A_805 : i32
        %add3A_807 = vector.broadcast %add3A_806 : i32 to vector<16xi32>
        %add3A_808 = arith.addi %mul3A_3, %add3A_807 : vector<16xi32>
        %add3A_809 = arith.constant 1 : i32
        %add3A_810 = vector.broadcast %add3A_809 : i32 to vector<16xi32>
        %add3A_811 = arith.addi %add3A_808, %add3A_810 : vector<16xi32>
        %add3A_812 = arith.constant 224 : i32
        %add3A_813 = vector.broadcast %add3A_812 : i32 to vector<16xi32>
        %add3A_814 = arith.addi %add3A_808, %add3A_813 : vector<16xi32>
        %add3A_815 = arith.constant 225 : i32
        %add3A_816 = vector.broadcast %add3A_815 : i32 to vector<16xi32>
        %add3A_817 = arith.addi %add3A_808, %add3A_816 : vector<16xi32>
        %add3A_818 = arith.constant 400 : i32
        %add3A_819 = arith.addi %mul3A_183, %add3A_818 : i32
        %add3A_820 = vector.broadcast %add3A_819 : i32 to vector<16xi32>
        %add3A_821 = arith.addi %mul3A_6, %add3A_820 : vector<16xi32>
        %gather3A_822 = tpu.vector_load_idx %arg8[%add3A_808] : memref<14336xf32, #tpu.memory_space<vmem>>[vector<16xi32>], vector<16xf32>,
        %gather3A_823 = tpu.vector_load_idx %arg8[%add3A_811] : memref<14336xf32, #tpu.memory_space<vmem>>[vector<16xi32>], vector<16xf32>,
        %gather3A_824 = tpu.vector_load_idx %arg8[%add3A_814] : memref<14336xf32, #tpu.memory_space<vmem>>[vector<16xi32>], vector<16xf32>,
        %gather3A_825 = tpu.vector_load_idx %arg8[%add3A_817] : memref<14336xf32, #tpu.memory_space<vmem>>[vector<16xi32>], vector<16xf32>,
        %gather3A_826 = tpu.vector_load_idx %arg10[%add3A_821] : memref<17920xf32, #tpu.memory_space<vmem>>[vector<16xi32>], vector<16xf32>,
        %add3A_827 = arith.constant 1 : i32
        %add3A_828 = vector.broadcast %add3A_827 : i32 to vector<16xi32>
        %add3A_829 = arith.addi %add3A_821, %add3A_828 : vector<16xi32>
        %gather3A_830 = tpu.vector_load_idx %arg10[%add3A_829] : memref<17920xf32, #tpu.memory_space<vmem>>[vector<16xi32>], vector<16xf32>,
        %add3A_831 = arith.constant 2 : i32
        %add3A_832 = vector.broadcast %add3A_831 : i32 to vector<16xi32>
        %add3A_833 = arith.addi %add3A_821, %add3A_832 : vector<16xi32>
        %gather3A_834 = tpu.vector_load_idx %arg10[%add3A_833] : memref<17920xf32, #tpu.memory_space<vmem>>[vector<16xi32>], vector<16xf32>,
        %add3A_835 = arith.constant 3 : i32
        %add3A_836 = vector.broadcast %add3A_835 : i32 to vector<16xi32>
        %add3A_837 = arith.addi %add3A_821, %add3A_836 : vector<16xi32>
        %gather3A_838 = tpu.vector_load_idx %arg10[%add3A_837] : memref<17920xf32, #tpu.memory_space<vmem>>[vector<16xi32>], vector<16xf32>,
        %add3A_839 = arith.constant 4 : i32
        %add3A_840 = vector.broadcast %add3A_839 : i32 to vector<16xi32>
        %add3A_841 = arith.addi %add3A_821, %add3A_840 : vector<16xi32>
        %gather3A_842 = tpu.vector_load_idx %arg10[%add3A_841] : memref<17920xf32, #tpu.memory_space<vmem>>[vector<16xi32>], vector<16xf32>,
        %max3A_843 = arith.maximumf %gather3A_822, %gather3A_823 : vector<16xf32>
        %max3A_844 = arith.maximumf %gather3A_824, %gather3A_825 : vector<16xf32>
        %max3A_845 = arith.maximumf %max3A_843, %max3A_844 : vector<16xf32>
        %max3A_846 = arith.constant 0.000000e+00 : f32
        %max3A_847 = vector.broadcast %max3A_846 : f32 to vector<16xf32>
        %max3A_848 = arith.maximumf %max3A_845, %max3A_847 : vector<16xf32>
        %sub3A_849 = arith.subf %gather3A_822, %max3A_848 : vector<16xf32>
        %exp3A_850 = math.exp %sub3A_849 : vector<16xf32>
        %sub3A_851 = arith.subf %gather3A_823, %max3A_848 : vector<16xf32>
        %exp3A_852 = math.exp %sub3A_851 : vector<16xf32>
        %sub3A_853 = arith.subf %gather3A_824, %max3A_848 : vector<16xf32>
        %exp3A_854 = math.exp %sub3A_853 : vector<16xf32>
        %sub3A_855 = arith.subf %gather3A_825, %max3A_848 : vector<16xf32>
        %exp3A_856 = math.exp %sub3A_855 : vector<16xf32>
        %sub3A_857 = arith.constant 0.000000e+00 : f32
        %sub3A_858 = vector.broadcast %sub3A_857 : f32 to vector<16xf32>
        %sub3A_859 = arith.subf %sub3A_858, %max3A_848 : vector<16xf32>
        %exp3A_860 = math.exp %sub3A_859 : vector<16xf32>
        %add3A_861 = arith.addf %exp3A_850, %exp3A_852 : vector<16xf32>
        %add3A_862 = arith.addf %add3A_861, %exp3A_854 : vector<16xf32>
        %add3A_863 = arith.addf %add3A_862, %exp3A_856 : vector<16xf32>
        %add3A_864 = arith.addf %add3A_863, %exp3A_860 : vector<16xf32>
        %add3A_865 = arith.constant 9.99999993E-9 : f32
        %add3A_866 = vector.broadcast %add3A_865 : f32 to vector<16xf32>
        %add3A_867 = arith.addf %add3A_864, %add3A_866 : vector<16xf32>
        %div3A_868 = arith.constant 1.000000e+00 : f32
        %div3A_869 = vector.broadcast %div3A_868 : f32 to vector<16xf32>
        %div3A_870 = arith.divf %div3A_869, %add3A_867 : vector<16xf32>
        %mul3A_871 = arith.constant 9.99999993E-9 : f32
        %mul3A_872 = vector.broadcast %mul3A_871 : f32 to vector<16xf32>
        %mul3A_873 = arith.mulf %mul3A_872, %add3A_867 : vector<16xf32>
        %add3A_874 = arith.addf %exp3A_850, %mul3A_873 : vector<16xf32>
        %mul3A_875 = arith.mulf %add3A_874, %gather3A_826 : vector<16xf32>
        %add3A_876 = arith.addf %exp3A_852, %mul3A_873 : vector<16xf32>
        %mul3A_877 = arith.mulf %add3A_876, %gather3A_830 : vector<16xf32>
        %add3A_878 = arith.addf %exp3A_854, %mul3A_873 : vector<16xf32>
        %mul3A_879 = arith.mulf %add3A_878, %gather3A_834 : vector<16xf32>
        %add3A_880 = arith.addf %exp3A_856, %mul3A_873 : vector<16xf32>
        %mul3A_881 = arith.mulf %add3A_880, %gather3A_838 : vector<16xf32>
        %add3A_882 = arith.addf %exp3A_860, %mul3A_873 : vector<16xf32>
        %mul3A_883 = arith.mulf %add3A_882, %gather3A_842 : vector<16xf32>
        %max3A_884 = arith.maximumf %mul3A_875, %mul3A_877 : vector<16xf32>
        %max3A_885 = arith.maximumf %mul3A_879, %mul3A_881 : vector<16xf32>
        %max3A_886 = arith.maximumf %max3A_884, %max3A_885 : vector<16xf32>
        %max3A_887 = arith.maximumf %max3A_886, %mul3A_883 : vector<16xf32>
        %eq3A_888 = arith.cmpf oeq, %mul3A_875, %max3A_887 : vector<16xf32>
        %eq3A_889 = arith.cmpf oeq, %mul3A_877, %max3A_887 : vector<16xf32>
        %eq3A_890 = arith.cmpf oeq, %mul3A_879, %max3A_887 : vector<16xf32>
        %eq3A_891 = arith.cmpf oeq, %mul3A_881, %max3A_887 : vector<16xf32>
        %jit3A_892 = arith.constant 3 : i32
        %jit3A_893 = arith.constant 4 : i32
        %broadcast_in_dim3A_894 = vector.broadcast %jit3A_892 : i32 to vector<16xi32>
        %broadcast_in_dim3A_895 = vector.broadcast %jit3A_893 : i32 to vector<16xi32>
        %select_n3A_896 = arith.select %eq3A_891, %broadcast_in_dim3A_894, %broadcast_in_dim3A_895 : vector<16xi1>, vector<16xi32>
        %jit3A_897 = arith.constant 2 : i32
        %broadcast_in_dim3A_898 = vector.broadcast %jit3A_897 : i32 to vector<16xi32>
        %select_n3A_899 = arith.select %eq3A_890, %broadcast_in_dim3A_898, %select_n3A_896 : vector<16xi1>, vector<16xi32>
        %jit3A_900 = arith.constant 1 : i32
        %broadcast_in_dim3A_901 = vector.broadcast %jit3A_900 : i32 to vector<16xi32>
        %select_n3A_902 = arith.select %eq3A_889, %broadcast_in_dim3A_901, %select_n3A_899 : vector<16xi1>, vector<16xi32>
        %jit3A_903 = arith.constant 0 : i32
        %broadcast_in_dim3A_904 = vector.broadcast %jit3A_903 : i32 to vector<16xi32>
        %select_n3A_905 = arith.select %eq3A_888, %broadcast_in_dim3A_904, %select_n3A_902 : vector<16xi1>, vector<16xi32>
        %broadcast_in_dim3A_906 = arith.constant 0.000000e+00 : f32
        %broadcast_in_dim3A_907 = vector.broadcast %broadcast_in_dim3A_906 : f32 to vector<16xf32>
        %mul3A_908 = arith.mulf %exp3A_850, %div3A_870 : vector<16xf32>
        %select_n3A_909 = arith.select %eq3A_888, %mul3A_908, %broadcast_in_dim3A_907 : vector<16xi1>, vector<16xf32>
        %mul3A_910 = arith.mulf %exp3A_852, %div3A_870 : vector<16xf32>
        %select_n3A_911 = arith.select %eq3A_889, %mul3A_910, %broadcast_in_dim3A_907 : vector<16xi1>, vector<16xf32>
        %mul3A_912 = arith.mulf %exp3A_854, %div3A_870 : vector<16xf32>
        %select_n3A_913 = arith.select %eq3A_890, %mul3A_912, %broadcast_in_dim3A_907 : vector<16xi1>, vector<16xf32>
        %mul3A_914 = arith.mulf %exp3A_856, %div3A_870 : vector<16xf32>
        %select_n3A_915 = arith.select %eq3A_891, %mul3A_914, %broadcast_in_dim3A_907 : vector<16xi1>, vector<16xf32>
        %mul3A_916 = arith.mulf %add3A_863, %div3A_870 : vector<16xf32>
        %max3A_917 = arith.constant 0.000000e+00 : f32
        %max3A_918 = vector.broadcast %max3A_917 : f32 to vector<16xf32>
        %max3A_919 = arith.maximumf %mul3A_916, %max3A_918 : vector<16xf32>
        %min3A_920 = arith.constant 1.000000e+00 : f32
        %min3A_921 = vector.broadcast %min3A_920 : f32 to vector<16xf32>
        %min3A_922 = arith.minimumf %max3A_919, %min3A_921 : vector<16xf32>
        tpu.vector_store_idx %arg12[%add3A_808], %select_n3A_909 : memref<14336xf32, #tpu.memory_space<vmem>>[vector<16xi32>], vector<16xf32>,
        tpu.vector_store_idx %arg12[%add3A_811], %select_n3A_911 : memref<14336xf32, #tpu.memory_space<vmem>>[vector<16xi32>], vector<16xf32>,
        tpu.vector_store_idx %arg12[%add3A_814], %select_n3A_913 : memref<14336xf32, #tpu.memory_space<vmem>>[vector<16xi32>], vector<16xf32>,
        tpu.vector_store_idx %arg12[%add3A_817], %select_n3A_915 : memref<14336xf32, #tpu.memory_space<vmem>>[vector<16xi32>], vector<16xf32>,
        %add3A_923 = arith.constant 80 : i32
        %add3A_924 = arith.addi %mul3A_185, %add3A_923 : i32
        %swap3A_925 = arith.index_cast %add3A_924 : i32 to index
        %swap3A_926 = tpu.vector_load %arg14[%swap3A_925] {strides = array<i32>} : memref<3584xf32, #tpu.memory_space<vmem>>, vector<16xf32>,
        tpu.vector_store %arg14[%swap3A_925], %min3A_922 {strides = array<i32>} : memref<3584xf32, #tpu.memory_space<vmem>>, vector<16xf32>,
        %add3A_927 = arith.constant 80 : i32
        %add3A_928 = arith.addi %mul3A_185, %add3A_927 : i32
        %swap3A_929 = arith.index_cast %add3A_928 : i32 to index
        %swap3A_930 = tpu.vector_load %arg16[%swap3A_929] {strides = array<i32>} : memref<3584xi32, #tpu.memory_space<vmem>>, vector<16xi32>,
        tpu.vector_store %arg16[%swap3A_929], %select_n3A_905 {strides = array<i32>} : memref<3584xi32, #tpu.memory_space<vmem>>, vector<16xi32>,
        %add3A_931 = arith.constant 192 : i32
        %add3A_932 = arith.addi %mul3A_181, %add3A_931 : i32
        %add3A_933 = vector.broadcast %add3A_932 : i32 to vector<16xi32>
        %add3A_934 = arith.addi %mul3A_3, %add3A_933 : vector<16xi32>
        %add3A_935 = arith.constant 1 : i32
        %add3A_936 = vector.broadcast %add3A_935 : i32 to vector<16xi32>
        %add3A_937 = arith.addi %add3A_934, %add3A_936 : vector<16xi32>
        %add3A_938 = arith.constant 224 : i32
        %add3A_939 = vector.broadcast %add3A_938 : i32 to vector<16xi32>
        %add3A_940 = arith.addi %add3A_934, %add3A_939 : vector<16xi32>
        %add3A_941 = arith.constant 225 : i32
        %add3A_942 = vector.broadcast %add3A_941 : i32 to vector<16xi32>
        %add3A_943 = arith.addi %add3A_934, %add3A_942 : vector<16xi32>
        %add3A_944 = arith.constant 480 : i32
        %add3A_945 = arith.addi %mul3A_183, %add3A_944 : i32
        %add3A_946 = vector.broadcast %add3A_945 : i32 to vector<16xi32>
        %add3A_947 = arith.addi %mul3A_6, %add3A_946 : vector<16xi32>
        %gather3A_948 = tpu.vector_load_idx %arg8[%add3A_934] : memref<14336xf32, #tpu.memory_space<vmem>>[vector<16xi32>], vector<16xf32>,
        %gather3A_949 = tpu.vector_load_idx %arg8[%add3A_937] : memref<14336xf32, #tpu.memory_space<vmem>>[vector<16xi32>], vector<16xf32>,
        %gather3A_950 = tpu.vector_load_idx %arg8[%add3A_940] : memref<14336xf32, #tpu.memory_space<vmem>>[vector<16xi32>], vector<16xf32>,
        %gather3A_951 = tpu.vector_load_idx %arg8[%add3A_943] : memref<14336xf32, #tpu.memory_space<vmem>>[vector<16xi32>], vector<16xf32>,
        %gather3A_952 = tpu.vector_load_idx %arg10[%add3A_947] : memref<17920xf32, #tpu.memory_space<vmem>>[vector<16xi32>], vector<16xf32>,
        %add3A_953 = arith.constant 1 : i32
        %add3A_954 = vector.broadcast %add3A_953 : i32 to vector<16xi32>
        %add3A_955 = arith.addi %add3A_947, %add3A_954 : vector<16xi32>
        %gather3A_956 = tpu.vector_load_idx %arg10[%add3A_955] : memref<17920xf32, #tpu.memory_space<vmem>>[vector<16xi32>], vector<16xf32>,
        %add3A_957 = arith.constant 2 : i32
        %add3A_958 = vector.broadcast %add3A_957 : i32 to vector<16xi32>
        %add3A_959 = arith.addi %add3A_947, %add3A_958 : vector<16xi32>
        %gather3A_960 = tpu.vector_load_idx %arg10[%add3A_959] : memref<17920xf32, #tpu.memory_space<vmem>>[vector<16xi32>], vector<16xf32>,
        %add3A_961 = arith.constant 3 : i32
        %add3A_962 = vector.broadcast %add3A_961 : i32 to vector<16xi32>
        %add3A_963 = arith.addi %add3A_947, %add3A_962 : vector<16xi32>
        %gather3A_964 = tpu.vector_load_idx %arg10[%add3A_963] : memref<17920xf32, #tpu.memory_space<vmem>>[vector<16xi32>], vector<16xf32>,
        %add3A_965 = arith.constant 4 : i32
        %add3A_966 = vector.broadcast %add3A_965 : i32 to vector<16xi32>
        %add3A_967 = arith.addi %add3A_947, %add3A_966 : vector<16xi32>
        %gather3A_968 = tpu.vector_load_idx %arg10[%add3A_967] : memref<17920xf32, #tpu.memory_space<vmem>>[vector<16xi32>], vector<16xf32>,
        %max3A_969 = arith.maximumf %gather3A_948, %gather3A_949 : vector<16xf32>
        %max3A_970 = arith.maximumf %gather3A_950, %gather3A_951 : vector<16xf32>
        %max3A_971 = arith.maximumf %max3A_969, %max3A_970 : vector<16xf32>
        %max3A_972 = arith.constant 0.000000e+00 : f32
        %max3A_973 = vector.broadcast %max3A_972 : f32 to vector<16xf32>
        %max3A_974 = arith.maximumf %max3A_971, %max3A_973 : vector<16xf32>
        %sub3A_975 = arith.subf %gather3A_948, %max3A_974 : vector<16xf32>
        %exp3A_976 = math.exp %sub3A_975 : vector<16xf32>
        %sub3A_977 = arith.subf %gather3A_949, %max3A_974 : vector<16xf32>
        %exp3A_978 = math.exp %sub3A_977 : vector<16xf32>
        %sub3A_979 = arith.subf %gather3A_950, %max3A_974 : vector<16xf32>
        %exp3A_980 = math.exp %sub3A_979 : vector<16xf32>
        %sub3A_981 = arith.subf %gather3A_951, %max3A_974 : vector<16xf32>
        %exp3A_982 = math.exp %sub3A_981 : vector<16xf32>
        %sub3A_983 = arith.constant 0.000000e+00 : f32
        %sub3A_984 = vector.broadcast %sub3A_983 : f32 to vector<16xf32>
        %sub3A_985 = arith.subf %sub3A_984, %max3A_974 : vector<16xf32>
        %exp3A_986 = math.exp %sub3A_985 : vector<16xf32>
        %add3A_987 = arith.addf %exp3A_976, %exp3A_978 : vector<16xf32>
        %add3A_988 = arith.addf %add3A_987, %exp3A_980 : vector<16xf32>
        %add3A_989 = arith.addf %add3A_988, %exp3A_982 : vector<16xf32>
        %add3A_990 = arith.addf %add3A_989, %exp3A_986 : vector<16xf32>
        %add3A_991 = arith.constant 9.99999993E-9 : f32
        %add3A_992 = vector.broadcast %add3A_991 : f32 to vector<16xf32>
        %add3A_993 = arith.addf %add3A_990, %add3A_992 : vector<16xf32>
        %div3A_994 = arith.constant 1.000000e+00 : f32
        %div3A_995 = vector.broadcast %div3A_994 : f32 to vector<16xf32>
        %div3A_996 = arith.divf %div3A_995, %add3A_993 : vector<16xf32>
        %mul3A_997 = arith.constant 9.99999993E-9 : f32
        %mul3A_998 = vector.broadcast %mul3A_997 : f32 to vector<16xf32>
        %mul3A_999 = arith.mulf %mul3A_998, %add3A_993 : vector<16xf32>
        %add3A_1000 = arith.addf %exp3A_976, %mul3A_999 : vector<16xf32>
        %mul3A_1001 = arith.mulf %add3A_1000, %gather3A_952 : vector<16xf32>
        %add3A_1002 = arith.addf %exp3A_978, %mul3A_999 : vector<16xf32>
        %mul3A_1003 = arith.mulf %add3A_1002, %gather3A_956 : vector<16xf32>
        %add3A_1004 = arith.addf %exp3A_980, %mul3A_999 : vector<16xf32>
        %mul3A_1005 = arith.mulf %add3A_1004, %gather3A_960 : vector<16xf32>
        %add3A_1006 = arith.addf %exp3A_982, %mul3A_999 : vector<16xf32>
        %mul3A_1007 = arith.mulf %add3A_1006, %gather3A_964 : vector<16xf32>
        %add3A_1008 = arith.addf %exp3A_986, %mul3A_999 : vector<16xf32>
        %mul3A_1009 = arith.mulf %add3A_1008, %gather3A_968 : vector<16xf32>
        %max3A_1010 = arith.maximumf %mul3A_1001, %mul3A_1003 : vector<16xf32>
        %max3A_1011 = arith.maximumf %mul3A_1005, %mul3A_1007 : vector<16xf32>
        %max3A_1012 = arith.maximumf %max3A_1010, %max3A_1011 : vector<16xf32>
        %max3A_1013 = arith.maximumf %max3A_1012, %mul3A_1009 : vector<16xf32>
        %eq3A_1014 = arith.cmpf oeq, %mul3A_1001, %max3A_1013 : vector<16xf32>
        %eq3A_1015 = arith.cmpf oeq, %mul3A_1003, %max3A_1013 : vector<16xf32>
        %eq3A_1016 = arith.cmpf oeq, %mul3A_1005, %max3A_1013 : vector<16xf32>
        %eq3A_1017 = arith.cmpf oeq, %mul3A_1007, %max3A_1013 : vector<16xf32>
        %jit3A_1018 = arith.constant 3 : i32
        %jit3A_1019 = arith.constant 4 : i32
        %broadcast_in_dim3A_1020 = vector.broadcast %jit3A_1018 : i32 to vector<16xi32>
        %broadcast_in_dim3A_1021 = vector.broadcast %jit3A_1019 : i32 to vector<16xi32>
        %select_n3A_1022 = arith.select %eq3A_1017, %broadcast_in_dim3A_1020, %broadcast_in_dim3A_1021 : vector<16xi1>, vector<16xi32>
        %jit3A_1023 = arith.constant 2 : i32
        %broadcast_in_dim3A_1024 = vector.broadcast %jit3A_1023 : i32 to vector<16xi32>
        %select_n3A_1025 = arith.select %eq3A_1016, %broadcast_in_dim3A_1024, %select_n3A_1022 : vector<16xi1>, vector<16xi32>
        %jit3A_1026 = arith.constant 1 : i32
        %broadcast_in_dim3A_1027 = vector.broadcast %jit3A_1026 : i32 to vector<16xi32>
        %select_n3A_1028 = arith.select %eq3A_1015, %broadcast_in_dim3A_1027, %select_n3A_1025 : vector<16xi1>, vector<16xi32>
        %jit3A_1029 = arith.constant 0 : i32
        %broadcast_in_dim3A_1030 = vector.broadcast %jit3A_1029 : i32 to vector<16xi32>
        %select_n3A_1031 = arith.select %eq3A_1014, %broadcast_in_dim3A_1030, %select_n3A_1028 : vector<16xi1>, vector<16xi32>
        %broadcast_in_dim3A_1032 = arith.constant 0.000000e+00 : f32
        %broadcast_in_dim3A_1033 = vector.broadcast %broadcast_in_dim3A_1032 : f32 to vector<16xf32>
        %mul3A_1034 = arith.mulf %exp3A_976, %div3A_996 : vector<16xf32>
        %select_n3A_1035 = arith.select %eq3A_1014, %mul3A_1034, %broadcast_in_dim3A_1033 : vector<16xi1>, vector<16xf32>
        %mul3A_1036 = arith.mulf %exp3A_978, %div3A_996 : vector<16xf32>
        %select_n3A_1037 = arith.select %eq3A_1015, %mul3A_1036, %broadcast_in_dim3A_1033 : vector<16xi1>, vector<16xf32>
        %mul3A_1038 = arith.mulf %exp3A_980, %div3A_996 : vector<16xf32>
        %select_n3A_1039 = arith.select %eq3A_1016, %mul3A_1038, %broadcast_in_dim3A_1033 : vector<16xi1>, vector<16xf32>
        %mul3A_1040 = arith.mulf %exp3A_982, %div3A_996 : vector<16xf32>
        %select_n3A_1041 = arith.select %eq3A_1017, %mul3A_1040, %broadcast_in_dim3A_1033 : vector<16xi1>, vector<16xf32>
        %mul3A_1042 = arith.mulf %add3A_989, %div3A_996 : vector<16xf32>
        %max3A_1043 = arith.constant 0.000000e+00 : f32
        %max3A_1044 = vector.broadcast %max3A_1043 : f32 to vector<16xf32>
        %max3A_1045 = arith.maximumf %mul3A_1042, %max3A_1044 : vector<16xf32>
        %min3A_1046 = arith.constant 1.000000e+00 : f32
        %min3A_1047 = vector.broadcast %min3A_1046 : f32 to vector<16xf32>
        %min3A_1048 = arith.minimumf %max3A_1045, %min3A_1047 : vector<16xf32>
        tpu.vector_store_idx %arg12[%add3A_934], %select_n3A_1035 : memref<14336xf32, #tpu.memory_space<vmem>>[vector<16xi32>], vector<16xf32>,
        tpu.vector_store_idx %arg12[%add3A_937], %select_n3A_1037 : memref<14336xf32, #tpu.memory_space<vmem>>[vector<16xi32>], vector<16xf32>,
        tpu.vector_store_idx %arg12[%add3A_940], %select_n3A_1039 : memref<14336xf32, #tpu.memory_space<vmem>>[vector<16xi32>], vector<16xf32>,
        tpu.vector_store_idx %arg12[%add3A_943], %select_n3A_1041 : memref<14336xf32, #tpu.memory_space<vmem>>[vector<16xi32>], vector<16xf32>,
        %add3A_1049 = arith.constant 96 : i32
        %add3A_1050 = arith.addi %mul3A_185, %add3A_1049 : i32
        %swap3A_1051 = arith.index_cast %add3A_1050 : i32 to index
        %swap3A_1052 = tpu.vector_load %arg14[%swap3A_1051] {strides = array<i32>} : memref<3584xf32, #tpu.memory_space<vmem>>, vector<16xf32>,
        tpu.vector_store %arg14[%swap3A_1051], %min3A_1048 {strides = array<i32>} : memref<3584xf32, #tpu.memory_space<vmem>>, vector<16xf32>,
        %add3A_1053 = arith.constant 96 : i32
        %add3A_1054 = arith.addi %mul3A_185, %add3A_1053 : i32
        %swap3A_1055 = arith.index_cast %add3A_1054 : i32 to index
        %swap3A_1056 = tpu.vector_load %arg16[%swap3A_1055] {strides = array<i32>} : memref<3584xi32, #tpu.memory_space<vmem>>, vector<16xi32>,
        tpu.vector_store %arg16[%swap3A_1055], %select_n3A_1031 {strides = array<i32>} : memref<3584xi32, #tpu.memory_space<vmem>>, vector<16xi32>,
        %scan3A_1057 = arith.constant 0 : i32
        scf.yield %scan3A_1057 : i32
      }
      %scan3A_152 = arith.constant 32 : i32
      %mul3A_153 = arith.constant 2688 : i32
      %mul3A_154 = arith.muli %add3A, %mul3A_153 : i32
      %mul3A_155 = arith.constant 32 : i32
      %mul3A_156 = arith.muli %add3A_78, %mul3A_155 : i32
      %add3A_157 = arith.addi %mul3A_154, %mul3A_156 : i32
      %mul3A_158 = arith.constant 448 : i32
      %mul3A_159 = arith.muli %add3A_157, %mul3A_158 : i32
      %mul3A_160 = arith.constant 560 : i32
      %mul3A_161 = arith.muli %add3A_157, %mul3A_160 : i32
      %mul3A_162 = arith.constant 112 : i32
      %mul3A_163 = arith.muli %add3A_157, %mul3A_162 : i32
      %dma_start3A_164 = tpu.memref_slice %arg4[%mul3A_159] : memref<38535168xf32, #tpu.memory_space<hbm>> -> memref<14336xf32, #tpu.memory_space<hbm>>
      %dma_start3A_165 = tpu.memref_slice %arg4[%mul3A_159] : memref<38535168xf32, #tpu.memory_space<hbm>> -> memref<14336xf32, #tpu.memory_space<hbm>>
      tpu.enqueue_dma source(%arg12 : memref<14336xf32, #tpu.memory_space<vmem>>) target(%dma_start3A_165 : memref<14336xf32, #tpu.memory_space<hbm>>) target_semaphore(%arg22 : memref<!tpu.dma_semaphore, #tpu.memory_space<semaphore_mem>>)
      %dma_start3A_166 = tpu.memref_slice %arg5[%mul3A_163] : memref<9633792xf32, #tpu.memory_space<hbm>> -> memref<3584xf32, #tpu.memory_space<hbm>>
      %dma_start3A_167 = tpu.memref_slice %arg5[%mul3A_163] : memref<9633792xf32, #tpu.memory_space<hbm>> -> memref<3584xf32, #tpu.memory_space<hbm>>
      tpu.enqueue_dma source(%arg14 : memref<3584xf32, #tpu.memory_space<vmem>>) target(%dma_start3A_167 : memref<3584xf32, #tpu.memory_space<hbm>>) target_semaphore(%arg24 : memref<!tpu.dma_semaphore, #tpu.memory_space<semaphore_mem>>)
      %dma_start3A_168 = tpu.memref_slice %arg6[%mul3A_163] : memref<9633792xi32, #tpu.memory_space<hbm>> -> memref<3584xi32, #tpu.memory_space<hbm>>
      %dma_start3A_169 = tpu.memref_slice %arg6[%mul3A_163] : memref<9633792xi32, #tpu.memory_space<hbm>> -> memref<3584xi32, #tpu.memory_space<hbm>>
      tpu.enqueue_dma source(%arg16 : memref<3584xi32, #tpu.memory_space<vmem>>) target(%dma_start3A_169 : memref<3584xi32, #tpu.memory_space<hbm>>) target_semaphore(%arg26 : memref<!tpu.dma_semaphore, #tpu.memory_space<semaphore_mem>>)
      %add3A_170 = arith.constant 2 : i32
      %add3A_171 = arith.addi %add3A_78, %add3A_170 : i32
      %lt3A_172 = arith.constant 84 : i32
      %lt3A_173 = arith.cmpi slt, %add3A_171, %lt3A_172 : i32
      %convert_element_type3A_174 = arith.extui %lt3A_173 : i1 to i32
      %cond3A_175 = arith.constant 0 : i32
      %cond3A_176 = arith.cmpi ne, %convert_element_type3A_174, %cond3A_175 : i32
      scf.if %cond3A_176 {
        %add3A_178 = arith.constant 2 : i32
        %add3A_179 = arith.addi %add3A_78, %add3A_178 : i32
        %mul3A_180 = arith.constant 2688 : i32
        %mul3A_181 = arith.muli %add3A, %mul3A_180 : i32
        %mul3A_182 = arith.constant 32 : i32
        %mul3A_183 = arith.muli %add3A_179, %mul3A_182 : i32
        %add3A_184 = arith.addi %mul3A_181, %mul3A_183 : i32
        %mul3A_185 = arith.constant 448 : i32
        %mul3A_186 = arith.muli %add3A_184, %mul3A_185 : i32
        %mul3A_187 = arith.constant 560 : i32
        %mul3A_188 = arith.muli %add3A_184, %mul3A_187 : i32
        %mul3A_189 = arith.constant 112 : i32
        %mul3A_190 = arith.muli %add3A_184, %mul3A_189 : i32
        %dma_start3A_191 = tpu.memref_slice %arg2[%mul3A_186] : memref<38535168xf32, #tpu.memory_space<hbm>> -> memref<14336xf32, #tpu.memory_space<hbm>>
        %dma_start3A_192 = tpu.memref_slice %arg2[%mul3A_186] : memref<38535168xf32, #tpu.memory_space<hbm>> -> memref<14336xf32, #tpu.memory_space<hbm>>
        tpu.enqueue_dma source(%dma_start3A_192 : memref<14336xf32, #tpu.memory_space<hbm>>) target(%arg8 : memref<14336xf32, #tpu.memory_space<vmem>>) target_semaphore(%arg18 : memref<!tpu.dma_semaphore, #tpu.memory_space<semaphore_mem>>)
        %dma_start3A_193 = tpu.memref_slice %arg3[%mul3A_188] : memref<48168960xf32, #tpu.memory_space<hbm>> -> memref<17920xf32, #tpu.memory_space<hbm>>
        %dma_start3A_194 = tpu.memref_slice %arg3[%mul3A_188] : memref<48168960xf32, #tpu.memory_space<hbm>> -> memref<17920xf32, #tpu.memory_space<hbm>>
        tpu.enqueue_dma source(%dma_start3A_194 : memref<17920xf32, #tpu.memory_space<hbm>>) target(%arg10 : memref<17920xf32, #tpu.memory_space<vmem>>) target_semaphore(%arg20 : memref<!tpu.dma_semaphore, #tpu.memory_space<semaphore_mem>>)
      } else {
      }
      %scan3A_177 = arith.constant 0 : i32
      scf.yield %scan3A_177 : i32
    }
    %scan3A_39 = arith.constant 42 : i32
    %mul3A_40 = arith.constant 2688 : i32
    %mul3A_41 = arith.muli %add3A, %mul3A_40 : i32
    %add3A_42 = arith.constant 2624 : i32
    %add3A_43 = arith.addi %mul3A_41, %add3A_42 : i32
    %mul3A_44 = arith.constant 448 : i32
    %mul3A_45 = arith.muli %add3A_43, %mul3A_44 : i32
    %mul3A_46 = arith.constant 560 : i32
    %mul3A_47 = arith.muli %add3A_43, %mul3A_46 : i32
    %mul3A_48 = arith.constant 112 : i32
    %mul3A_49 = arith.muli %add3A_43, %mul3A_48 : i32
    %dma_wait3A = tpu.memref_slice %arg4[%mul3A_45] : memref<38535168xf32, #tpu.memory_space<hbm>> -> memref<14336xf32, #tpu.memory_space<hbm>>
    %dma_wait3A_50 = tpu.memref_slice %arg4[%mul3A_45] : memref<38535168xf32, #tpu.memory_space<hbm>> -> memref<14336xf32, #tpu.memory_space<hbm>>
    tpu.wait_dma2 semaphore(%arg21 : memref<!tpu.dma_semaphore, #tpu.memory_space<semaphore_mem>>) src(%arg11 : memref<14336xf32, #tpu.memory_space<vmem>>) dst(%dma_wait3A_50 : memref<14336xf32, #tpu.memory_space<hbm>>)
    %dma_wait3A_51 = tpu.memref_slice %arg5[%mul3A_49] : memref<9633792xf32, #tpu.memory_space<hbm>> -> memref<3584xf32, #tpu.memory_space<hbm>>
    %dma_wait3A_52 = tpu.memref_slice %arg5[%mul3A_49] : memref<9633792xf32, #tpu.memory_space<hbm>> -> memref<3584xf32, #tpu.memory_space<hbm>>
    tpu.wait_dma2 semaphore(%arg23 : memref<!tpu.dma_semaphore, #tpu.memory_space<semaphore_mem>>) src(%arg13 : memref<3584xf32, #tpu.memory_space<vmem>>) dst(%dma_wait3A_52 : memref<3584xf32, #tpu.memory_space<hbm>>)
    %dma_wait3A_53 = tpu.memref_slice %arg6[%mul3A_49] : memref<9633792xi32, #tpu.memory_space<hbm>> -> memref<3584xi32, #tpu.memory_space<hbm>>
    %dma_wait3A_54 = tpu.memref_slice %arg6[%mul3A_49] : memref<9633792xi32, #tpu.memory_space<hbm>> -> memref<3584xi32, #tpu.memory_space<hbm>>
    tpu.wait_dma2 semaphore(%arg25 : memref<!tpu.dma_semaphore, #tpu.memory_space<semaphore_mem>>) src(%arg15 : memref<3584xi32, #tpu.memory_space<vmem>>) dst(%dma_wait3A_54 : memref<3584xi32, #tpu.memory_space<hbm>>)
    %mul3A_55 = arith.constant 2688 : i32
    %mul3A_56 = arith.muli %add3A, %mul3A_55 : i32
    %add3A_57 = arith.constant 2656 : i32
    %add3A_58 = arith.addi %mul3A_56, %add3A_57 : i32
    %mul3A_59 = arith.constant 448 : i32
    %mul3A_60 = arith.muli %add3A_58, %mul3A_59 : i32
    %mul3A_61 = arith.constant 560 : i32
    %mul3A_62 = arith.muli %add3A_58, %mul3A_61 : i32
    %mul3A_63 = arith.constant 112 : i32
    %mul3A_64 = arith.muli %add3A_58, %mul3A_63 : i32
    %dma_wait3A_65 = tpu.memref_slice %arg4[%mul3A_60] : memref<38535168xf32, #tpu.memory_space<hbm>> -> memref<14336xf32, #tpu.memory_space<hbm>>
    %dma_wait3A_66 = tpu.memref_slice %arg4[%mul3A_60] : memref<38535168xf32, #tpu.memory_space<hbm>> -> memref<14336xf32, #tpu.memory_space<hbm>>
    tpu.wait_dma2 semaphore(%arg22 : memref<!tpu.dma_semaphore, #tpu.memory_space<semaphore_mem>>) src(%arg12 : memref<14336xf32, #tpu.memory_space<vmem>>) dst(%dma_wait3A_66 : memref<14336xf32, #tpu.memory_space<hbm>>)
    %dma_wait3A_67 = tpu.memref_slice %arg5[%mul3A_64] : memref<9633792xf32, #tpu.memory_space<hbm>> -> memref<3584xf32, #tpu.memory_space<hbm>>
    %dma_wait3A_68 = tpu.memref_slice %arg5[%mul3A_64] : memref<9633792xf32, #tpu.memory_space<hbm>> -> memref<3584xf32, #tpu.memory_space<hbm>>
    tpu.wait_dma2 semaphore(%arg24 : memref<!tpu.dma_semaphore, #tpu.memory_space<semaphore_mem>>) src(%arg14 : memref<3584xf32, #tpu.memory_space<vmem>>) dst(%dma_wait3A_68 : memref<3584xf32, #tpu.memory_space<hbm>>)
    %dma_wait3A_69 = tpu.memref_slice %arg6[%mul3A_64] : memref<9633792xi32, #tpu.memory_space<hbm>> -> memref<3584xi32, #tpu.memory_space<hbm>>
    %dma_wait3A_70 = tpu.memref_slice %arg6[%mul3A_64] : memref<9633792xi32, #tpu.memory_space<hbm>> -> memref<3584xi32, #tpu.memory_space<hbm>>
    tpu.wait_dma2 semaphore(%arg26 : memref<!tpu.dma_semaphore, #tpu.memory_space<semaphore_mem>>) src(%arg16 : memref<3584xi32, #tpu.memory_space<vmem>>) dst(%dma_wait3A_70 : memref<3584xi32, #tpu.memory_space<hbm>>)
    return
  }
}

</mosaic_0001>

<sc_bundles>
// kernel: kernel.3.cloned.1.call-start
scs
__scs_entry_jumppad:
0x0: {  	(pc) =	sbr.rel $0x88, $3  }
0x1: {  	(tag) =	ssettag $0x0;
	lr =	simm.s32 $0x1  }
0x2: {  	[smem:$0x3FA0] =	sst lr;
	_ =	strace $0xD0000000  }
0x3: {  	_ = 	snop  }
0x4: {  	_ = 	snop  }
0x5: {  	_ = 	snop  }
0x6: {  	_ = 	snop  }
0x7: {  	_ = 	snop  }
__scs_overlays_trampoline_lowered:
0x8: {  	[smem:$0x3FAF] =	sst s0  }
0x9: {  	[smem:$0x3FB0] =	sst s1  }
0xa: {  	[smem:$0x3FB1] =	sst s2  }
0xb: {  	[smem:$0x3FB2] =	sst s3  }
0xc: {  	[smem:$0x3FB3] =	sst s4  }
0xd: {  	[smem:$0x3FB4] =	sst s5  }
0xe: {  	[smem:$0x3FB5] =	sst s6  }
0xf: {  	[smem:$0x3FB6] =	sst s7  }
0x10: {  	[smem:$0x3FB7] =	sst s8  }
0x11: {  	[smem:$0x3FB8] =	sst s9;
	s0 =	simm.s32 @!p0 $0x0  }
0x12: {  	s1 =	sld [smem:$0x3F9E];
	s0 =	simm.s32 @p0 $0x1  }
0x13: {  	[smem:$0x3FB9] =	sst s0;
	s0 =	simm.s32 @!p1 $0x0  }
0x14: {  	s2 =	sld [smem:$0x3F9D];
	s0 =	simm.s32 @p1 $0x1  }
0x15: {  	[smem:$0x3FBA] =	sst s0;
	s0 =	simm.s32 @!p2 $0x0  }
0x16: {  	s3 =	sld [smem:$0x3FDB];
	s0 =	simm.s32 @p2 $0x1  }
0x17: {  	s4 =	simm.s32 $0x1BF5;
	[smem:$0x3FBC] =	sst s0  }
0x18: {  	s0 =	sld [smem:$0x3F9F];
	_ =	swait.ge [sflag:s4], $0x0  }
0x19: {  	s7 =	sld [smem:$0x3FA0]  }
0x1a: {  	s8 =	sadd.s32 $0xFFFFE003, lr  }
0x1b: {  	s9 =	sadd.s32 $0xFFFFFEF7, lr;
	s5 =	simm.s32 $0xFFFFFFFF;
	p2 =	slt.u32 s8, $0xFFFFF086  }
0x1c: {  	p1 =	slt.u32 s9, $0xF7A;
	s5 =	simm.s32 @!p2 $0x0  }
0x1d: {  	s5 =	simm.s32 @p1 $0x1;
	p0 =	seq.s32 s7, s2  }
0x1e: {  	s7 =	smul.u32 @!p0 $0xF7A, s2;
	p2 =	seq.s32 @!p0 s5, $0x0  }
0x1f: {  	s9 =	smul.u32 $0xF7A, s1;
	s8 =	simm.s32 @!p0 $0x1BF5;
	p2 =	por !p2, p0  }
0x20: {  	[sflag:s8] =	ssyncset.s32 @!p0 $0xFFFFF086;
	s6 =	sadd.s32 @!p0 s3, s7;
	s7 =	simm.s32 @!p0 $0x108  }
0x21: {  	s3 =	sadd.s32 s3, s9;
	s6 =	sadd.s32 @!p0 $0x88, s6;
	s7 =	simm.s32 @p2 $0x1082  }
0x22: {  	[simem:s7], [sflag:s8] =	dma.local @!p0 [hbm:s6], $0xF7A  }
0x23: {  	s9 =	sor.u32 $0xD0000000, s2;
	s6 =	simm.s32 $0x108;
	_ =	swait.ge @!p0 [sflag:s8], $0x0  }
0x24: {  	s3 =	sadd.s32 $0x88, s3;
	s6 =	simm.s32 @!p1 $0x1082;
	[sflag:s4] =	ssyncset.s32 $0xFFFFF086  }
0x25: {  	[simem:s6], [sflag:s4] =	dma.local [hbm:s3], $0xF7A  }
0x26: {  	[smem:$0x3FA0] =	sst s1;
	(tag) =	ssettag s2;
	_ =	strace s9  }
0x27: {  	s1 =	sld [smem:$0x3FB0]  }
0x28: {  	s2 =	sld [smem:$0x3FB1]  }
0x29: {  	s4 =	sld [smem:$0x3FB3]  }
0x2a: {  	p0 =	seq.s32 s5, $0x0;
	s5 =	sld [smem:$0x3FB4]  }
0x2b: {  	s6 =	sld [smem:$0x3FB5]  }
0x2c: {  	s7 =	sld [smem:$0x3FB6]  }
0x2d: {  	s3 =	simm.s32 $0x108;
	s8 =	sld [smem:$0x3FB7]  }
0x2e: {  	s3 =	simm.s32 @!p0 $0x1082;
	s9 =	sld [smem:$0x3FB8]  }
0x2f: {  	lr =	sadd.s32 s0, s3;
	s0 =	sld [smem:$0x3FAF]  }
0x30: {  	s3 =	sld [smem:$0x3FB2]  }
0x31: {  	[smem:$0x3FBB] =	sst s10  }
0x32: {  	s10 =	sld [smem:$0x3FB9];
	_ =	sdelay $0x3  }
0x33: {  	p0 =	seq.s32 s10, $0x1;
	s10 =	sld [smem:$0x3FBB];
	_ =	sdelay $0x3  }
0x34: {  	[smem:$0x3FBB] =	sst s10  }
0x35: {  	s10 =	sld [smem:$0x3FBA];
	_ =	sdelay $0x3  }
0x36: {  	p1 =	seq.s32 s10, $0x1;
	s10 =	sld [smem:$0x3FBB];
	_ =	sdelay $0x3  }
0x37: {  	[smem:$0x3FBB] =	sst s10  }
0x38: {  	s10 =	sld [smem:$0x3FBC]  }
0x39: {  	_ = 	snop;
	(pc) =	sbr.ind lr, $3  }
0x3a: {  	_ = 	snop  }
0x3b: {  	_ = 	snop  }
0x3c: {  	p2 =	seq.s32 s10, $0x1;
	s10 =	sld [smem:$0x3FBB]  }
0x3d: {  	_ =	shalt  }
0x3e: {  	_ =	shalt  }
0x3f: {  	_ =	shalt  }
0x40: {  	_ =	shalt  }
0x41: {  	_ =	shalt  }
0x42: {  	_ =	shalt  }
0x43: {  	_ =	shalt  }
0x44: {  	_ =	shalt  }
0x45: {  	_ =	shalt  }
0x46: {  	_ =	shalt  }
0x47: {  	_ =	shalt  }
0x48: {  	_ =	shalt  }
0x49: {  	_ =	shalt  }
0x4a: {  	_ =	shalt  }
0x4b: {  	_ =	shalt  }
0x4c: {  	_ =	shalt  }
0x4d: {  	_ =	shalt  }
0x4e: {  	_ =	shalt  }
0x4f: {  	_ =	shalt  }
0x50: {  	_ =	shalt  }
0x51: {  	_ =	shalt  }
0x52: {  	_ =	shalt  }
0x53: {  	_ =	shalt  }
0x54: {  	_ =	shalt  }
0x55: {  	_ =	shalt  }
0x56: {  	_ =	shalt  }
0x57: {  	_ =	shalt  }
0x58: {  	_ =	shalt  }
0x59: {  	_ =	shalt  }
0x5a: {  	_ =	shalt  }
0x5b: {  	_ =	shalt  }
0x5c: {  	_ =	shalt  }
0x5d: {  	_ =	shalt  }
0x5e: {  	_ =	shalt  }
0x5f: {  	_ =	shalt  }
0x60: {  	_ =	shalt  }
0x61: {  	_ =	shalt  }
0x62: {  	_ =	shalt  }
0x63: {  	_ =	shalt  }
0x64: {  	_ =	shalt  }
0x65: {  	_ =	shalt  }
0x66: {  	_ =	shalt  }
0x67: {  	_ =	shalt  }
0x68: {  	_ =	shalt  }
0x69: {  	_ =	shalt  }
0x6a: {  	_ =	shalt  }
0x6b: {  	_ =	shalt  }
0x6c: {  	_ =	shalt  }
0x6d: {  	_ =	shalt  }
0x6e: {  	_ =	shalt  }
0x6f: {  	_ =	shalt  }
0x70: {  	_ =	shalt  }
0x71: {  	_ =	shalt  }
0x72: {  	_ =	shalt  }
0x73: {  	_ =	shalt  }
0x74: {  	_ =	shalt  }
0x75: {  	_ =	shalt  }
0x76: {  	_ =	shalt  }
0x77: {  	_ =	shalt  }
0x78: {  	_ =	shalt  }
0x79: {  	_ =	shalt  }
0x7a: {  	_ =	shalt  }
0x7b: {  	_ =	shalt  }
0x7c: {  	_ =	shalt  }
0x7d: {  	_ =	shalt  }
0x7e: {  	_ =	shalt  }
0x7f: {  	_ =	shalt  }
0x80: {  	_ =	shalt  }
0x81: {  	_ =	shalt  }
0x82: {  	_ =	shalt  }
0x83: {  	_ =	shalt  }
0x84: {  	_ =	shalt  }
0x85: {  	_ =	shalt  }
0x86: {  	_ =	shalt  }
0x87: {  	_ =	shalt  }
.Lfunc_end0:
.L_simem_size_0:
called_computation_lowered:
.L_overlay_start_0:
0x88: {  	s2 =	sld [smem:$0x3FD9]  }
0x89: {  	s3 =	sld [smem:$0x3FFE];
	_ =	sdelay $0x1  }
0x8a: {  	s1 =	srdreg.scid  }
0x8b: {  	s0 =	sand.u32 $0x1, s1  }
0x8c: {  	s14 =	sshll.u32 s0, $0xA;
	s2 =	sadd.s32 s3, s2  }
0x8d: {  	s2 =	sadd.s32 s2, s14  }
0x8e: {  	[smem:$0x3FC7] =	sst s2  }
0x8f: {  	_ = 	snop  }
0x90: {  	s2 =	sld [smem:$0x3FD0];
	_ =	sdelay $0x2  }
0x91: {  	s15 =	simm.s32 $0xA;
	s4 =	simm.s32 $0x10  }
0x92: {  	[smem:s4], [sflag:s15] =	dma.local [hbm:s2], $0x1  }
0x93: {  	_ =	swait.eq [sflag:s15], $0x1  }
0x94: {  	[sflag:s15] =	ssyncset.done $0x0  }
0x95: {  	s16 =	sld [smem:$0x10];
	[sflag:s15] =	ssyncadd.s32 $0xFFFFFFFF  }
0x96: {  	s17 =	sld [smem:$0x12];
	(tm) =	ssettm $0x1  }
0x97: {  	s18 =	sld [smem:$0x3FFB];
	_ =	sdelay $0x3  }
0x98: {  	_ =	strace s18  }
0x99: {  	s4 =	sld [smem:$0x3FFC];
	_ =	sdelay $0x3  }
0x9a: {  	_ =	strace s4  }
0x9b: {  	s4 =	sld [smem:$0x3FFD];
	_ =	sdelay $0x3  }
0x9c: {  	_ =	strace s4  }
0x9d: {  	_ =	strace $0x8FFFFFFF  }
0x9e: {  	s19 =	sld [smem:$0x3FDB];
	_ =	sdelay $0x1  }
0x9f: {  	s5 =	simm.s32 $_scs_section_size  }
0xa0: {  	s6 =	simm.s32 $_size__tile_overlayer_lowered;
	s7 =	simm.s32 $_tile_overlayer_lowered  }
0xa1: {  	s22 =	simm.s32 $0x1BFF;
	s21 =	sshll.u32 s7, $0x1;
	s4 =	sadd.s32 s5, s19  }
0xa2: {  	s8 =	simm.s32 $0x0;
	s20 =	sshll.u32 s6, $0x1;
	s6 =	sadd.s32 s21, s4  }
0xa3: {  	[timem:s8], [sflag:s22] =	dma.local [hbm:s6], s20  }
0xa4: {  	_ =	swait.ge [sflag:s22], s20  }
0xa5: {  	s5 =	ssub.s32 $0x0, s20;
	[sflag:s22] =	ssyncset.done $0x0  }
0xa6: {  	[sflag:s22] =	ssyncadd.s32 s5;
	_ =	sdelay $0x1  }
0xa7: {  	s23 =	simm.s32 $0x1B8B  }
0xa8: {  	_ =	swait.ge [sflag:s23], $0x1  }
0xa9: {  	[sflag:s23] =	ssyncset.done $0x0  }
0xaa: {  	s25 =	simm.s32 $0x1B8E;
	s24 =	sld [smem:$0x3FFE];
	[sflag:s23] =	ssyncadd.s32 $0xFFFFFFFF  }
0xab: {  	s26 =	simm.s32 $execute0_lowered;
	[smem:$0x3FD2] =	sst s25  }
0xac: {  	s6 =	sshll.u32 s26, $0x1;
	_ =	strace $0x80000046;
	[dreg:$0x1] =	wrdreg $0xFFFFFFFF  }
0xad: {  	s28 =	simm.s32 $_size_execute0_lowered;
	s4 =	sadd.s32 s4, s6;
	[dreg:$0x0] =	wrdreg $0x0  }
0xae: {  	s6 =	sshll.u32 s28, $0x1;
	[dreg:$0x2] =	wrdreg s4  }
0xaf: {  	[dreg:$0x3] =	wrdreg s6  }
0xb0: {  	[dreg:$0x4] =	wrdreg $0xC0  }
0xb1: {  	_ =	task [dreg:s8], $0x5FFFF  }
0xb2: {  	[dreg:$0x1] =	wrdreg $0xFFFFFFFF  }
0xb3: {  	[dreg:$0x0] =	wrdreg $0x60  }
0xb4: {  	[dreg:$0x2] =	wrdreg s16  }
0xb5: {  	[dreg:$0x3] =	wrdreg s24  }
0xb6: {  	[dreg:$0x4] =	wrdreg s17  }
0xb7: {  	[dreg:$0x5] =	wrdreg $0x9  }
0xb8: {  	_ =	task.clear_ibuf [dreg:s8], $0x6FFFF;
	_ =	strace $0x90000046  }
0xb9: {  	s29 =	simm.s32 $0x9;
	_ =	strace $0x80000048  }
0xba: {  	_ =	swait.ge [sflag:s29], $0x1  }
0xbb: {  	[sflag:s29] =	ssyncadd.s32 $0xFFFFFFFF  }
0xbc: {  	_ =	strace $0x90000048  }
0xbd: {  	_ =	sfence  }
0xbe: {  	s30 =	sld [smem:$0x0];
	_ =	sdelay $0x2  }
0xbf: {  	s31 =	sshll.u32 s1, $0xD;
	s1 =	sshrl.u32 s1, $0x2  }
0xc0: {  	s3 =	sand.u32 $0x4000, s31;
	s1 =	sadd.s32 s1, s30  }
0xc1: {  	s0 =	sor.u32 s3, s0;
	s1 =	sshll.u32 s1, $0x11  }
0xc2: {  	s0 =	sor.u32 s1, s0  }
0xc3: {  	s0 =	sadd.s32 $0x8F2B, s0  }
0xc4: {  	[sflag:s0] =	ssyncadd.remote.s32 $0x1  }
0xc5: {  	_ =	sfence.sel $0xFFFF  }
0xc6: {  	[dreg:$0x0] =	wrdreg $0xFFFFFFFF;
	(pc) =	sbr.abs _section_cstart, $3  }
0xc7: {  	[dreg:$0x1] =	wrdreg $0xFFFFFFFF  }
0xc8: {  	_ =	task.clear_ibuf [dreg:s8], $0x2FFFF;
	_ =	strace $0x9FFFFFFF  }
0xc9: {  	(tm) =	ssettm $0x7FFFFFFF  }
tec
execute0_lowered:
.L_overlay_start_1:
0x0: {  	(tag) =	ssettag $0x1  }
0x1: {  	s1 =	rddreg [dreg:$0x0]  }
0x2: {  	s0 =	rddreg [dreg:$0x1];
	s2 =	srdreg.scid  }
0x3: {  	s4 =	stileid.u32;
	s3 =	rddreg [dreg:$0x2]  }
0x4: {  	s16 =	simm.s32 $0x7000;
	s17 =	simm.s32 $0x3800;
	s18 =	simm.s32 $0xB600  }
0x5: {  	s19 =	simm.s32 $0x1;
	s20 =	simm.s32 $0x3;
	s21 =	simm.s32 $0xFC00  }
0x6: {  	s22 =	simm.s32 $0x16C00;
	s23 =	simm.s32 $0x18800;
	s24 =	simm.s32 $0x2  }
0x7: {  	s28 =	simm.s32 $0x17A00;
	s2 =	sand.u32 $0x1, s2;
	s5 =	sshll.u32 s4, $0x1  }
0x8: {  	s29 =	simm.s32 $0x19600;
	s4 =	simm.s32 $0x0;
	s7 =	sor.u32 s2, s5  }
0x9: {  	s6 =	sadd.s32 $0x800, s0;
	s8 =	sadd.s32 $0xA56800, s0;
	s5 =	smul.u32 $0xA80, s7  }
0xa: {  	[smem:$0x7FF] =	sst s4;
	s2 =	ssub.s32 $0x2, s2;
	s9 =	smul.u32 $0x24C00, s7  }
0xb: {  	_ =	strace $0x80000047;
	s10 =	smul.u32 $0x2DF00, s7;
	s12 =	sshrl.u32 s2, $0x1  }
0xc: {  	s7 =	sadd.s32 $0x5BE800, s0;
	s25 =	ssub.s32 s2, s12;
	s11 =	sor.u32 $0x20, s5  }
0xd: {  	s9 =	sadd.s32 s1, s9;
	s30 =	sadd.s32 s6, s10;
	s14 =	sor.u32 $0x60, s5  }
0xe: {  	v1 =	vlaneseq.u32;
	s0 =	smax.u32 s25, $0x1;
	s13 =	smul.u32 $0x38, s11;
	[dreg:$0x4] =	wrdreg s9  }
.Ltmp0:
0xf: {  	v0 =	vmul.u32 $0x2, v1;
	s25 =	simm.s32 $0x4;
	[dreg:$0x5] =	wrdreg s30;
	(pc) =	sbr.rel .LBB2_1-.Ltmp0, $4  }
0x10: {  	v1 =	vmul.u32 $0x5, v1;
	s10 =	simm.s32 $0xA;
	s26 =	smul.u32 $0x46, s11;
	[dreg:$0x8] =	wrdreg s0  }
0x11: {  	v9 =	vimm.s32 $0x4;
	v2 =	vor.u32 $0x1, v0;
	s0 =	simm.s32 $0x6;
	s9 =	simm.s32 $0x8;
	s31 =	sadd.s32 s1, s13  }
0x12: {  	v3 =	vor.u32 $0xE0, v0;
	v4 =	vor.u32 $0xE1, v0;
	v5 =	vadd.s32 $0x1, v1;
	s11 =	simm.s32 $0x0;
	s2 =	sadd.s32 s6, s26;
	[dreg:$0x6] =	wrdreg s31  }
0x13: {  	v6 =	vadd.s32 $0x2, v1;
	v7 =	vadd.s32 $0x3, v1;
	v8 =	vadd.s32 $0x4, v1;
	s13 =	sor.u32 $0x40, s5;
	s26 =	simm.s32 $0x13400;
	[dreg:$0x7] =	wrdreg s2  }
.LBB2_8:
0x14: {  	s2 =	simm.s32 $0x5  }
0x15: {  	_ =	swait.ge [sflag:s2], $0x3800  }
0x16: {  	[sflag:s2] =	ssyncset.done $0x0  }
0x17: {  	s15 =	simm.s32 $0x7;
	[sflag:s2] =	ssyncadd.s32 $0xFFFFC800  }
0x18: {  	_ =	swait.ge [sflag:s15], $0xE00  }
0x19: {  	[sflag:s15] =	ssyncset.done $0x0  }
0x1a: {  	s30 =	simm.s32 $0x9;
	[sflag:s15] =	ssyncadd.s32 $0xFFFFF200  }
0x1b: {  	_ =	swait.ge [sflag:s30], $0xE00  }
0x1c: {  	[sflag:s30] =	ssyncset.done $0x0  }
0x1d: {  	[sflag:s30] =	ssyncadd.s32 $0xFFFFF200  }
0x1e: {  	_ =	swait.ge [sflag:s0], $0x3800  }
0x1f: {  	[sflag:s0] =	ssyncset.done $0x0  }
0x20: {  	[sflag:s0] =	ssyncadd.s32 $0xFFFFC800  }
0x21: {  	_ =	swait.ge [sflag:s9], $0xE00  }
0x22: {  	[sflag:s9] =	ssyncset.done $0x0  }
0x23: {  	[sflag:s9] =	ssyncadd.s32 $0xFFFFF200  }
0x24: {  	_ =	swait.ge [sflag:s10], $0xE00  }
0x25: {  	s11 =	rddreg [dreg:$0x9]  }
0x26: {  	s31 =	rddreg [dreg:$0x8];
	s11 =	sadd.s32 $0x1, s11  }
0x27: {  	p0 =	sne.s32 s11, s31  }
.Ltmp1:
0x28: {  	_ = 	snop;
	(pc) =	sbr.rel @!p0 .LBB2_9-.Ltmp1, $3  }
0x29: {  	_ =	sdelay $0x1  }
0x2a: {  	[sflag:s10] =	ssyncset.done $0x0  }
0x2b: {  	[sflag:s10] =	ssyncadd.s32 $0xFFFFF200  }
.LBB2_1:
0x2c: {  	[dreg:$0x9] =	wrdreg s11  }
0x2d: {  	s2 =	rddreg [dreg:$0x4]  }
0x2e: {  	[tilespmem:s4], [sflag:$0x1] =	stream.linear.gather [hbm4b:s2+s4], $0x3800, $0x38;
	[tilespmem:$0x1A400] =	vst v63  }
0x2f: {  	s15 =	rddreg [dreg:$0x5]  }
0x30: {  	[tilespmem:s16], [sflag:$0x3] =	stream.linear.gather [hbm4b:s15+s4], $0x4600, $0x38;
	[tilespmem:$0x1A400] =	vst v63  }
0x31: {  	s30 =	rddreg [dreg:$0x6]  }
0x32: {  	[tilespmem:s17], [sflag:$0x2] =	stream.linear.gather [hbm4b:s30+s4], $0x3800, $0x38;
	[tilespmem:$0x1A400] =	vst v63  }
0x33: {  	s31 =	rddreg [dreg:$0x7];
	s12 =	simm.s32 $0x0  }
0x34: {  	[tilespmem:s18], [sflag:$0x4] =	stream.linear.gather [hbm4b:s31+s4], $0x4600, $0x38;
	[tilespmem:$0x1A400] =	vst v63  }
.LBB2_2:
0x35: {  	p0 =	seq.s32 s12, $0x0  }
0x36: {  	s2 =	simm.s32 @!p0 $0x5  }
0x37: {  	_ =	swait.ge @!p0 [sflag:s2], $0x3800  }
0x38: {  	[sflag:s2] =	ssyncset.done @!p0 $0x0  }
0x39: {  	[sflag:s2] =	ssyncadd.s32 @!p0 $0xFFFFC800;
	s2 =	simm.s32 @!p0 $0x7  }
0x3a: {  	_ =	swait.ge @!p0 [sflag:s2], $0xE00  }
0x3b: {  	[sflag:s2] =	ssyncset.done @!p0 $0x0  }
0x3c: {  	[sflag:s2] =	ssyncadd.s32 @!p0 $0xFFFFF200;
	s2 =	simm.s32 @!p0 $0x9  }
0x3d: {  	_ =	swait.ge @!p0 [sflag:s2], $0xE00  }
0x3e: {  	[sflag:s2] =	ssyncset.done @!p0 $0x0  }
0x3f: {  	[sflag:s2] =	ssyncadd.s32 @!p0 $0xFFFFF200  }
0x40: {  	_ =	swait.ge [sflag:s19], $0x3800  }
0x41: {  	[sflag:s19] =	ssyncset.done $0x0  }
0x42: {  	[sflag:s19] =	ssyncadd.s32 $0xFFFFC800  }
0x43: {  	_ =	swait.ge [sflag:s20], $0x4600  }
0x44: {  	s15 =	sshll.u32 s12, $0x6;
	[sflag:s20] =	ssyncset.done $0x0  }
0x45: {  	s30 =	simm.s32 $0x0;
	s31 =	simm.s32 $0x0;
	[sflag:s20] =	ssyncadd.s32 $0xFFFFBA00  }
.LBB2_3:
0x46: {  	v10 =	vor.u32 s31, v0  }
0x47: {  	v11 =	vor.u32 s31, v2  }
0x48: {  	v12 =	vadd.s32 s31, v3  }
0x49: {  	v13 =	vadd.s32 s31, v4;
	_ =	sdelay $0x1  }
0x4a: {  	v14 =	vld.idx.msk [tilespmem:v10+s4+$0x0], $0xffff  }
0x4b: {  	v15 =	vld.idx.msk [tilespmem:v11+s4+$0x0], $0xffff  }
0x4c: {  	v16 =	vld.idx.msk [tilespmem:v12+s4+$0x0], $0xffff  }
0x4d: {  	v17 =	vld.idx.msk [tilespmem:v13+s4+$0x0], $0xffff;
	_ =	sdelay $0x4  }
0x4e: {  	v18 =	vmax.f32 v14, v15;
	v19 =	vmax.f32 v16, v17  }
0x4f: {  	v18 =	vmax.f32 v18, v19  }
0x50: {  	v18 =	vmax.f32 v18, $0.0e+00  }
0x51: {  	v14 =	vsub.f32 v14, v18  }
0x52: {  	v15 =	vsub.f32 v15, v18  }
0x53: {  	v14 =	vmul.f32 $1.442695020e+00, v14  }
0x54: {  	v16 =	vsub.f32 v16, v18;
	v15 =	vmul.f32 $1.442695020e+00, v15  }
0x55: {  	(erf) = vpow2.f32 v14  }
0x56: {  	v56 =	vsub.f32 v17, v18;
	v55 =	vmul.f32 $1.442695020e+00, v16;
	(erf) = vpow2.f32 v15;
	_ =	sdelay $0x1  }
0x57: {  	v58 =	vsub.f32 $0.0e+00, v18;
	v57 =	vmul.f32 $1.442695020e+00, v56;
	(erf) = vpow2.f32 v55;
	_ =	sdelay $0x1  }
0x58: {  	v59 =	vmul.f32 $1.442695020e+00, v58;
	(erf) = vpow2.f32 v57;
	_ =	sdelay $0x1  }
0x59: {  	(erf) = vpow2.f32 v59;
	_ =	sdelay $0x1  }
0x5a: {  	v60 =	vpop (erf)  }
0x5b: {  	v61 =	vpop (erf)  }
0x5c: {  	v62 =	vadd.f32 v61, v60  }
0x5d: {  	v63 =	vpop (erf)  }
0x5e: {  	v21 =	vadd.s32 s30, v6;
	v16 =	vadd.f32 v62, v63  }
0x5f: {  	v32 =	vadd.s32 s30, v5;
	v20 =	vpop (erf)  }
0x60: {  	v31 =	vadd.s32 s30, v1;
	v16 =	vadd.f32 v16, v20  }
0x61: {  	v22 =	vadd.s32 s30, v7;
	v23 =	vpop (erf)  }
0x62: {  	v24 =	vadd.f32 v16, v23  }
0x63: {  	v25 =	vadd.s32 s30, v8;
	v21 =	vld.idx.msk [tilespmem:v21+s16+$0x0], $0xffff  }
0x64: {  	v19 =	vld.idx.msk [tilespmem:v32+s16+$0x0], $0xffff;
	v24 =	vadd.f32 $9.999999930e-09, v24  }
0x65: {  	v18 =	vld.idx.msk [tilespmem:v31+s16+$0x0], $0xffff  }
0x66: {  	v22 =	vld.idx.msk [tilespmem:v22+s16+$0x0], $0xffff;
	(erf) = vrcp.f32 v24;
	v24 =	vmul.f32 $9.999999930e-09, v24;
	_ =	sdelay $0x1  }
0x67: {  	v25 =	vld.idx.msk [tilespmem:v25+s16+$0x0], $0xffff;
	v26 =	vadd.f32 v24, v60;
	v27 =	vadd.f32 v24, v61  }
0x68: {  	v28 =	vadd.f32 v24, v63;
	v29 =	vadd.f32 v24, v20  }
0x69: {  	v18 =	vmul.f32 v26, v18;
	v19 =	vmul.f32 v27, v19  }
0x6a: {  	v23 =	vadd.f32 v24, v23;
	v21 =	vmul.f32 v28, v21;
	v22 =	vmul.f32 v29, v22;
	_ =	sdelay $0x1  }
0x6b: {  	v23 =	vmul.f32 v23, v25;
	v33 =	vmax.f32 v18, v19;
	v34 =	vmax.f32 v21, v22  }
0x6c: {  	v24 =	vmax.f32 v33, v34  }
0x6d: {  	s11 =	sadd.s32 $0x20, s31;
	v23 =	vmax.f32 v24, v23;
	v35 =	vpop (erf)  }
0x6e: {  	v40 =	vor.u32 s11, v2;
	vm0 =	veq.f32 v18, v23;
	v14 =	vmul.f32 v35, v60  }
0x6f: {  	vm1 =	veq.f32 v19, v23;
	vm2 =	veq.f32 v21, v23;
	v15 =	vmul.f32 v35, v61  }
0x70: {  	vm3 =	veq.f32 v22, v23;
	v17 =	vmul.f32 v35, v63;
	v14 =	vnsel vm0, $0x0, v14  }
0x71: {  	v37 =	vmul.f32 v35, v20;
	v16 =	vmul.f32 v35, v16;
	v15 =	vnsel vm1, $0x0, v15;
	[tilespmem:v10+s21+$0x0] =	vst.idx.msk $0xffff, v14  }
0x72: {  	v42 =	vadd.s32 s11, v3;
	v36 =	vsel vm3, $0x3, v9;
	v38 =	vnsel vm2, $0x0, v17;
	[tilespmem:v11+s21+$0x0] =	vst.idx.msk $0xffff, v15  }
0x73: {  	v39 =	vnsel vm3, $0x0, v37;
	v16 =	vmax.f32 v16, $0.0e+00;
	v10 =	vsel vm2, $0x2, v36;
	[tilespmem:v12+s21+$0x0] =	vst.idx.msk $0xffff, v38  }
0x74: {  	s2 =	sshra.s32 s31, $0x2;
	v43 =	vadd.s32 s11, v4;
	v41 =	vmin.f32 v16, $1.000000000e+00;
	v10 =	vsel vm1, $0x1, v10;
	[tilespmem:v13+s21+$0x0] =	vst.idx.msk $0xffff, v39  }
0x75: {  	v11 =	vor.u32 s11, v0;
	v10 =	vsel vm0, $0x0, v10;
	[tilespmem:s2+$0x16C00] =	vst v41  }
0x76: {  	[tilespmem:s2+$0x18800] =	vst v10  }
0x77: {  	v15 =	vld.idx.msk [tilespmem:v40+s4+$0x0], $0xffff  }
0x78: {  	v44 =	vld.idx.msk [tilespmem:v42+s4+$0x0], $0xffff  }
0x79: {  	v45 =	vld.idx.msk [tilespmem:v43+s4+$0x0], $0xffff  }
0x7a: {  	v10 =	vld.idx.msk [tilespmem:v11+s4+$0x0], $0xffff;
	_ =	sdelay $0x4  }
0x7b: {  	v47 =	vmax.f32 v44, v45;
	v46 =	vmax.f32 v10, v15  }
0x7c: {  	v18 =	vmax.f32 v46, v47  }
0x7d: {  	v18 =	vmax.f32 v18, $0.0e+00  }
0x7e: {  	v10 =	vsub.f32 v10, v18  }
0x7f: {  	v15 =	vsub.f32 v15, v18  }
0x80: {  	v10 =	vmul.f32 $1.442695020e+00, v10  }
0x81: {  	v16 =	vsub.f32 v44, v18;
	v15 =	vmul.f32 $1.442695020e+00, v15  }
0x82: {  	(erf) = vpow2.f32 v10  }
0x83: {  	v48 =	vsub.f32 v45, v18;
	v10 =	vmul.f32 $1.442695020e+00, v16;
	(erf) = vpow2.f32 v15;
	_ =	sdelay $0x1  }
0x84: {  	v49 =	vsub.f32 $0.0e+00, v18;
	(erf) = vpow2.f32 v10;
	v10 =	vmul.f32 $1.442695020e+00, v48;
	_ =	sdelay $0x1  }
0x85: {  	(erf) = vpow2.f32 v10;
	v10 =	vmul.f32 $1.442695020e+00, v49;
	_ =	sdelay $0x1  }
0x86: {  	(erf) = vpow2.f32 v10;
	_ =	sdelay $0x1  }
0x87: {  	v10 =	vpop (erf)  }
0x88: {  	v50 =	vpop (erf)  }
0x89: {  	v51 =	vadd.f32 v50, v10  }
0x8a: {  	s11 =	sadd.s32 $0x50, s30;
	v52 =	vpop (erf)  }
0x8b: {  	v54 =	vadd.s32 s11, v5;
	v16 =	vadd.f32 v51, v52  }
0x8c: {  	v56 =	vadd.s32 s11, v6;
	v55 =	vpop (erf)  }
0x8d: {  	v53 =	vadd.s32 s11, v1;
	v16 =	vadd.f32 v16, v55  }
0x8e: {  	v57 =	vadd.s32 s11, v7;
	v58 =	vpop (erf)  }
0x8f: {  	v59 =	vadd.f32 v16, v58  }
0x90: {  	v60 =	vadd.s32 s11, v8;
	v19 =	vld.idx.msk [tilespmem:v54+s16+$0x0], $0xffff  }
0x91: {  	v21 =	vld.idx.msk [tilespmem:v56+s16+$0x0], $0xffff;
	v24 =	vadd.f32 $9.999999930e-09, v59  }
0x92: {  	v18 =	vld.idx.msk [tilespmem:v53+s16+$0x0], $0xffff  }
0x93: {  	v22 =	vld.idx.msk [tilespmem:v57+s16+$0x0], $0xffff;
	(erf) = vrcp.f32 v24;
	v24 =	vmul.f32 $9.999999930e-09, v24;
	_ =	sdelay $0x1  }
0x94: {  	v25 =	vld.idx.msk [tilespmem:v60+s16+$0x0], $0xffff;
	v61 =	vadd.f32 v24, v10;
	v62 =	vadd.f32 v24, v50  }
0x95: {  	v63 =	vadd.f32 v24, v52;
	v32 =	vadd.f32 v24, v55  }
0x96: {  	v18 =	vmul.f32 v61, v18;
	v19 =	vmul.f32 v62, v19  }
0x97: {  	v23 =	vadd.f32 v24, v58;
	v21 =	vmul.f32 v63, v21;
	v22 =	vmul.f32 v32, v22;
	_ =	sdelay $0x1  }
0x98: {  	v23 =	vmul.f32 v23, v25;
	v33 =	vmax.f32 v18, v19;
	v34 =	vmax.f32 v21, v22  }
0x99: {  	v24 =	vmax.f32 v33, v34  }
0x9a: {  	s11 =	sadd.s32 $0x40, s31;
	v23 =	vmax.f32 v24, v23;
	v35 =	vpop (erf)  }
0x9b: {  	v38 =	vor.u32 s11, v0;
	vm12 =	veq.f32 v18, v23;
	v10 =	vmul.f32 v35, v10  }
0x9c: {  	vm13 =	veq.f32 v19, v23;
	vm14 =	veq.f32 v21, v23;
	v15 =	vmul.f32 v35, v50  }
0x9d: {  	vm15 =	veq.f32 v22, v23;
	v17 =	vmul.f32 v35, v52;
	v10 =	vnsel vm12, $0x0, v10  }
0x9e: {  	v37 =	vmul.f32 v35, v55;
	v16 =	vmul.f32 v35, v16;
	v15 =	vnsel vm13, $0x0, v15;
	[tilespmem:v11+s21+$0x0] =	vst.idx.msk $0xffff, v10  }
0x9f: {  	v41 =	vadd.s32 s11, v3;
	v36 =	vsel vm15, $0x3, v9;
	v11 =	vnsel vm14, $0x0, v17;
	[tilespmem:v40+s21+$0x0] =	vst.idx.msk $0xffff, v15  }
0xa0: {  	v39 =	vnsel vm15, $0x0, v37;
	v16 =	vmax.f32 v16, $0.0e+00;
	v10 =	vsel vm14, $0x2, v36;
	[tilespmem:v42+s21+$0x0] =	vst.idx.msk $0xffff, v11  }
0xa1: {  	v10 =	vsel vm13, $0x1, v10;
	v40 =	vmin.f32 v16, $1.000000000e+00;
	v11 =	vor.u32 s11, v2;
	[tilespmem:v43+s21+$0x0] =	vst.idx.msk $0xffff, v39  }
0xa2: {  	v10 =	vsel vm12, $0x0, v10;
	v42 =	vadd.s32 s11, v4;
	[tilespmem:s2+$0x16C10] =	vst v40  }
0xa3: {  	[tilespmem:s2+$0x18810] =	vst v10  }
0xa4: {  	v10 =	vld.idx.msk [tilespmem:v38+s4+$0x0], $0xffff  }
0xa5: {  	v43 =	vld.idx.msk [tilespmem:v41+s4+$0x0], $0xffff  }
0xa6: {  	v15 =	vld.idx.msk [tilespmem:v11+s4+$0x0], $0xffff  }
0xa7: {  	v44 =	vld.idx.msk [tilespmem:v42+s4+$0x0], $0xffff;
	_ =	sdelay $0x4  }
0xa8: {  	v45 =	vmax.f32 v10, v15;
	v46 =	vmax.f32 v43, v44  }
0xa9: {  	v18 =	vmax.f32 v45, v46  }
0xaa: {  	v18 =	vmax.f32 v18, $0.0e+00  }
0xab: {  	v10 =	vsub.f32 v10, v18  }
0xac: {  	v15 =	vsub.f32 v15, v18  }
0xad: {  	v10 =	vmul.f32 $1.442695020e+00, v10  }
0xae: {  	v16 =	vsub.f32 v43, v18;
	v15 =	vmul.f32 $1.442695020e+00, v15  }
0xaf: {  	(erf) = vpow2.f32 v10  }
0xb0: {  	v47 =	vsub.f32 v44, v18;
	v10 =	vmul.f32 $1.442695020e+00, v16;
	(erf) = vpow2.f32 v15;
	_ =	sdelay $0x1  }
0xb1: {  	v48 =	vsub.f32 $0.0e+00, v18;
	(erf) = vpow2.f32 v10;
	v10 =	vmul.f32 $1.442695020e+00, v47;
	_ =	sdelay $0x1  }
0xb2: {  	(erf) = vpow2.f32 v10;
	v10 =	vmul.f32 $1.442695020e+00, v48;
	_ =	sdelay $0x1  }
0xb3: {  	(erf) = vpow2.f32 v10;
	_ =	sdelay $0x1  }
0xb4: {  	v10 =	vpop (erf)  }
0xb5: {  	v49 =	vpop (erf)  }
0xb6: {  	v50 =	vadd.f32 v49, v10  }
0xb7: {  	s11 =	sadd.s32 $0xA0, s30;
	v51 =	vpop (erf)  }
0xb8: {  	v53 =	vadd.s32 s11, v5;
	v16 =	vadd.f32 v50, v51  }
0xb9: {  	v55 =	vadd.s32 s11, v6;
	v54 =	vpop (erf)  }
0xba: {  	v52 =	vadd.s32 s11, v1;
	v16 =	vadd.f32 v16, v54  }
0xbb: {  	v56 =	vadd.s32 s11, v7;
	v57 =	vpop (erf)  }
0xbc: {  	v58 =	vadd.f32 v16, v57  }
0xbd: {  	v59 =	vadd.s32 s11, v8;
	v19 =	vld.idx.msk [tilespmem:v53+s16+$0x0], $0xffff  }
0xbe: {  	v21 =	vld.idx.msk [tilespmem:v55+s16+$0x0], $0xffff;
	v24 =	vadd.f32 $9.999999930e-09, v58  }
0xbf: {  	v18 =	vld.idx.msk [tilespmem:v52+s16+$0x0], $0xffff  }
0xc0: {  	v22 =	vld.idx.msk [tilespmem:v56+s16+$0x0], $0xffff;
	(erf) = vrcp.f32 v24;
	v24 =	vmul.f32 $9.999999930e-09, v24;
	_ =	sdelay $0x1  }
0xc1: {  	v25 =	vld.idx.msk [tilespmem:v59+s16+$0x0], $0xffff;
	v60 =	vadd.f32 v24, v10;
	v61 =	vadd.f32 v24, v49  }
0xc2: {  	v62 =	vadd.f32 v24, v51;
	v63 =	vadd.f32 v24, v54  }
0xc3: {  	v18 =	vmul.f32 v60, v18;
	v19 =	vmul.f32 v61, v19  }
0xc4: {  	v23 =	vadd.f32 v24, v57;
	v21 =	vmul.f32 v62, v21;
	v22 =	vmul.f32 v63, v22;
	_ =	sdelay $0x1  }
0xc5: {  	v23 =	vmul.f32 v23, v25;
	v32 =	vmax.f32 v18, v19;
	v33 =	vmax.f32 v21, v22  }
0xc6: {  	v24 =	vmax.f32 v32, v33  }
0xc7: {  	s11 =	sadd.s32 $0x60, s31;
	v23 =	vmax.f32 v24, v23;
	v34 =	vpop (erf)  }
0xc8: {  	v39 =	vor.u32 s11, v2;
	vm6 =	veq.f32 v18, v23;
	v10 =	vmul.f32 v34, v10  }
0xc9: {  	vm7 =	veq.f32 v19, v23;
	vm8 =	veq.f32 v21, v23;
	v15 =	vmul.f32 v34, v49  }
0xca: {  	v17 =	vmul.f32 v34, v51;
	v16 =	vmul.f32 v34, v16;
	v10 =	vnsel vm6, $0x0, v10  }
0xcb: {  	vm9 =	veq.f32 v22, v23;
	v36 =	vmul.f32 v34, v54;
	v15 =	vnsel vm7, $0x0, v15;
	[tilespmem:v38+s21+$0x0] =	vst.idx.msk $0xffff, v10  }
0xcc: {  	v35 =	vsel vm9, $0x3, v9;
	v37 =	vnsel vm8, $0x0, v17;
	v16 =	vmax.f32 v16, $0.0e+00;
	[tilespmem:v11+s21+$0x0] =	vst.idx.msk $0xffff, v15  }
0xcd: {  	v10 =	vsel vm8, $0x2, v35;
	v38 =	vnsel vm9, $0x0, v36;
	v11 =	vor.u32 s11, v0;
	[tilespmem:v41+s21+$0x0] =	vst.idx.msk $0xffff, v37  }
0xce: {  	v40 =	vmin.f32 v16, $1.000000000e+00;
	v10 =	vsel vm7, $0x1, v10;
	v41 =	vadd.s32 s11, v3;
	[tilespmem:v42+s21+$0x0] =	vst.idx.msk $0xffff, v38  }
0xcf: {  	v10 =	vsel vm6, $0x0, v10;
	v42 =	vadd.s32 s11, v4;
	[tilespmem:s2+$0x16C20] =	vst v40  }
0xd0: {  	[tilespmem:s2+$0x18820] =	vst v10  }
0xd1: {  	v15 =	vld.idx.msk [tilespmem:v39+s4+$0x0], $0xffff  }
0xd2: {  	v10 =	vld.idx.msk [tilespmem:v11+s4+$0x0], $0xffff  }
0xd3: {  	v43 =	vld.idx.msk [tilespmem:v41+s4+$0x0], $0xffff  }
0xd4: {  	v44 =	vld.idx.msk [tilespmem:v42+s4+$0x0], $0xffff;
	_ =	sdelay $0x4  }
0xd5: {  	v45 =	vmax.f32 v10, v15;
	v46 =	vmax.f32 v43, v44  }
0xd6: {  	v18 =	vmax.f32 v45, v46  }
0xd7: {  	v18 =	vmax.f32 v18, $0.0e+00  }
0xd8: {  	v10 =	vsub.f32 v10, v18  }
0xd9: {  	v15 =	vsub.f32 v15, v18  }
0xda: {  	v10 =	vmul.f32 $1.442695020e+00, v10  }
0xdb: {  	v16 =	vsub.f32 v43, v18;
	v15 =	vmul.f32 $1.442695020e+00, v15  }
0xdc: {  	(erf) = vpow2.f32 v10  }
0xdd: {  	v47 =	vsub.f32 v44, v18;
	v10 =	vmul.f32 $1.442695020e+00, v16;
	(erf) = vpow2.f32 v15;
	_ =	sdelay $0x1  }
0xde: {  	v48 =	vsub.f32 $0.0e+00, v18;
	(erf) = vpow2.f32 v10;
	v10 =	vmul.f32 $1.442695020e+00, v47;
	_ =	sdelay $0x1  }
0xdf: {  	(erf) = vpow2.f32 v10;
	v10 =	vmul.f32 $1.442695020e+00, v48;
	_ =	sdelay $0x1  }
0xe0: {  	(erf) = vpow2.f32 v10;
	_ =	sdelay $0x1  }
0xe1: {  	v10 =	vpop (erf)  }
0xe2: {  	v49 =	vpop (erf)  }
0xe3: {  	v50 =	vadd.f32 v49, v10  }
0xe4: {  	s11 =	sadd.s32 $0xF0, s30;
	v51 =	vpop (erf)  }
0xe5: {  	v53 =	vadd.s32 s11, v5;
	v16 =	vadd.f32 v50, v51  }
0xe6: {  	v55 =	vadd.s32 s11, v6;
	v54 =	vpop (erf)  }
0xe7: {  	v52 =	vadd.s32 s11, v1;
	v16 =	vadd.f32 v16, v54  }
0xe8: {  	v56 =	vadd.s32 s11, v7;
	v57 =	vpop (erf)  }
0xe9: {  	v58 =	vadd.f32 v16, v57  }
0xea: {  	v59 =	vadd.s32 s11, v8;
	v19 =	vld.idx.msk [tilespmem:v53+s16+$0x0], $0xffff  }
0xeb: {  	v21 =	vld.idx.msk [tilespmem:v55+s16+$0x0], $0xffff;
	v24 =	vadd.f32 $9.999999930e-09, v58  }
0xec: {  	v18 =	vld.idx.msk [tilespmem:v52+s16+$0x0], $0xffff  }
0xed: {  	v22 =	vld.idx.msk [tilespmem:v56+s16+$0x0], $0xffff;
	(erf) = vrcp.f32 v24;
	v24 =	vmul.f32 $9.999999930e-09, v24;
	_ =	sdelay $0x1  }
0xee: {  	v25 =	vld.idx.msk [tilespmem:v59+s16+$0x0], $0xffff;
	v60 =	vadd.f32 v24, v10;
	v61 =	vadd.f32 v24, v49  }
0xef: {  	v62 =	vadd.f32 v24, v51;
	v63 =	vadd.f32 v24, v54  }
0xf0: {  	v18 =	vmul.f32 v60, v18;
	v19 =	vmul.f32 v61, v19  }
0xf1: {  	v23 =	vadd.f32 v24, v57;
	v21 =	vmul.f32 v62, v21;
	v22 =	vmul.f32 v63, v22;
	_ =	sdelay $0x1  }
0xf2: {  	v23 =	vmul.f32 v23, v25;
	v31 =	vmax.f32 v18, v19;
	v32 =	vmax.f32 v21, v22  }
0xf3: {  	v24 =	vmax.f32 v31, v32  }
0xf4: {  	s11 =	sadd.s32 $0x80, s31;
	v23 =	vmax.f32 v24, v23;
	v33 =	vpop (erf)  }
0xf5: {  	v36 =	vor.u32 s11, v0;
	vm10 =	veq.f32 v18, v23;
	v10 =	vmul.f32 v33, v10  }
0xf6: {  	vm11 =	veq.f32 v19, v23;
	vm12 =	veq.f32 v21, v23;
	v15 =	vmul.f32 v33, v49  }
0xf7: {  	vm13 =	veq.f32 v22, v23;
	v17 =	vmul.f32 v33, v51;
	v10 =	vnsel vm10, $0x0, v10  }
0xf8: {  	v35 =	vmul.f32 v33, v54;
	v16 =	vmul.f32 v33, v16;
	v15 =	vnsel vm11, $0x0, v15;
	[tilespmem:v11+s21+$0x0] =	vst.idx.msk $0xffff, v10  }
0xf9: {  	v40 =	vadd.s32 s11, v4;
	v34 =	vsel vm13, $0x3, v9;
	v11 =	vnsel vm12, $0x0, v17;
	[tilespmem:v39+s21+$0x0] =	vst.idx.msk $0xffff, v15  }
0xfa: {  	v37 =	vnsel vm13, $0x0, v35;
	v16 =	vmax.f32 v16, $0.0e+00;
	v10 =	vsel vm12, $0x2, v34;
	[tilespmem:v41+s21+$0x0] =	vst.idx.msk $0xffff, v11  }
0xfb: {  	v38 =	vmin.f32 v16, $1.000000000e+00;
	v10 =	vsel vm11, $0x1, v10;
	v39 =	vadd.s32 s11, v3;
	[tilespmem:v42+s21+$0x0] =	vst.idx.msk $0xffff, v37  }
0xfc: {  	v11 =	vor.u32 s11, v2;
	v10 =	vsel vm10, $0x0, v10;
	[tilespmem:s2+$0x16C30] =	vst v38  }
0xfd: {  	[tilespmem:s2+$0x18830] =	vst v10  }
0xfe: {  	v10 =	vld.idx.msk [tilespmem:v36+s4+$0x0], $0xffff  }
0xff: {  	v42 =	vld.idx.msk [tilespmem:v40+s4+$0x0], $0xffff  }
0x100: {  	v41 =	vld.idx.msk [tilespmem:v39+s4+$0x0], $0xffff  }
0x101: {  	v15 =	vld.idx.msk [tilespmem:v11+s4+$0x0], $0xffff;
	_ =	sdelay $0x4  }
0x102: {  	v44 =	vmax.f32 v41, v42;
	v43 =	vmax.f32 v10, v15  }
0x103: {  	v18 =	vmax.f32 v43, v44  }
0x104: {  	v18 =	vmax.f32 v18, $0.0e+00  }
0x105: {  	v10 =	vsub.f32 v10, v18  }
0x106: {  	v15 =	vsub.f32 v15, v18  }
0x107: {  	v10 =	vmul.f32 $1.442695020e+00, v10  }
0x108: {  	v16 =	vsub.f32 v41, v18;
	v15 =	vmul.f32 $1.442695020e+00, v15  }
0x109: {  	(erf) = vpow2.f32 v10  }
0x10a: {  	v45 =	vsub.f32 v42, v18;
	v10 =	vmul.f32 $1.442695020e+00, v16;
	(erf) = vpow2.f32 v15;
	_ =	sdelay $0x1  }
0x10b: {  	v46 =	vsub.f32 $0.0e+00, v18;
	(erf) = vpow2.f32 v10;
	v10 =	vmul.f32 $1.442695020e+00, v45;
	_ =	sdelay $0x1  }
0x10c: {  	(erf) = vpow2.f32 v10;
	v10 =	vmul.f32 $1.442695020e+00, v46;
	_ =	sdelay $0x1  }
0x10d: {  	(erf) = vpow2.f32 v10;
	_ =	sdelay $0x1  }
0x10e: {  	v10 =	vpop (erf)  }
0x10f: {  	v47 =	vpop (erf)  }
0x110: {  	v48 =	vadd.f32 v47, v10  }
0x111: {  	s11 =	sadd.s32 $0x140, s30;
	v49 =	vpop (erf)  }
0x112: {  	v51 =	vadd.s32 s11, v5;
	v16 =	vadd.f32 v48, v49  }
0x113: {  	v53 =	vadd.s32 s11, v6;
	v52 =	vpop (erf)  }
0x114: {  	v50 =	vadd.s32 s11, v1;
	v16 =	vadd.f32 v16, v52  }
0x115: {  	v54 =	vadd.s32 s11, v7;
	v55 =	vpop (erf)  }
0x116: {  	v56 =	vadd.f32 v16, v55  }
0x117: {  	v57 =	vadd.s32 s11, v8;
	v19 =	vld.idx.msk [tilespmem:v51+s16+$0x0], $0xffff  }
0x118: {  	v21 =	vld.idx.msk [tilespmem:v53+s16+$0x0], $0xffff;
	v24 =	vadd.f32 $9.999999930e-09, v56  }
0x119: {  	v18 =	vld.idx.msk [tilespmem:v50+s16+$0x0], $0xffff  }
0x11a: {  	v22 =	vld.idx.msk [tilespmem:v54+s16+$0x0], $0xffff;
	(erf) = vrcp.f32 v24;
	v24 =	vmul.f32 $9.999999930e-09, v24;
	_ =	sdelay $0x1  }
0x11b: {  	v25 =	vld.idx.msk [tilespmem:v57+s16+$0x0], $0xffff;
	v58 =	vadd.f32 v24, v10;
	v59 =	vadd.f32 v24, v47  }
0x11c: {  	v60 =	vadd.f32 v24, v49;
	v61 =	vadd.f32 v24, v52  }
0x11d: {  	v18 =	vmul.f32 v58, v18;
	v19 =	vmul.f32 v59, v19  }
0x11e: {  	v23 =	vadd.f32 v24, v55;
	v21 =	vmul.f32 v60, v21;
	v22 =	vmul.f32 v61, v22;
	_ =	sdelay $0x1  }
0x11f: {  	v23 =	vmul.f32 v23, v25;
	v62 =	vmax.f32 v18, v19;
	v63 =	vmax.f32 v21, v22  }
0x120: {  	v24 =	vmax.f32 v62, v63  }
0x121: {  	s11 =	sadd.s32 $0xA0, s31;
	v23 =	vmax.f32 v24, v23;
	v28 =	vpop (erf)  }
0x122: {  	v33 =	vor.u32 s11, v2;
	vm14 =	veq.f32 v18, v23;
	v10 =	vmul.f32 v28, v10  }
0x123: {  	vm15 =	veq.f32 v19, v23;
	vm6 =	veq.f32 v21, v23;
	v15 =	vmul.f32 v28, v47  }
0x124: {  	vm7 =	veq.f32 v22, v23;
	v17 =	vmul.f32 v28, v49;
	v10 =	vnsel vm14, $0x0, v10  }
0x125: {  	v30 =	vmul.f32 v28, v52;
	v16 =	vmul.f32 v28, v16;
	v15 =	vnsel vm15, $0x0, v15;
	[tilespmem:v36+s21+$0x0] =	vst.idx.msk $0xffff, v10  }
0x126: {  	v35 =	vadd.s32 s11, v3;
	v29 =	vsel vm7, $0x3, v9;
	v31 =	vnsel vm6, $0x0, v17;
	[tilespmem:v11+s21+$0x0] =	vst.idx.msk $0xffff, v15  }
0x127: {  	v32 =	vnsel vm7, $0x0, v30;
	v16 =	vmax.f32 v16, $0.0e+00;
	v10 =	vsel vm6, $0x2, v29;
	[tilespmem:v39+s21+$0x0] =	vst.idx.msk $0xffff, v31  }
0x128: {  	v34 =	vmin.f32 v16, $1.000000000e+00;
	v36 =	vadd.s32 s11, v4;
	v10 =	vsel vm15, $0x1, v10;
	[tilespmem:v40+s21+$0x0] =	vst.idx.msk $0xffff, v32  }
0x129: {  	v11 =	vor.u32 s11, v0;
	v10 =	vsel vm14, $0x0, v10;
	[tilespmem:s2+$0x16C40] =	vst v34  }
0x12a: {  	[tilespmem:s2+$0x18840] =	vst v10  }
0x12b: {  	v15 =	vld.idx.msk [tilespmem:v33+s4+$0x0], $0xffff  }
0x12c: {  	v37 =	vld.idx.msk [tilespmem:v35+s4+$0x0], $0xffff  }
0x12d: {  	v38 =	vld.idx.msk [tilespmem:v36+s4+$0x0], $0xffff  }
0x12e: {  	v10 =	vld.idx.msk [tilespmem:v11+s4+$0x0], $0xffff;
	_ =	sdelay $0x4  }
0x12f: {  	v40 =	vmax.f32 v37, v38;
	v39 =	vmax.f32 v10, v15  }
0x130: {  	v18 =	vmax.f32 v39, v40  }
0x131: {  	v18 =	vmax.f32 v18, $0.0e+00  }
0x132: {  	v10 =	vsub.f32 v10, v18  }
0x133: {  	v15 =	vsub.f32 v15, v18  }
0x134: {  	v10 =	vmul.f32 $1.442695020e+00, v10  }
0x135: {  	v16 =	vsub.f32 v37, v18;
	v15 =	vmul.f32 $1.442695020e+00, v15  }
0x136: {  	(erf) = vpow2.f32 v10  }
0x137: {  	v41 =	vsub.f32 v38, v18;
	v10 =	vmul.f32 $1.442695020e+00, v16;
	(erf) = vpow2.f32 v15;
	_ =	sdelay $0x1  }
0x138: {  	v42 =	vsub.f32 $0.0e+00, v18;
	(erf) = vpow2.f32 v10;
	v10 =	vmul.f32 $1.442695020e+00, v41;
	_ =	sdelay $0x1  }
0x139: {  	(erf) = vpow2.f32 v10;
	v10 =	vmul.f32 $1.442695020e+00, v42;
	_ =	sdelay $0x1  }
0x13a: {  	(erf) = vpow2.f32 v10;
	_ =	sdelay $0x1  }
0x13b: {  	v10 =	vpop (erf)  }
0x13c: {  	v43 =	vpop (erf)  }
0x13d: {  	v44 =	vadd.f32 v43, v10  }
0x13e: {  	s11 =	sadd.s32 $0x190, s30;
	v45 =	vpop (erf)  }
0x13f: {  	v47 =	vadd.s32 s11, v5;
	v16 =	vadd.f32 v44, v45  }
0x140: {  	v49 =	vadd.s32 s11, v6;
	v48 =	vpop (erf)  }
0x141: {  	v46 =	vadd.s32 s11, v1;
	v16 =	vadd.f32 v16, v48  }
0x142: {  	v50 =	vadd.s32 s11, v7;
	v51 =	vpop (erf)  }
0x143: {  	v52 =	vadd.f32 v16, v51  }
0x144: {  	v53 =	vadd.s32 s11, v8;
	v19 =	vld.idx.msk [tilespmem:v47+s16+$0x0], $0xffff  }
0x145: {  	v21 =	vld.idx.msk [tilespmem:v49+s16+$0x0], $0xffff;
	v24 =	vadd.f32 $9.999999930e-09, v52  }
0x146: {  	v18 =	vld.idx.msk [tilespmem:v46+s16+$0x0], $0xffff  }
0x147: {  	v22 =	vld.idx.msk [tilespmem:v50+s16+$0x0], $0xffff;
	(erf) = vrcp.f32 v24;
	v24 =	vmul.f32 $9.999999930e-09, v24;
	_ =	sdelay $0x1  }
0x148: {  	v25 =	vld.idx.msk [tilespmem:v53+s16+$0x0], $0xffff;
	v54 =	vadd.f32 v24, v10;
	v55 =	vadd.f32 v24, v43  }
0x149: {  	v56 =	vadd.f32 v24, v45;
	v57 =	vadd.f32 v24, v48  }
0x14a: {  	v18 =	vmul.f32 v54, v18;
	v19 =	vmul.f32 v55, v19  }
0x14b: {  	v23 =	vadd.f32 v24, v51;
	v21 =	vmul.f32 v56, v21;
	v22 =	vmul.f32 v57, v22;
	_ =	sdelay $0x1  }
0x14c: {  	v23 =	vmul.f32 v23, v25;
	v58 =	vmax.f32 v18, v19;
	v59 =	vmax.f32 v21, v22  }
0x14d: {  	v24 =	vmax.f32 v58, v59  }
0x14e: {  	s11 =	sadd.s32 $0xC0, s31;
	v23 =	vmax.f32 v24, v23;
	v60 =	vpop (erf)  }
0x14f: {  	v63 =	vor.u32 s11, v0;
	vm8 =	veq.f32 v18, v23;
	v10 =	vmul.f32 v60, v10  }
0x150: {  	vm9 =	veq.f32 v19, v23;
	vm10 =	veq.f32 v21, v23;
	v15 =	vmul.f32 v60, v43  }
0x151: {  	vm11 =	veq.f32 v22, v23;
	v17 =	vmul.f32 v60, v45;
	v10 =	vnsel vm8, $0x0, v10  }
0x152: {  	v62 =	vmul.f32 v60, v48;
	v16 =	vmul.f32 v60, v16;
	v15 =	vnsel vm9, $0x0, v15;
	[tilespmem:v11+s21+$0x0] =	vst.idx.msk $0xffff, v10  }
0x153: {  	v34 =	vadd.s32 s11, v3;
	v61 =	vsel vm11, $0x3, v9;
	v11 =	vnsel vm10, $0x0, v17;
	[tilespmem:v33+s21+$0x0] =	vst.idx.msk $0xffff, v15  }
0x154: {  	v32 =	vnsel vm11, $0x0, v62;
	v16 =	vmax.f32 v16, $0.0e+00;
	v10 =	vsel vm10, $0x2, v61;
	[tilespmem:v35+s21+$0x0] =	vst.idx.msk $0xffff, v11  }
0x155: {  	v10 =	vsel vm9, $0x1, v10;
	v33 =	vmin.f32 v16, $1.000000000e+00;
	v11 =	vor.u32 s11, v2;
	[tilespmem:v36+s21+$0x0] =	vst.idx.msk $0xffff, v32  }
0x156: {  	v10 =	vsel vm8, $0x0, v10;
	v35 =	vadd.s32 s11, v4;
	[tilespmem:s2+$0x16C50] =	vst v33  }
0x157: {  	[tilespmem:s2+$0x18850] =	vst v10  }
0x158: {  	v10 =	vld.idx.msk [tilespmem:v63+s4+$0x0], $0xffff  }
0x159: {  	v36 =	vld.idx.msk [tilespmem:v34+s4+$0x0], $0xffff  }
0x15a: {  	v15 =	vld.idx.msk [tilespmem:v11+s4+$0x0], $0xffff  }
0x15b: {  	v37 =	vld.idx.msk [tilespmem:v35+s4+$0x0], $0xffff;
	_ =	sdelay $0x4  }
0x15c: {  	v38 =	vmax.f32 v10, v15;
	v39 =	vmax.f32 v36, v37  }
0x15d: {  	v18 =	vmax.f32 v38, v39  }
0x15e: {  	v18 =	vmax.f32 v18, $0.0e+00  }
0x15f: {  	v10 =	vsub.f32 v10, v18  }
0x160: {  	v15 =	vsub.f32 v15, v18  }
0x161: {  	v10 =	vmul.f32 $1.442695020e+00, v10  }
0x162: {  	v16 =	vsub.f32 v36, v18;
	v15 =	vmul.f32 $1.442695020e+00, v15  }
0x163: {  	(erf) = vpow2.f32 v10  }
0x164: {  	v40 =	vsub.f32 v37, v18;
	v10 =	vmul.f32 $1.442695020e+00, v16;
	(erf) = vpow2.f32 v15;
	_ =	sdelay $0x1  }
0x165: {  	v41 =	vsub.f32 $0.0e+00, v18;
	(erf) = vpow2.f32 v10;
	v10 =	vmul.f32 $1.442695020e+00, v40;
	_ =	sdelay $0x1  }
0x166: {  	(erf) = vpow2.f32 v10;
	v10 =	vmul.f32 $1.442695020e+00, v41;
	_ =	sdelay $0x1  }
0x167: {  	(erf) = vpow2.f32 v10;
	_ =	sdelay $0x1  }
0x168: {  	v10 =	vpop (erf)  }
0x169: {  	v42 =	vpop (erf)  }
0x16a: {  	v43 =	vadd.f32 v42, v10  }
0x16b: {  	s11 =	sadd.s32 $0x1E0, s30;
	v44 =	vpop (erf)  }
0x16c: {  	v47 =	vadd.s32 s11, v5;
	v16 =	vadd.f32 v43, v44  }
0x16d: {  	v48 =	vadd.s32 s11, v6;
	v46 =	vpop (erf)  }
0x16e: {  	v45 =	vadd.s32 s11, v1;
	v16 =	vadd.f32 v16, v46  }
0x16f: {  	v49 =	vadd.s32 s11, v7;
	v50 =	vpop (erf)  }
0x170: {  	v51 =	vadd.f32 v16, v50  }
0x171: {  	v52 =	vadd.s32 s11, v8;
	v20 =	vld.idx.msk [tilespmem:v47+s16+$0x0], $0xffff  }
0x172: {  	v21 =	vld.idx.msk [tilespmem:v48+s16+$0x0], $0xffff;
	v24 =	vadd.f32 $9.999999930e-09, v51  }
0x173: {  	v18 =	vld.idx.msk [tilespmem:v45+s16+$0x0], $0xffff  }
0x174: {  	v22 =	vld.idx.msk [tilespmem:v49+s16+$0x0], $0xffff;
	(erf) = vrcp.f32 v24;
	v24 =	vmul.f32 $9.999999930e-09, v24;
	_ =	sdelay $0x1  }
0x175: {  	v25 =	vld.idx.msk [tilespmem:v52+s16+$0x0], $0xffff;
	v53 =	vadd.f32 v24, v10;
	v54 =	vadd.f32 v24, v42  }
0x176: {  	v55 =	vadd.f32 v24, v44;
	v56 =	vadd.f32 v24, v46  }
0x177: {  	v18 =	vmul.f32 v53, v18;
	v20 =	vmul.f32 v54, v20  }
0x178: {  	v23 =	vadd.f32 v24, v50;
	v21 =	vmul.f32 v55, v21;
	v22 =	vmul.f32 v56, v22;
	_ =	sdelay $0x1  }
0x179: {  	v23 =	vmul.f32 v23, v25;
	v57 =	vmax.f32 v18, v20;
	v58 =	vmax.f32 v21, v22  }
0x17a: {  	v24 =	vmax.f32 v57, v58  }
0x17b: {  	v23 =	vmax.f32 v24, v23;
	v59 =	vpop (erf)  }
0x17c: {  	vm12 =	veq.f32 v18, v23;
	v10 =	vmul.f32 v59, v10  }
0x17d: {  	vm13 =	veq.f32 v20, v23;
	vm14 =	veq.f32 v21, v23;
	v15 =	vmul.f32 v59, v42  }
0x17e: {  	vm15 =	veq.f32 v22, v23;
	v17 =	vmul.f32 v59, v44;
	v10 =	vnsel vm12, $0x0, v10  }
0x17f: {  	p0 =	sne.s32 s31, $0x3640;
	v60 =	vmul.f32 v59, v46;
	v16 =	vmul.f32 v59, v16;
	v15 =	vnsel vm13, $0x0, v15;
	[tilespmem:v63+s21+$0x0] =	vst.idx.msk $0xffff, v10  }
.Ltmp2:
0x180: {  	v61 =	vnsel vm14, $0x0, v17;
	v10 =	vsel vm15, $0x3, v9;
	[tilespmem:v11+s21+$0x0] =	vst.idx.msk $0xffff, v15;
	(pc) =	sbr.rel @p0 .LBB2_3-.Ltmp2, $4  }
0x181: {  	v62 =	vmax.f32 v16, $0.0e+00;
	v10 =	vsel vm14, $0x2, v10;
	v11 =	vnsel vm15, $0x0, v60;
	[tilespmem:v34+s21+$0x0] =	vst.idx.msk $0xffff, v61  }
0x182: {  	v63 =	vmin.f32 v62, $1.000000000e+00;
	v10 =	vsel vm13, $0x1, v10;
	[tilespmem:v35+s21+$0x0] =	vst.idx.msk $0xffff, v11  }
0x183: {  	v10 =	vsel vm12, $0x0, v10;
	[tilespmem:s2+$0x16C60] =	vst v63  }
0x184: {  	s31 =	sadd.s32 $0x1C0, s31;
	s30 =	sadd.s32 $0x230, s30;
	[tilespmem:s2+$0x18860] =	vst v10  }
0x185: {  	s2 =	sadd.s32 s5, s15  }
0x186: {  	s11 =	smul.u32 $0x38, s2;
	_ =	sdelay $0x1  }
0x187: {  	s2 =	smul.u32 $0xE, s2;
	s11 =	sadd.s32 s7, s11  }
0x188: {  	[hbm4b:s11+s4] =	stream.linear.scatter [tilespmem:s21], [sflag:$0x5], $0x3800, $0x38;
	[tilespmem:$0x1A400] =	vst v63  }
0x189: {  	p0 =	seq.s32 s12, $0x29;
	s11 =	sadd.s32 s3, s2  }
0x18a: {  	[hbm4b:s11+s4] =	stream.linear.scatter [tilespmem:s22], [sflag:$0x7], $0xE00, $0x38;
	[tilespmem:$0x1A400] =	vst v63  }
0x18b: {  	s11 =	sadd.s32 @!p0 s15, s13  }
0x18c: {  	p1 =	seq.s32 @!p0 s12, $0x0;
	s2 =	sadd.s32 s8, s2;
	s30 =	smul.u32 @!p0 $0x38, s11  }
0x18d: {  	[hbm4b:s2+s4] =	stream.linear.scatter [tilespmem:s23], [sflag:$0x9], $0xE00, $0x38;
	[tilespmem:$0x1A400] =	vst v63  }
0x18e: {  	s11 =	smul.u32 @!p0 $0x46, s11;
	s2 =	sadd.s32 @!p0 s1, s30;
	s30 =	simm.s32 @!p0 $0x0  }
0x18f: {  	[tilespmem:s30], [sflag:$0x1] =	stream.linear.gather @!p0 [hbm4b:s2+s30], $0x3800, $0x38;
	[tilespmem:$0x1A400] =	vst v63  }
0x190: {  	p1 =	por p0, !p1;
	s2 =	sadd.s32 @!p0 s6, s11;
	s11 =	simm.s32 @!p0 $0x7000  }
0x191: {  	[tilespmem:s11], [sflag:$0x3] =	stream.linear.gather @!p0 [hbm4b:s2+s30], $0x4600, $0x38;
	[tilespmem:$0x1A400] =	vst v63  }
0x192: {  	_ =	swait.ge @p1 [sflag:s0], $0x3800  }
0x193: {  	[sflag:s0] =	ssyncset.done @p1 $0x0  }
0x194: {  	[sflag:s0] =	ssyncadd.s32 @p1 $0xFFFFC800  }
0x195: {  	_ =	swait.ge @p1 [sflag:s9], $0xE00  }
0x196: {  	[sflag:s9] =	ssyncset.done @p1 $0x0  }
0x197: {  	[sflag:s9] =	ssyncadd.s32 @p1 $0xFFFFF200  }
0x198: {  	_ =	swait.ge @p1 [sflag:s10], $0xE00  }
0x199: {  	[sflag:s10] =	ssyncset.done @p1 $0x0  }
0x19a: {  	[sflag:s10] =	ssyncadd.s32 @p1 $0xFFFFF200  }
0x19b: {  	_ =	swait.ge [sflag:s24], $0x3800  }
0x19c: {  	[sflag:s24] =	ssyncset.done $0x0  }
0x19d: {  	[sflag:s24] =	ssyncadd.s32 $0xFFFFC800  }
0x19e: {  	_ =	swait.ge [sflag:s25], $0x4600  }
0x19f: {  	[sflag:s25] =	ssyncset.done $0x0  }
0x1a0: {  	s31 =	simm.s32 $0x0;
	s30 =	simm.s32 $0x0;
	[sflag:s25] =	ssyncadd.s32 $0xFFFFBA00  }
.LBB2_5:
0x1a1: {  	v10 =	vor.u32 s31, v0  }
0x1a2: {  	v11 =	vor.u32 s31, v2  }
0x1a3: {  	v12 =	vadd.s32 s31, v3  }
0x1a4: {  	v13 =	vadd.s32 s31, v4;
	_ =	sdelay $0x1  }
0x1a5: {  	v14 =	vld.idx.msk [tilespmem:v10+s17+$0x0], $0xffff  }
0x1a6: {  	v15 =	vld.idx.msk [tilespmem:v11+s17+$0x0], $0xffff  }
0x1a7: {  	v16 =	vld.idx.msk [tilespmem:v12+s17+$0x0], $0xffff  }
0x1a8: {  	v17 =	vld.idx.msk [tilespmem:v13+s17+$0x0], $0xffff;
	_ =	sdelay $0x4  }
0x1a9: {  	v18 =	vmax.f32 v14, v15;
	v19 =	vmax.f32 v16, v17  }
0x1aa: {  	v18 =	vmax.f32 v18, v19  }
0x1ab: {  	v18 =	vmax.f32 v18, $0.0e+00  }
0x1ac: {  	v14 =	vsub.f32 v14, v18  }
0x1ad: {  	v15 =	vsub.f32 v15, v18  }
0x1ae: {  	v14 =	vmul.f32 $1.442695020e+00, v14  }
0x1af: {  	v16 =	vsub.f32 v16, v18;
	v15 =	vmul.f32 $1.442695020e+00, v15  }
0x1b0: {  	(erf) = vpow2.f32 v14  }
0x1b1: {  	v56 =	vsub.f32 v17, v18;
	v55 =	vmul.f32 $1.442695020e+00, v16;
	(erf) = vpow2.f32 v15;
	_ =	sdelay $0x1  }
0x1b2: {  	v58 =	vsub.f32 $0.0e+00, v18;
	v57 =	vmul.f32 $1.442695020e+00, v56;
	(erf) = vpow2.f32 v55;
	_ =	sdelay $0x1  }
0x1b3: {  	v59 =	vmul.f32 $1.442695020e+00, v58;
	(erf) = vpow2.f32 v57;
	_ =	sdelay $0x1  }
0x1b4: {  	(erf) = vpow2.f32 v59;
	_ =	sdelay $0x1  }
0x1b5: {  	v60 =	vpop (erf)  }
0x1b6: {  	v61 =	vpop (erf)  }
0x1b7: {  	v62 =	vadd.f32 v61, v60  }
0x1b8: {  	v63 =	vpop (erf)  }
0x1b9: {  	v21 =	vadd.s32 s30, v6;
	v16 =	vadd.f32 v62, v63  }
0x1ba: {  	v32 =	vadd.s32 s30, v5;
	v20 =	vpop (erf)  }
0x1bb: {  	v31 =	vadd.s32 s30, v1;
	v16 =	vadd.f32 v16, v20  }
0x1bc: {  	v22 =	vadd.s32 s30, v7;
	v23 =	vpop (erf)  }
0x1bd: {  	v24 =	vadd.f32 v16, v23  }
0x1be: {  	v25 =	vadd.s32 s30, v8;
	v21 =	vld.idx.msk [tilespmem:v21+s18+$0x0], $0xffff  }
0x1bf: {  	v19 =	vld.idx.msk [tilespmem:v32+s18+$0x0], $0xffff;
	v24 =	vadd.f32 $9.999999930e-09, v24  }
0x1c0: {  	v18 =	vld.idx.msk [tilespmem:v31+s18+$0x0], $0xffff  }
0x1c1: {  	v22 =	vld.idx.msk [tilespmem:v22+s18+$0x0], $0xffff;
	(erf) = vrcp.f32 v24;
	v24 =	vmul.f32 $9.999999930e-09, v24;
	_ =	sdelay $0x1  }
0x1c2: {  	v25 =	vld.idx.msk [tilespmem:v25+s18+$0x0], $0xffff;
	v26 =	vadd.f32 v24, v60;
	v27 =	vadd.f32 v24, v61  }
0x1c3: {  	v28 =	vadd.f32 v24, v63;
	v29 =	vadd.f32 v24, v20  }
0x1c4: {  	v18 =	vmul.f32 v26, v18;
	v19 =	vmul.f32 v27, v19  }
0x1c5: {  	v23 =	vadd.f32 v24, v23;
	v21 =	vmul.f32 v28, v21;
	v22 =	vmul.f32 v29, v22;
	_ =	sdelay $0x1  }
0x1c6: {  	v23 =	vmul.f32 v23, v25;
	v33 =	vmax.f32 v18, v19;
	v34 =	vmax.f32 v21, v22  }
0x1c7: {  	v24 =	vmax.f32 v33, v34  }
0x1c8: {  	s11 =	sadd.s32 $0x20, s31;
	v23 =	vmax.f32 v24, v23;
	v35 =	vpop (erf)  }
0x1c9: {  	v40 =	vor.u32 s11, v2;
	vm0 =	veq.f32 v18, v23;
	v14 =	vmul.f32 v35, v60  }
0x1ca: {  	vm1 =	veq.f32 v19, v23;
	vm2 =	veq.f32 v21, v23;
	v15 =	vmul.f32 v35, v61  }
0x1cb: {  	vm3 =	veq.f32 v22, v23;
	v17 =	vmul.f32 v35, v63;
	v14 =	vnsel vm0, $0x0, v14  }
0x1cc: {  	v37 =	vmul.f32 v35, v20;
	v16 =	vmul.f32 v35, v16;
	v15 =	vnsel vm1, $0x0, v15;
	[tilespmem:v10+s26+$0x0] =	vst.idx.msk $0xffff, v14  }
0x1cd: {  	v42 =	vadd.s32 s11, v3;
	v36 =	vsel vm3, $0x3, v9;
	v38 =	vnsel vm2, $0x0, v17;
	[tilespmem:v11+s26+$0x0] =	vst.idx.msk $0xffff, v15  }
0x1ce: {  	v39 =	vnsel vm3, $0x0, v37;
	v16 =	vmax.f32 v16, $0.0e+00;
	v10 =	vsel vm2, $0x2, v36;
	[tilespmem:v12+s26+$0x0] =	vst.idx.msk $0xffff, v38  }
0x1cf: {  	s2 =	sshra.s32 s31, $0x2;
	v43 =	vadd.s32 s11, v4;
	v41 =	vmin.f32 v16, $1.000000000e+00;
	v10 =	vsel vm1, $0x1, v10;
	[tilespmem:v13+s26+$0x0] =	vst.idx.msk $0xffff, v39  }
0x1d0: {  	v11 =	vor.u32 s11, v0;
	v10 =	vsel vm0, $0x0, v10;
	[tilespmem:s2+$0x17A00] =	vst v41  }
0x1d1: {  	[tilespmem:s2+$0x19600] =	vst v10  }
0x1d2: {  	v15 =	vld.idx.msk [tilespmem:v40+s17+$0x0], $0xffff  }
0x1d3: {  	v44 =	vld.idx.msk [tilespmem:v42+s17+$0x0], $0xffff  }
0x1d4: {  	v45 =	vld.idx.msk [tilespmem:v43+s17+$0x0], $0xffff  }
0x1d5: {  	v10 =	vld.idx.msk [tilespmem:v11+s17+$0x0], $0xffff;
	_ =	sdelay $0x4  }
0x1d6: {  	v47 =	vmax.f32 v44, v45;
	v46 =	vmax.f32 v10, v15  }
0x1d7: {  	v18 =	vmax.f32 v46, v47  }
0x1d8: {  	v18 =	vmax.f32 v18, $0.0e+00  }
0x1d9: {  	v10 =	vsub.f32 v10, v18  }
0x1da: {  	v15 =	vsub.f32 v15, v18  }
0x1db: {  	v10 =	vmul.f32 $1.442695020e+00, v10  }
0x1dc: {  	v16 =	vsub.f32 v44, v18;
	v15 =	vmul.f32 $1.442695020e+00, v15  }
0x1dd: {  	(erf) = vpow2.f32 v10  }
0x1de: {  	v48 =	vsub.f32 v45, v18;
	v10 =	vmul.f32 $1.442695020e+00, v16;
	(erf) = vpow2.f32 v15;
	_ =	sdelay $0x1  }
0x1df: {  	v49 =	vsub.f32 $0.0e+00, v18;
	(erf) = vpow2.f32 v10;
	v10 =	vmul.f32 $1.442695020e+00, v48;
	_ =	sdelay $0x1  }
0x1e0: {  	(erf) = vpow2.f32 v10;
	v10 =	vmul.f32 $1.442695020e+00, v49;
	_ =	sdelay $0x1  }
0x1e1: {  	(erf) = vpow2.f32 v10;
	_ =	sdelay $0x1  }
0x1e2: {  	v10 =	vpop (erf)  }
0x1e3: {  	v50 =	vpop (erf)  }
0x1e4: {  	v51 =	vadd.f32 v50, v10  }
0x1e5: {  	s11 =	sadd.s32 $0x50, s30;
	v52 =	vpop (erf)  }
0x1e6: {  	v54 =	vadd.s32 s11, v5;
	v16 =	vadd.f32 v51, v52  }
0x1e7: {  	v56 =	vadd.s32 s11, v6;
	v55 =	vpop (erf)  }
0x1e8: {  	v53 =	vadd.s32 s11, v1;
	v16 =	vadd.f32 v16, v55  }
0x1e9: {  	v57 =	vadd.s32 s11, v7;
	v58 =	vpop (erf)  }
0x1ea: {  	v59 =	vadd.f32 v16, v58  }
0x1eb: {  	v60 =	vadd.s32 s11, v8;
	v19 =	vld.idx.msk [tilespmem:v54+s18+$0x0], $0xffff  }
0x1ec: {  	v21 =	vld.idx.msk [tilespmem:v56+s18+$0x0], $0xffff;
	v24 =	vadd.f32 $9.999999930e-09, v59  }
0x1ed: {  	v18 =	vld.idx.msk [tilespmem:v53+s18+$0x0], $0xffff  }
0x1ee: {  	v22 =	vld.idx.msk [tilespmem:v57+s18+$0x0], $0xffff;
	(erf) = vrcp.f32 v24;
	v24 =	vmul.f32 $9.999999930e-09, v24;
	_ =	sdelay $0x1  }
0x1ef: {  	v25 =	vld.idx.msk [tilespmem:v60+s18+$0x0], $0xffff;
	v61 =	vadd.f32 v24, v10;
	v62 =	vadd.f32 v24, v50  }
0x1f0: {  	v63 =	vadd.f32 v24, v52;
	v32 =	vadd.f32 v24, v55  }
0x1f1: {  	v18 =	vmul.f32 v61, v18;
	v19 =	vmul.f32 v62, v19  }
0x1f2: {  	v23 =	vadd.f32 v24, v58;
	v21 =	vmul.f32 v63, v21;
	v22 =	vmul.f32 v32, v22;
	_ =	sdelay $0x1  }
0x1f3: {  	v23 =	vmul.f32 v23, v25;
	v33 =	vmax.f32 v18, v19;
	v34 =	vmax.f32 v21, v22  }
0x1f4: {  	v24 =	vmax.f32 v33, v34  }
0x1f5: {  	s11 =	sadd.s32 $0x40, s31;
	v23 =	vmax.f32 v24, v23;
	v35 =	vpop (erf)  }
0x1f6: {  	v38 =	vor.u32 s11, v0;
	vm12 =	veq.f32 v18, v23;
	v10 =	vmul.f32 v35, v10  }
0x1f7: {  	vm13 =	veq.f32 v19, v23;
	vm14 =	veq.f32 v21, v23;
	v15 =	vmul.f32 v35, v50  }
0x1f8: {  	vm15 =	veq.f32 v22, v23;
	v17 =	vmul.f32 v35, v52;
	v10 =	vnsel vm12, $0x0, v10  }
0x1f9: {  	v37 =	vmul.f32 v35, v55;
	v16 =	vmul.f32 v35, v16;
	v15 =	vnsel vm13, $0x0, v15;
	[tilespmem:v11+s26+$0x0] =	vst.idx.msk $0xffff, v10  }
0x1fa: {  	v41 =	vadd.s32 s11, v3;
	v36 =	vsel vm15, $0x3, v9;
	v11 =	vnsel vm14, $0x0, v17;
	[tilespmem:v40+s26+$0x0] =	vst.idx.msk $0xffff, v15  }
0x1fb: {  	v39 =	vnsel vm15, $0x0, v37;
	v16 =	vmax.f32 v16, $0.0e+00;
	v10 =	vsel vm14, $0x2, v36;
	[tilespmem:v42+s26+$0x0] =	vst.idx.msk $0xffff, v11  }
0x1fc: {  	v10 =	vsel vm13, $0x1, v10;
	v40 =	vmin.f32 v16, $1.000000000e+00;
	v11 =	vor.u32 s11, v2;
	[tilespmem:v43+s26+$0x0] =	vst.idx.msk $0xffff, v39  }
0x1fd: {  	v10 =	vsel vm12, $0x0, v10;
	v42 =	vadd.s32 s11, v4;
	[tilespmem:s2+$0x17A10] =	vst v40  }
0x1fe: {  	[tilespmem:s2+$0x19610] =	vst v10  }
0x1ff: {  	v10 =	vld.idx.msk [tilespmem:v38+s17+$0x0], $0xffff  }
0x200: {  	v43 =	vld.idx.msk [tilespmem:v41+s17+$0x0], $0xffff  }
0x201: {  	v15 =	vld.idx.msk [tilespmem:v11+s17+$0x0], $0xffff  }
0x202: {  	v44 =	vld.idx.msk [tilespmem:v42+s17+$0x0], $0xffff;
	_ =	sdelay $0x4  }
0x203: {  	v45 =	vmax.f32 v10, v15;
	v46 =	vmax.f32 v43, v44  }
0x204: {  	v18 =	vmax.f32 v45, v46  }
0x205: {  	v18 =	vmax.f32 v18, $0.0e+00  }
0x206: {  	v10 =	vsub.f32 v10, v18  }
0x207: {  	v15 =	vsub.f32 v15, v18  }
0x208: {  	v10 =	vmul.f32 $1.442695020e+00, v10  }
0x209: {  	v16 =	vsub.f32 v43, v18;
	v15 =	vmul.f32 $1.442695020e+00, v15  }
0x20a: {  	(erf) = vpow2.f32 v10  }
0x20b: {  	v47 =	vsub.f32 v44, v18;
	v10 =	vmul.f32 $1.442695020e+00, v16;
	(erf) = vpow2.f32 v15;
	_ =	sdelay $0x1  }
0x20c: {  	v48 =	vsub.f32 $0.0e+00, v18;
	(erf) = vpow2.f32 v10;
	v10 =	vmul.f32 $1.442695020e+00, v47;
	_ =	sdelay $0x1  }
0x20d: {  	(erf) = vpow2.f32 v10;
	v10 =	vmul.f32 $1.442695020e+00, v48;
	_ =	sdelay $0x1  }
0x20e: {  	(erf) = vpow2.f32 v10;
	_ =	sdelay $0x1  }
0x20f: {  	v10 =	vpop (erf)  }
0x210: {  	v49 =	vpop (erf)  }
0x211: {  	v50 =	vadd.f32 v49, v10  }
0x212: {  	s11 =	sadd.s32 $0xA0, s30;
	v51 =	vpop (erf)  }
0x213: {  	v53 =	vadd.s32 s11, v5;
	v16 =	vadd.f32 v50, v51  }
0x214: {  	v55 =	vadd.s32 s11, v6;
	v54 =	vpop (erf)  }
0x215: {  	v52 =	vadd.s32 s11, v1;
	v16 =	vadd.f32 v16, v54  }
0x216: {  	v56 =	vadd.s32 s11, v7;
	v57 =	vpop (erf)  }
0x217: {  	v58 =	vadd.f32 v16, v57  }
0x218: {  	v59 =	vadd.s32 s11, v8;
	v19 =	vld.idx.msk [tilespmem:v53+s18+$0x0], $0xffff  }
0x219: {  	v21 =	vld.idx.msk [tilespmem:v55+s18+$0x0], $0xffff;
	v24 =	vadd.f32 $9.999999930e-09, v58  }
0x21a: {  	v18 =	vld.idx.msk [tilespmem:v52+s18+$0x0], $0xffff  }
0x21b: {  	v22 =	vld.idx.msk [tilespmem:v56+s18+$0x0], $0xffff;
	(erf) = vrcp.f32 v24;
	v24 =	vmul.f32 $9.999999930e-09, v24;
	_ =	sdelay $0x1  }
0x21c: {  	v25 =	vld.idx.msk [tilespmem:v59+s18+$0x0], $0xffff;
	v60 =	vadd.f32 v24, v10;
	v61 =	vadd.f32 v24, v49  }
0x21d: {  	v62 =	vadd.f32 v24, v51;
	v63 =	vadd.f32 v24, v54  }
0x21e: {  	v18 =	vmul.f32 v60, v18;
	v19 =	vmul.f32 v61, v19  }
0x21f: {  	v23 =	vadd.f32 v24, v57;
	v21 =	vmul.f32 v62, v21;
	v22 =	vmul.f32 v63, v22;
	_ =	sdelay $0x1  }
0x220: {  	v23 =	vmul.f32 v23, v25;
	v32 =	vmax.f32 v18, v19;
	v33 =	vmax.f32 v21, v22  }
0x221: {  	v24 =	vmax.f32 v32, v33  }
0x222: {  	s11 =	sadd.s32 $0x60, s31;
	v23 =	vmax.f32 v24, v23;
	v34 =	vpop (erf)  }
0x223: {  	v39 =	vor.u32 s11, v2;
	vm6 =	veq.f32 v18, v23;
	v10 =	vmul.f32 v34, v10  }
0x224: {  	vm7 =	veq.f32 v19, v23;
	vm8 =	veq.f32 v21, v23;
	v15 =	vmul.f32 v34, v49  }
0x225: {  	v17 =	vmul.f32 v34, v51;
	v16 =	vmul.f32 v34, v16;
	v10 =	vnsel vm6, $0x0, v10  }
0x226: {  	vm9 =	veq.f32 v22, v23;
	v36 =	vmul.f32 v34, v54;
	v15 =	vnsel vm7, $0x0, v15;
	[tilespmem:v38+s26+$0x0] =	vst.idx.msk $0xffff, v10  }
0x227: {  	v35 =	vsel vm9, $0x3, v9;
	v37 =	vnsel vm8, $0x0, v17;
	v16 =	vmax.f32 v16, $0.0e+00;
	[tilespmem:v11+s26+$0x0] =	vst.idx.msk $0xffff, v15  }
0x228: {  	v10 =	vsel vm8, $0x2, v35;
	v38 =	vnsel vm9, $0x0, v36;
	v11 =	vor.u32 s11, v0;
	[tilespmem:v41+s26+$0x0] =	vst.idx.msk $0xffff, v37  }
0x229: {  	v40 =	vmin.f32 v16, $1.000000000e+00;
	v10 =	vsel vm7, $0x1, v10;
	v41 =	vadd.s32 s11, v3;
	[tilespmem:v42+s26+$0x0] =	vst.idx.msk $0xffff, v38  }
0x22a: {  	v10 =	vsel vm6, $0x0, v10;
	v42 =	vadd.s32 s11, v4;
	[tilespmem:s2+$0x17A20] =	vst v40  }
0x22b: {  	[tilespmem:s2+$0x19620] =	vst v10  }
0x22c: {  	v15 =	vld.idx.msk [tilespmem:v39+s17+$0x0], $0xffff  }
0x22d: {  	v10 =	vld.idx.msk [tilespmem:v11+s17+$0x0], $0xffff  }
0x22e: {  	v43 =	vld.idx.msk [tilespmem:v41+s17+$0x0], $0xffff  }
0x22f: {  	v44 =	vld.idx.msk [tilespmem:v42+s17+$0x0], $0xffff;
	_ =	sdelay $0x4  }
0x230: {  	v45 =	vmax.f32 v10, v15;
	v46 =	vmax.f32 v43, v44  }
0x231: {  	v18 =	vmax.f32 v45, v46  }
0x232: {  	v18 =	vmax.f32 v18, $0.0e+00  }
0x233: {  	v10 =	vsub.f32 v10, v18  }
0x234: {  	v15 =	vsub.f32 v15, v18  }
0x235: {  	v10 =	vmul.f32 $1.442695020e+00, v10  }
0x236: {  	v16 =	vsub.f32 v43, v18;
	v15 =	vmul.f32 $1.442695020e+00, v15  }
0x237: {  	(erf) = vpow2.f32 v10  }
0x238: {  	v47 =	vsub.f32 v44, v18;
	v10 =	vmul.f32 $1.442695020e+00, v16;
	(erf) = vpow2.f32 v15;
	_ =	sdelay $0x1  }
0x239: {  	v48 =	vsub.f32 $0.0e+00, v18;
	(erf) = vpow2.f32 v10;
	v10 =	vmul.f32 $1.442695020e+00, v47;
	_ =	sdelay $0x1  }
0x23a: {  	(erf) = vpow2.f32 v10;
	v10 =	vmul.f32 $1.442695020e+00, v48;
	_ =	sdelay $0x1  }
0x23b: {  	(erf) = vpow2.f32 v10;
	_ =	sdelay $0x1  }
0x23c: {  	v10 =	vpop (erf)  }
0x23d: {  	v49 =	vpop (erf)  }
0x23e: {  	v50 =	vadd.f32 v49, v10  }
0x23f: {  	s11 =	sadd.s32 $0xF0, s30;
	v51 =	vpop (erf)  }
0x240: {  	v53 =	vadd.s32 s11, v5;
	v16 =	vadd.f32 v50, v51  }
0x241: {  	v55 =	vadd.s32 s11, v6;
	v54 =	vpop (erf)  }
0x242: {  	v52 =	vadd.s32 s11, v1;
	v16 =	vadd.f32 v16, v54  }
0x243: {  	v56 =	vadd.s32 s11, v7;
	v57 =	vpop (erf)  }
0x244: {  	v58 =	vadd.f32 v16, v57  }
0x245: {  	v59 =	vadd.s32 s11, v8;
	v19 =	vld.idx.msk [tilespmem:v53+s18+$0x0], $0xffff  }
0x246: {  	v21 =	vld.idx.msk [tilespmem:v55+s18+$0x0], $0xffff;
	v24 =	vadd.f32 $9.999999930e-09, v58  }
0x247: {  	v18 =	vld.idx.msk [tilespmem:v52+s18+$0x0], $0xffff  }
0x248: {  	v22 =	vld.idx.msk [tilespmem:v56+s18+$0x0], $0xffff;
	(erf) = vrcp.f32 v24;
	v24 =	vmul.f32 $9.999999930e-09, v24;
	_ =	sdelay $0x1  }
0x249: {  	v25 =	vld.idx.msk [tilespmem:v59+s18+$0x0], $0xffff;
	v60 =	vadd.f32 v24, v10;
	v61 =	vadd.f32 v24, v49  }
0x24a: {  	v62 =	vadd.f32 v24, v51;
	v63 =	vadd.f32 v24, v54  }
0x24b: {  	v18 =	vmul.f32 v60, v18;
	v19 =	vmul.f32 v61, v19  }
0x24c: {  	v23 =	vadd.f32 v24, v57;
	v21 =	vmul.f32 v62, v21;
	v22 =	vmul.f32 v63, v22;
	_ =	sdelay $0x1  }
0x24d: {  	v23 =	vmul.f32 v23, v25;
	v31 =	vmax.f32 v18, v19;
	v32 =	vmax.f32 v21, v22  }
0x24e: {  	v24 =	vmax.f32 v31, v32  }
0x24f: {  	s11 =	sadd.s32 $0x80, s31;
	v23 =	vmax.f32 v24, v23;
	v33 =	vpop (erf)  }
0x250: {  	v36 =	vor.u32 s11, v0;
	vm10 =	veq.f32 v18, v23;
	v10 =	vmul.f32 v33, v10  }
0x251: {  	vm11 =	veq.f32 v19, v23;
	vm12 =	veq.f32 v21, v23;
	v15 =	vmul.f32 v33, v49  }
0x252: {  	vm13 =	veq.f32 v22, v23;
	v17 =	vmul.f32 v33, v51;
	v10 =	vnsel vm10, $0x0, v10  }
0x253: {  	v35 =	vmul.f32 v33, v54;
	v16 =	vmul.f32 v33, v16;
	v15 =	vnsel vm11, $0x0, v15;
	[tilespmem:v11+s26+$0x0] =	vst.idx.msk $0xffff, v10  }
0x254: {  	v40 =	vadd.s32 s11, v4;
	v34 =	vsel vm13, $0x3, v9;
	v11 =	vnsel vm12, $0x0, v17;
	[tilespmem:v39+s26+$0x0] =	vst.idx.msk $0xffff, v15  }
0x255: {  	v37 =	vnsel vm13, $0x0, v35;
	v16 =	vmax.f32 v16, $0.0e+00;
	v10 =	vsel vm12, $0x2, v34;
	[tilespmem:v41+s26+$0x0] =	vst.idx.msk $0xffff, v11  }
0x256: {  	v38 =	vmin.f32 v16, $1.000000000e+00;
	v10 =	vsel vm11, $0x1, v10;
	v39 =	vadd.s32 s11, v3;
	[tilespmem:v42+s26+$0x0] =	vst.idx.msk $0xffff, v37  }
0x257: {  	v11 =	vor.u32 s11, v2;
	v10 =	vsel vm10, $0x0, v10;
	[tilespmem:s2+$0x17A30] =	vst v38  }
0x258: {  	[tilespmem:s2+$0x19630] =	vst v10  }
0x259: {  	v10 =	vld.idx.msk [tilespmem:v36+s17+$0x0], $0xffff  }
0x25a: {  	v42 =	vld.idx.msk [tilespmem:v40+s17+$0x0], $0xffff  }
0x25b: {  	v41 =	vld.idx.msk [tilespmem:v39+s17+$0x0], $0xffff  }
0x25c: {  	v15 =	vld.idx.msk [tilespmem:v11+s17+$0x0], $0xffff;
	_ =	sdelay $0x4  }
0x25d: {  	v44 =	vmax.f32 v41, v42;
	v43 =	vmax.f32 v10, v15  }
0x25e: {  	v18 =	vmax.f32 v43, v44  }
0x25f: {  	v18 =	vmax.f32 v18, $0.0e+00  }
0x260: {  	v10 =	vsub.f32 v10, v18  }
0x261: {  	v15 =	vsub.f32 v15, v18  }
0x262: {  	v10 =	vmul.f32 $1.442695020e+00, v10  }
0x263: {  	v16 =	vsub.f32 v41, v18;
	v15 =	vmul.f32 $1.442695020e+00, v15  }
0x264: {  	(erf) = vpow2.f32 v10  }
0x265: {  	v45 =	vsub.f32 v42, v18;
	v10 =	vmul.f32 $1.442695020e+00, v16;
	(erf) = vpow2.f32 v15;
	_ =	sdelay $0x1  }
0x266: {  	v46 =	vsub.f32 $0.0e+00, v18;
	(erf) = vpow2.f32 v10;
	v10 =	vmul.f32 $1.442695020e+00, v45;
	_ =	sdelay $0x1  }
0x267: {  	(erf) = vpow2.f32 v10;
	v10 =	vmul.f32 $1.442695020e+00, v46;
	_ =	sdelay $0x1  }
0x268: {  	(erf) = vpow2.f32 v10;
	_ =	sdelay $0x1  }
0x269: {  	v10 =	vpop (erf)  }
0x26a: {  	v47 =	vpop (erf)  }
0x26b: {  	v48 =	vadd.f32 v47, v10  }
0x26c: {  	s11 =	sadd.s32 $0x140, s30;
	v49 =	vpop (erf)  }
0x26d: {  	v51 =	vadd.s32 s11, v5;
	v16 =	vadd.f32 v48, v49  }
0x26e: {  	v53 =	vadd.s32 s11, v6;
	v52 =	vpop (erf)  }
0x26f: {  	v50 =	vadd.s32 s11, v1;
	v16 =	vadd.f32 v16, v52  }
0x270: {  	v54 =	vadd.s32 s11, v7;
	v55 =	vpop (erf)  }
0x271: {  	v56 =	vadd.f32 v16, v55  }
0x272: {  	v57 =	vadd.s32 s11, v8;
	v19 =	vld.idx.msk [tilespmem:v51+s18+$0x0], $0xffff  }
0x273: {  	v21 =	vld.idx.msk [tilespmem:v53+s18+$0x0], $0xffff;
	v24 =	vadd.f32 $9.999999930e-09, v56  }
0x274: {  	v18 =	vld.idx.msk [tilespmem:v50+s18+$0x0], $0xffff  }
0x275: {  	v22 =	vld.idx.msk [tilespmem:v54+s18+$0x0], $0xffff;
	(erf) = vrcp.f32 v24;
	v24 =	vmul.f32 $9.999999930e-09, v24;
	_ =	sdelay $0x1  }
0x276: {  	v25 =	vld.idx.msk [tilespmem:v57+s18+$0x0], $0xffff;
	v58 =	vadd.f32 v24, v10;
	v59 =	vadd.f32 v24, v47  }
0x277: {  	v60 =	vadd.f32 v24, v49;
	v61 =	vadd.f32 v24, v52  }
0x278: {  	v18 =	vmul.f32 v58, v18;
	v19 =	vmul.f32 v59, v19  }
0x279: {  	v23 =	vadd.f32 v24, v55;
	v21 =	vmul.f32 v60, v21;
	v22 =	vmul.f32 v61, v22;
	_ =	sdelay $0x1  }
0x27a: {  	v23 =	vmul.f32 v23, v25;
	v62 =	vmax.f32 v18, v19;
	v63 =	vmax.f32 v21, v22  }
0x27b: {  	v24 =	vmax.f32 v62, v63  }
0x27c: {  	s11 =	sadd.s32 $0xA0, s31;
	v23 =	vmax.f32 v24, v23;
	v28 =	vpop (erf)  }
0x27d: {  	v33 =	vor.u32 s11, v2;
	vm14 =	veq.f32 v18, v23;
	v10 =	vmul.f32 v28, v10  }
0x27e: {  	vm15 =	veq.f32 v19, v23;
	vm6 =	veq.f32 v21, v23;
	v15 =	vmul.f32 v28, v47  }
0x27f: {  	vm7 =	veq.f32 v22, v23;
	v17 =	vmul.f32 v28, v49;
	v10 =	vnsel vm14, $0x0, v10  }
0x280: {  	v30 =	vmul.f32 v28, v52;
	v16 =	vmul.f32 v28, v16;
	v15 =	vnsel vm15, $0x0, v15;
	[tilespmem:v36+s26+$0x0] =	vst.idx.msk $0xffff, v10  }
0x281: {  	v35 =	vadd.s32 s11, v3;
	v29 =	vsel vm7, $0x3, v9;
	v31 =	vnsel vm6, $0x0, v17;
	[tilespmem:v11+s26+$0x0] =	vst.idx.msk $0xffff, v15  }
0x282: {  	v32 =	vnsel vm7, $0x0, v30;
	v16 =	vmax.f32 v16, $0.0e+00;
	v10 =	vsel vm6, $0x2, v29;
	[tilespmem:v39+s26+$0x0] =	vst.idx.msk $0xffff, v31  }
0x283: {  	v34 =	vmin.f32 v16, $1.000000000e+00;
	v36 =	vadd.s32 s11, v4;
	v10 =	vsel vm15, $0x1, v10;
	[tilespmem:v40+s26+$0x0] =	vst.idx.msk $0xffff, v32  }
0x284: {  	v11 =	vor.u32 s11, v0;
	v10 =	vsel vm14, $0x0, v10;
	[tilespmem:s2+$0x17A40] =	vst v34  }
0x285: {  	[tilespmem:s2+$0x19640] =	vst v10  }
0x286: {  	v15 =	vld.idx.msk [tilespmem:v33+s17+$0x0], $0xffff  }
0x287: {  	v37 =	vld.idx.msk [tilespmem:v35+s17+$0x0], $0xffff  }
0x288: {  	v38 =	vld.idx.msk [tilespmem:v36+s17+$0x0], $0xffff  }
0x289: {  	v10 =	vld.idx.msk [tilespmem:v11+s17+$0x0], $0xffff;
	_ =	sdelay $0x4  }
0x28a: {  	v40 =	vmax.f32 v37, v38;
	v39 =	vmax.f32 v10, v15  }
0x28b: {  	v18 =	vmax.f32 v39, v40  }
0x28c: {  	v18 =	vmax.f32 v18, $0.0e+00  }
0x28d: {  	v10 =	vsub.f32 v10, v18  }
0x28e: {  	v15 =	vsub.f32 v15, v18  }
0x28f: {  	v10 =	vmul.f32 $1.442695020e+00, v10  }
0x290: {  	v16 =	vsub.f32 v37, v18;
	v15 =	vmul.f32 $1.442695020e+00, v15  }
0x291: {  	(erf) = vpow2.f32 v10  }
0x292: {  	v41 =	vsub.f32 v38, v18;
	v10 =	vmul.f32 $1.442695020e+00, v16;
	(erf) = vpow2.f32 v15;
	_ =	sdelay $0x1  }
0x293: {  	v42 =	vsub.f32 $0.0e+00, v18;
	(erf) = vpow2.f32 v10;
	v10 =	vmul.f32 $1.442695020e+00, v41;
	_ =	sdelay $0x1  }
0x294: {  	(erf) = vpow2.f32 v10;
	v10 =	vmul.f32 $1.442695020e+00, v42;
	_ =	sdelay $0x1  }
0x295: {  	(erf) = vpow2.f32 v10;
	_ =	sdelay $0x1  }
0x296: {  	v10 =	vpop (erf)  }
0x297: {  	v43 =	vpop (erf)  }
0x298: {  	v44 =	vadd.f32 v43, v10  }
0x299: {  	s11 =	sadd.s32 $0x190, s30;
	v45 =	vpop (erf)  }
0x29a: {  	v47 =	vadd.s32 s11, v5;
	v16 =	vadd.f32 v44, v45  }
0x29b: {  	v49 =	vadd.s32 s11, v6;
	v48 =	vpop (erf)  }
0x29c: {  	v46 =	vadd.s32 s11, v1;
	v16 =	vadd.f32 v16, v48  }
0x29d: {  	v50 =	vadd.s32 s11, v7;
	v51 =	vpop (erf)  }
0x29e: {  	v52 =	vadd.f32 v16, v51  }
0x29f: {  	v53 =	vadd.s32 s11, v8;
	v19 =	vld.idx.msk [tilespmem:v47+s18+$0x0], $0xffff  }
0x2a0: {  	v21 =	vld.idx.msk [tilespmem:v49+s18+$0x0], $0xffff;
	v24 =	vadd.f32 $9.999999930e-09, v52  }
0x2a1: {  	v18 =	vld.idx.msk [tilespmem:v46+s18+$0x0], $0xffff  }
0x2a2: {  	v22 =	vld.idx.msk [tilespmem:v50+s18+$0x0], $0xffff;
	(erf) = vrcp.f32 v24;
	v24 =	vmul.f32 $9.999999930e-09, v24;
	_ =	sdelay $0x1  }
0x2a3: {  	v25 =	vld.idx.msk [tilespmem:v53+s18+$0x0], $0xffff;
	v54 =	vadd.f32 v24, v10;
	v55 =	vadd.f32 v24, v43  }
0x2a4: {  	v56 =	vadd.f32 v24, v45;
	v57 =	vadd.f32 v24, v48  }
0x2a5: {  	v18 =	vmul.f32 v54, v18;
	v19 =	vmul.f32 v55, v19  }
0x2a6: {  	v23 =	vadd.f32 v24, v51;
	v21 =	vmul.f32 v56, v21;
	v22 =	vmul.f32 v57, v22;
	_ =	sdelay $0x1  }
0x2a7: {  	v23 =	vmul.f32 v23, v25;
	v58 =	vmax.f32 v18, v19;
	v59 =	vmax.f32 v21, v22  }
0x2a8: {  	v24 =	vmax.f32 v58, v59  }
0x2a9: {  	s11 =	sadd.s32 $0xC0, s31;
	v23 =	vmax.f32 v24, v23;
	v60 =	vpop (erf)  }
0x2aa: {  	v63 =	vor.u32 s11, v0;
	vm8 =	veq.f32 v18, v23;
	v10 =	vmul.f32 v60, v10  }
0x2ab: {  	vm9 =	veq.f32 v19, v23;
	vm10 =	veq.f32 v21, v23;
	v15 =	vmul.f32 v60, v43  }
0x2ac: {  	vm11 =	veq.f32 v22, v23;
	v17 =	vmul.f32 v60, v45;
	v10 =	vnsel vm8, $0x0, v10  }
0x2ad: {  	v62 =	vmul.f32 v60, v48;
	v16 =	vmul.f32 v60, v16;
	v15 =	vnsel vm9, $0x0, v15;
	[tilespmem:v11+s26+$0x0] =	vst.idx.msk $0xffff, v10  }
0x2ae: {  	v34 =	vadd.s32 s11, v3;
	v61 =	vsel vm11, $0x3, v9;
	v11 =	vnsel vm10, $0x0, v17;
	[tilespmem:v33+s26+$0x0] =	vst.idx.msk $0xffff, v15  }
0x2af: {  	v32 =	vnsel vm11, $0x0, v62;
	v16 =	vmax.f32 v16, $0.0e+00;
	v10 =	vsel vm10, $0x2, v61;
	[tilespmem:v35+s26+$0x0] =	vst.idx.msk $0xffff, v11  }
0x2b0: {  	v10 =	vsel vm9, $0x1, v10;
	v33 =	vmin.f32 v16, $1.000000000e+00;
	v11 =	vor.u32 s11, v2;
	[tilespmem:v36+s26+$0x0] =	vst.idx.msk $0xffff, v32  }
0x2b1: {  	v10 =	vsel vm8, $0x0, v10;
	v35 =	vadd.s32 s11, v4;
	[tilespmem:s2+$0x17A50] =	vst v33  }
0x2b2: {  	[tilespmem:s2+$0x19650] =	vst v10  }
0x2b3: {  	v10 =	vld.idx.msk [tilespmem:v63+s17+$0x0], $0xffff  }
0x2b4: {  	v36 =	vld.idx.msk [tilespmem:v34+s17+$0x0], $0xffff  }
0x2b5: {  	v15 =	vld.idx.msk [tilespmem:v11+s17+$0x0], $0xffff  }
0x2b6: {  	v37 =	vld.idx.msk [tilespmem:v35+s17+$0x0], $0xffff;
	_ =	sdelay $0x4  }
0x2b7: {  	v38 =	vmax.f32 v10, v15;
	v39 =	vmax.f32 v36, v37  }
0x2b8: {  	v18 =	vmax.f32 v38, v39  }
0x2b9: {  	v18 =	vmax.f32 v18, $0.0e+00  }
0x2ba: {  	v10 =	vsub.f32 v10, v18  }
0x2bb: {  	v15 =	vsub.f32 v15, v18  }
0x2bc: {  	v10 =	vmul.f32 $1.442695020e+00, v10  }
0x2bd: {  	v16 =	vsub.f32 v36, v18;
	v15 =	vmul.f32 $1.442695020e+00, v15  }
0x2be: {  	(erf) = vpow2.f32 v10  }
0x2bf: {  	v40 =	vsub.f32 v37, v18;
	v10 =	vmul.f32 $1.442695020e+00, v16;
	(erf) = vpow2.f32 v15;
	_ =	sdelay $0x1  }
0x2c0: {  	v41 =	vsub.f32 $0.0e+00, v18;
	(erf) = vpow2.f32 v10;
	v10 =	vmul.f32 $1.442695020e+00, v40;
	_ =	sdelay $0x1  }
0x2c1: {  	(erf) = vpow2.f32 v10;
	v10 =	vmul.f32 $1.442695020e+00, v41;
	_ =	sdelay $0x1  }
0x2c2: {  	(erf) = vpow2.f32 v10;
	_ =	sdelay $0x1  }
0x2c3: {  	v10 =	vpop (erf)  }
0x2c4: {  	v42 =	vpop (erf)  }
0x2c5: {  	v43 =	vadd.f32 v42, v10  }
0x2c6: {  	s11 =	sadd.s32 $0x1E0, s30;
	v44 =	vpop (erf)  }
0x2c7: {  	v47 =	vadd.s32 s11, v5;
	v16 =	vadd.f32 v43, v44  }
0x2c8: {  	v48 =	vadd.s32 s11, v6;
	v46 =	vpop (erf)  }
0x2c9: {  	v45 =	vadd.s32 s11, v1;
	v16 =	vadd.f32 v16, v46  }
0x2ca: {  	v49 =	vadd.s32 s11, v7;
	v50 =	vpop (erf)  }
0x2cb: {  	v51 =	vadd.f32 v16, v50  }
0x2cc: {  	v52 =	vadd.s32 s11, v8;
	v20 =	vld.idx.msk [tilespmem:v47+s18+$0x0], $0xffff  }
0x2cd: {  	v21 =	vld.idx.msk [tilespmem:v48+s18+$0x0], $0xffff;
	v24 =	vadd.f32 $9.999999930e-09, v51  }
0x2ce: {  	v18 =	vld.idx.msk [tilespmem:v45+s18+$0x0], $0xffff  }
0x2cf: {  	v22 =	vld.idx.msk [tilespmem:v49+s18+$0x0], $0xffff;
	(erf) = vrcp.f32 v24;
	v24 =	vmul.f32 $9.999999930e-09, v24;
	_ =	sdelay $0x1  }
0x2d0: {  	v25 =	vld.idx.msk [tilespmem:v52+s18+$0x0], $0xffff;
	v53 =	vadd.f32 v24, v10;
	v54 =	vadd.f32 v24, v42  }
0x2d1: {  	v55 =	vadd.f32 v24, v44;
	v56 =	vadd.f32 v24, v46  }
0x2d2: {  	v18 =	vmul.f32 v53, v18;
	v20 =	vmul.f32 v54, v20  }
0x2d3: {  	v23 =	vadd.f32 v24, v50;
	v21 =	vmul.f32 v55, v21;
	v22 =	vmul.f32 v56, v22;
	_ =	sdelay $0x1  }
0x2d4: {  	v23 =	vmul.f32 v23, v25;
	v57 =	vmax.f32 v18, v20;
	v58 =	vmax.f32 v21, v22  }
0x2d5: {  	v24 =	vmax.f32 v57, v58  }
0x2d6: {  	v23 =	vmax.f32 v24, v23;
	v59 =	vpop (erf)  }
0x2d7: {  	vm12 =	veq.f32 v18, v23;
	v10 =	vmul.f32 v59, v10  }
0x2d8: {  	vm13 =	veq.f32 v20, v23;
	vm14 =	veq.f32 v21, v23;
	v15 =	vmul.f32 v59, v42  }
0x2d9: {  	vm15 =	veq.f32 v22, v23;
	v17 =	vmul.f32 v59, v44;
	v10 =	vnsel vm12, $0x0, v10  }
0x2da: {  	p1 =	sne.s32 s31, $0x3640;
	v60 =	vmul.f32 v59, v46;
	v16 =	vmul.f32 v59, v16;
	v15 =	vnsel vm13, $0x0, v15;
	[tilespmem:v63+s26+$0x0] =	vst.idx.msk $0xffff, v10  }
.Ltmp3:
0x2db: {  	v61 =	vnsel vm14, $0x0, v17;
	v10 =	vsel vm15, $0x3, v9;
	[tilespmem:v11+s26+$0x0] =	vst.idx.msk $0xffff, v15;
	(pc) =	sbr.rel @p1 .LBB2_5-.Ltmp3, $4  }
0x2dc: {  	v62 =	vmax.f32 v16, $0.0e+00;
	v10 =	vsel vm14, $0x2, v10;
	v11 =	vnsel vm15, $0x0, v60;
	[tilespmem:v34+s26+$0x0] =	vst.idx.msk $0xffff, v61  }
0x2dd: {  	v63 =	vmin.f32 v62, $1.000000000e+00;
	v10 =	vsel vm13, $0x1, v10;
	[tilespmem:v35+s26+$0x0] =	vst.idx.msk $0xffff, v11  }
0x2de: {  	v10 =	vsel vm12, $0x0, v10;
	[tilespmem:s2+$0x17A60] =	vst v63  }
0x2df: {  	s31 =	sadd.s32 $0x1C0, s31;
	s30 =	sadd.s32 $0x230, s30;
	[tilespmem:s2+$0x19660] =	vst v10  }
0x2e0: {  	s2 =	sadd.s32 s15, s5  }
0x2e1: {  	s2 =	sadd.s32 $0x20, s2  }
0x2e2: {  	s11 =	smul.u32 $0x38, s2;
	_ =	sdelay $0x1  }
0x2e3: {  	s2 =	smul.u32 $0xE, s2;
	s11 =	sadd.s32 s7, s11  }
0x2e4: {  	[hbm4b:s11+s4] =	stream.linear.scatter [tilespmem:s26], [sflag:$0x6], $0x3800, $0x38;
	[tilespmem:$0x1A400] =	vst v63  }
.Ltmp4:
0x2e5: {  	_ = 	snop;
	(pc) =	sbr.rel @p0 .LBB2_8-.Ltmp4, $4  }
0x2e6: {  	s31 =	sadd.s32 s3, s2  }
0x2e7: {  	[hbm4b:s31+s4] =	stream.linear.scatter [tilespmem:s28], [sflag:$0x8], $0xE00, $0x38;
	[tilespmem:$0x1A400] =	vst v63  }
0x2e8: {  	s2 =	sadd.s32 s8, s2  }
0x2e9: {  	[hbm4b:s2+s4] =	stream.linear.scatter [tilespmem:s29], [sflag:$0xA], $0xE00, $0x38;
	[tilespmem:$0x1A400] =	vst v63  }
0x2ea: {  	s2 =	sadd.s32 s15, s14  }
0x2eb: {  	s11 =	smul.u32 $0x38, s2  }
.Ltmp5:
0x2ec: {  	_ = 	snop;
	(pc) =	sbr.rel .LBB2_2-.Ltmp5, $4  }
0x2ed: {  	s2 =	smul.u32 $0x46, s2;
	s11 =	sadd.s32 s1, s11  }
0x2ee: {  	[tilespmem:s17], [sflag:$0x2] =	stream.linear.gather [hbm4b:s11+s4], $0x3800, $0x38;
	[tilespmem:$0x1A400] =	vst v63  }
0x2ef: {  	s12 =	sadd.s32 $0x1, s12;
	s2 =	sadd.s32 s6, s2  }
0x2f0: {  	[tilespmem:s18], [sflag:$0x4] =	stream.linear.gather [hbm4b:s2+s4], $0x4600, $0x38;
	[tilespmem:$0x1A400] =	vst v63  }
.LBB2_9:
0x2f1: {  	_ =	sfence.sel $0x180000  }
0x2f2: {  	[bflag:$0x0] =	sbarrier.arrive $0xFFFF  }
0x2f3: {  	_ =	strace $0x90000047  }
0x2f4: {  	s0 =	stileid.u32;
	[bflag:$0x2] =	sbarrier.arrive $0xFFFF  }
0x2f5: {  	p0 =	sne.s32 s0, $0x0;
	s0 =	rddreg [dreg:$0x3]  }
0x2f6: {  	s0 =	sadd.s32 @!p0 $0x100000, s0  }
0x2f7: {  	[sflag:s0] =	ssyncadd.tile.s32 @!p0 $0x1;
	_ =	shalt  }
.Lfunc_end2:
_tile_overlayer_lowered:
.L_overlay_start_2:
0x2f8: {  	(tag) =	ssettag $0x2  }
0x2f9: {  	s0 =	rddreg [dreg:$0x0];
	s2 =	stileid.u32  }
0x2fa: {  	s1 =	rddreg [dreg:$0x1];
	p0 =	sne.s32 s2, $0x0  }
0x2fb: {  	s3 =	rddreg [dreg:$0x2];
	[bflag:$0x3] =	sbarrier.arrive $0xFFFF;
	s2 =	simm.s32 @!p0 $0x1C0B  }
0x2fc: {  	[timem:s3], [sflag:s2] =	dma.local @!p0 [hbm:s0], s1  }
0x2fd: {  	s0 =	simm.s32 @!p0 $0xB  }
0x2fe: {  	_ =	swait.ge @!p0 [sflag:s0], s1  }
0x2ff: {  	s1 =	ssub.s32 @!p0 $0x0, s1;
	[sflag:s0] =	ssyncset.done @!p0 $0x0  }
0x300: {  	[sflag:s0] =	ssyncadd.s32 @!p0 s1  }
0x301: {  	[bflag:$0x3] =	sbarrier.arrive $0xFFFF  }
0x302: {  	_ =	shalt  }

</sc_bundles>
